<compile_context>
chip_gen: v7x
topology: tpu7x:2x2x1
jax: 0.10.2.dev20260603
libtpu: 0.0.44.dev20260713+nightly
codegen_flags: <defaults>
</compile_context>

<pallas_src>
import functools

import jax
import jax.numpy as jnp
from jax import lax
from jax.experimental import pallas as pl
from jax.experimental.pallas import tpu as pltpu
from jax.experimental.pallas import tpu_sc as plsc

N = 10000
D = 128
NP = 10112
NC = 2
NS = 16
NW = NC * NS
CH = 128
E = 320000
SB = 16
NCH = 80
TCH = NCH * NW
EPT = NCH * CH
EP = EPT * NW
NSB = NCH // SB
STR = NP // NS
DW = 16

import numpy as _np
_PAD_IDX = _np.arange(EP - E, dtype=_np.int32)
_PAD_SRC = _PAD_IDX * 977 % N
_PAD_DST = N + _PAD_IDX % (NP - N)
RB = 1000


def _deg_body(dstp_hbm, ones_hbm, zero_hbm, out_hbm, idx_d, ones_v, acc):
    c = lax.axis_index("c")
    s = lax.axis_index("s")
    t = c * NS + s
    pltpu.sync_copy(dstp_hbm.at[t], idx_d)
    pltpu.sync_copy(ones_hbm, ones_v)
    pltpu.sync_copy(zero_hbm.at[s], acc.at[pl.ds(s * STR, STR)])
    plsc.subcore_barrier()

    def body(ch, _):
        pltpu.sync_copy(ones_v, acc.at[idx_d.at[ch]], add=True)
        return ()

    lax.fori_loop(0, NCH, body, ())
    plsc.subcore_barrier()
    pltpu.sync_copy(acc.at[pl.ds(s * STR, STR)], out_hbm.at[c, s])


@functools.cache
def _deg_call_fn():
    return functools.partial(
        pl.kernel,
        out_type=jax.ShapeDtypeStruct((NC, NS, STR, DW), jnp.float32),
        mesh=plsc.VectorSubcoreMesh(core_axis_name="c", subcore_axis_name="s"),
        scratch_types=[
            pltpu.VMEM((NCH, CH), jnp.int32),
            pltpu.VMEM((CH, DW), jnp.float32),
            pltpu.VMEM_SHARED((NP, DW), jnp.float32),
        ],
        compiler_params=pltpu.CompilerParams(use_tc_tiling_on_sc=False),
    )(_deg_body)


def _deg_call(*args):
    return _deg_call_fn()(*args)


def _segsum_body(xs_hbm, srcp_hbm, dstp_hbm, zero_hbm, out_hbm,
                 idx_s, idx_d, rows0, rows1, sem0, sem1, acc):
    c = lax.axis_index("c")
    s = lax.axis_index("s")
    base = (c * NS + s) * NCH
    pltpu.sync_copy(zero_hbm.at[pl.ds(s * STR, STR)],
                    acc.at[pl.ds(s * STR, STR)])
    plsc.subcore_barrier()

    def sb_body(sb, _):
        pltpu.sync_copy(srcp_hbm.at[pl.ds(base + sb * SB, SB)], idx_s)
        pltpu.sync_copy(dstp_hbm.at[pl.ds(base + sb * SB, SB)], idx_d)
        pltpu.async_copy(xs_hbm.at[idx_s.at[0]], rows0, sem0)

        def pair_body(i, _):
            ch = i * 2
            pltpu.make_async_copy(xs_hbm.at[idx_s.at[ch]], rows0,
                                  sem0).wait()
            pltpu.async_copy(xs_hbm.at[idx_s.at[ch + 1]], rows1, sem1)
            pltpu.sync_copy(rows0, acc.at[idx_d.at[ch]], add=True)

            pltpu.make_async_copy(xs_hbm.at[idx_s.at[ch + 1]], rows1,
                                  sem1).wait()
            pltpu.async_copy(xs_hbm.at[idx_s.at[ch + 2]], rows0, sem0)
            pltpu.sync_copy(rows1, acc.at[idx_d.at[ch + 1]], add=True)
            return ()

        lax.fori_loop(0, SB // 2 - 1, pair_body, ())
        pltpu.make_async_copy(xs_hbm.at[idx_s.at[SB - 2]], rows0,
                              sem0).wait()
        pltpu.async_copy(xs_hbm.at[idx_s.at[SB - 1]], rows1, sem1)
        pltpu.sync_copy(rows0, acc.at[idx_d.at[SB - 2]], add=True)
        pltpu.make_async_copy(xs_hbm.at[idx_s.at[SB - 1]], rows1,
                              sem1).wait()
        pltpu.sync_copy(rows1, acc.at[idx_d.at[SB - 1]], add=True)
        return ()

    lax.fori_loop(0, NSB, sb_body, ())
    plsc.subcore_barrier()
    pltpu.sync_copy(acc.at[pl.ds(s * STR, STR)],
                    out_hbm.at[c, pl.ds(s * STR, STR)])


@functools.cache
def _segsum_call_fn():
    return functools.partial(
        pl.kernel,
        out_type=jax.ShapeDtypeStruct((NC, NP, D), jnp.float32),
        mesh=plsc.VectorSubcoreMesh(core_axis_name="c", subcore_axis_name="s"),
        scratch_types=[
            pltpu.VMEM((SB, CH), jnp.int32),
            pltpu.VMEM((SB, CH), jnp.int32),
            pltpu.VMEM((CH, D), jnp.float32),
            pltpu.VMEM((CH, D), jnp.float32),
            pltpu.SemaphoreType.DMA,
            pltpu.SemaphoreType.DMA,
            pltpu.VMEM_SHARED((NP, D), jnp.float32),
        ],
    )(_segsum_body)


def _segsum_call(*args):
    return _segsum_call_fn()(*args)


def _tc1a_body(rep_ref, w1_ref, xw_ref):
    xw_ref[...] = jnp.dot(rep_ref[...], w1_ref[...],
                          preferred_element_type=jnp.float32)


def _tc1a(rep, w1):
    return pl.pallas_call(
        _tc1a_body,
        grid=(N // RB,),
        in_specs=[
            pl.BlockSpec((RB, D), lambda i: (i, 0)),
            pl.BlockSpec((D, D), lambda i: (0, 0)),
        ],
        out_specs=pl.BlockSpec((RB, D), lambda i: (i, 0)),
        out_shape=jax.ShapeDtypeStruct((N, D), jnp.float32),
    )(rep, w1)


def _dinv_of(degp_ref):
    cnt = (degp_ref[0] + degp_ref[1])[:, 0:1]
    return lax.rsqrt(cnt + 2.0)


def _tc1b_body(degp_ref, xw_ref, xs_ref):
    xs_ref[...] = xw_ref[...] * _dinv_of(degp_ref)


def _tc1b(degp, xw):
    return pl.pallas_call(
        _tc1b_body,
        grid=(N // RB,),
        in_specs=[
            pl.BlockSpec((NC, RB, DW), lambda i: (0, i, 0)),
            pl.BlockSpec((RB, D), lambda i: (i, 0)),
        ],
        out_specs=pl.BlockSpec((RB, D), lambda i: (i, 0)),
        out_shape=jax.ShapeDtypeStruct((N, D), jnp.float32),
    )(degp, xw)


def _tc2_body(accp_ref, xs_ref, degp_ref, b_ref, w_ref, xs2_ref):
    acc = accp_ref[0] + accp_ref[1]
    dinv = _dinv_of(degp_ref)
    h = jnp.maximum(dinv * (acc + 2.0 * xs_ref[...]) + b_ref[...][None, :], 0.0)
    xs2_ref[...] = jnp.dot(h, w_ref[...],
                           preferred_element_type=jnp.float32) * dinv


def _tc2(accp, xs, degp, b, w):
    return pl.pallas_call(
        _tc2_body,
        grid=(N // RB,),
        in_specs=[
            pl.BlockSpec((NC, RB, D), lambda i: (0, i, 0)),
            pl.BlockSpec((RB, D), lambda i: (i, 0)),
            pl.BlockSpec((NC, RB, DW), lambda i: (0, i, 0)),
            pl.BlockSpec((D,), lambda i: (0,)),
            pl.BlockSpec((D, D), lambda i: (0, 0)),
        ],
        out_specs=pl.BlockSpec((RB, D), lambda i: (i, 0)),
        out_shape=jax.ShapeDtypeStruct((N, D), jnp.float32),
    )(accp, xs, degp, b, w)


def _tc3_body(accp_ref, xs2_ref, degp_ref, b2_ref, rep_ref, wl1a_ref,
              wl1b_ref, bl1_ref, wl2_ref, bl2_ref, u_ref,
              prob_ref, samp_ref):
    acc = accp_ref[0] + accp_ref[1]
    dinv = _dinv_of(degp_ref)
    h2 = jnp.maximum(dinv * (acc + 2.0 * xs2_ref[...]) + b2_ref[...][None, :],
                     0.0)
    z = jnp.dot(rep_ref[...], wl1a_ref[...], preferred_element_type=jnp.float32)
    z = z + jnp.dot(h2, wl1b_ref[...], preferred_element_type=jnp.float32)
    z = jnp.maximum(z + bl1_ref[...][None, :], 0.0)
    logit = jnp.dot(z, wl2_ref[...],
                    preferred_element_type=jnp.float32) + bl2_ref[0, 0]
    p = 1.0 / (1.0 + jnp.exp(-logit))
    u0 = u_ref[:, 0:1]
    u1 = u_ref[:, 1:2]
    g0 = -jnp.log(-jnp.log(u0))
    g1 = -jnp.log(-jnp.log(u1))
    prob_ref[...] = p
    samp_ref[...] = jnp.where(p + g1 > 1.0 - p + g0, 1.0, 0.0)


def _tc3(accp, xs2, degp, b2, rep, wl1a, wl1b, bl1, wl2, bl2, u):
    return pl.pallas_call(
        _tc3_body,
        grid=(N // RB,),
        in_specs=[
            pl.BlockSpec((NC, RB, D), lambda i: (0, i, 0)),
            pl.BlockSpec((RB, D), lambda i: (i, 0)),
            pl.BlockSpec((NC, RB, DW), lambda i: (0, i, 0)),
            pl.BlockSpec((D,), lambda i: (0,)),
            pl.BlockSpec((RB, D), lambda i: (i, 0)),
            pl.BlockSpec((D, 64), lambda i: (0, 0)),
            pl.BlockSpec((D, 64), lambda i: (0, 0)),
            pl.BlockSpec((64,), lambda i: (0,)),
            pl.BlockSpec((64, 1), lambda i: (0, 0)),
            pl.BlockSpec((1, 1), lambda i: (0, 0)),
            pl.BlockSpec((RB, 2), lambda i: (i, 0)),
        ],
        out_specs=[
            pl.BlockSpec((RB, 1), lambda i: (i, 0)),
            pl.BlockSpec((RB, 1), lambda i: (i, 0)),
        ],
        out_shape=[
            jax.ShapeDtypeStruct((N, 1), jnp.float32),
            jax.ShapeDtypeStruct((N, 1), jnp.float32),
        ],
    )(accp, xs2, degp, b2, rep, wl1a, wl1b, bl1, wl2, bl2, u)


def kernel(rep, edge_index, W1, b1, W2, b2, Wl1, bl1, Wl2, bl2):
    src = edge_index[0]
    dst = edge_index[1]
    srcp = jnp.concatenate([src, _PAD_SRC]).reshape(TCH, CH)
    dstp = jnp.concatenate([dst, _PAD_DST]).reshape(TCH, CH)

    ones_dw = jnp.ones((CH, DW), jnp.float32)
    zeros_dw = jnp.zeros((NS, STR, DW), jnp.float32)
    zeros_d = jnp.zeros((NP, D), jnp.float32)

    degp = _deg_call(dstp.reshape(NW, NCH, CH), ones_dw,
                     zeros_dw).reshape(NC, NP, DW)
    xw1 = _tc1a(rep, W1)
    xs1 = _tc1b(degp, xw1)
    acc1p = _segsum_call(xs1, srcp, dstp, zeros_d)
    xs2 = _tc2(acc1p, xs1, degp, b1, W2)
    acc2p = _segsum_call(xs2, srcp, dstp, zeros_d)

    u = jax.random.uniform(jax.random.key(1234), (N, 2),
                           minval=1e-8, maxval=1.0)
    wl1a = Wl1[:D]
    wl1b = Wl1[D:]
    prob, samp = _tc3(acc2p, xs2, degp, b2, rep, wl1a, wl1b, bl1, Wl2,
                      bl2.reshape(1, 1), u)
    return (prob.reshape(N), samp.reshape(N))

# --- scband reference (transcript-rebuilt; emitter-appended) ---
"""Pipeline reference for scband-graph-new-policy-network-33827162423529 (READ-ONLY COPY).

The authoritative reference and input builder live on the scoring server;
editing this copy changes nothing except your own understanding.
"""

import jax, jax.numpy as jnp
import numpy as np

N = 10000
E = 320000
D = 128
H1 = 128
H2 = 128
IND = 64

def _xavier(key, fan_in, fan_out):
    limit = float(np.sqrt(6.0 / (fan_in + fan_out)))
    return jax.random.uniform(key, (fan_in, fan_out), dtype=jnp.float32, minval=-limit, maxval=limit)

def setup_inputs(seed: int = 0) -> dict:
    key = jax.random.key(seed)
    ks = jax.random.split(key, 12)
    rep = jax.random.normal(ks[0], (N, D), dtype=jnp.float32)
    edge_index = jax.random.randint(ks[1], (2, E), 0, N, dtype=jnp.int32)
    W1 = _xavier(ks[2], D, H1)
    b1 = jnp.zeros((H1,), dtype=jnp.float32)
    W2 = _xavier(ks[3], H1, H2)
    b2 = jnp.zeros((H2,), dtype=jnp.float32)
    Wl1 = _xavier(ks[4], H2 + D, IND)
    bl1 = jnp.zeros((IND,), dtype=jnp.float32)
    Wl2 = _xavier(ks[5], IND, 1)
    bl2 = jnp.zeros((1,), dtype=jnp.float32)
    return {"rep": rep, "edge_index": edge_index, "W1": W1, "b1": b1, "W2": W2, "b2": b2, "Wl1": Wl1, "bl1": bl1, "Wl2": Wl2, "bl2": bl2}

def _gcn_improved(x, edge_index, W, b):
    # GCNConv with improved=True: A_hat = A + 2I, symmetric normalization
    src = edge_index[0]
    dst = edge_index[1]
    n = x.shape[0]
    deg = jnp.zeros((n,), dtype=x.dtype).at[dst].add(1.0) + 2.0  # self-loop weight 2
    dinv = jax.lax.rsqrt(deg)
    xw = x @ W
    coef = dinv[src] * dinv[dst]
    msg = xw[src] * coef[:, None]
    out = jnp.zeros_like(xw).at[dst].add(msg)
    out = out + (2.0 * dinv * dinv)[:, None] * xw  # self loops
    return out + b

def _gumbel_softmax_hard(logits, key, tau=1.0):
    u = jax.random.uniform(key, logits.shape, minval=1e-8, maxval=1.0)
    g = -jnp.log(-jnp.log(u))
    y_soft = jax.nn.softmax((logits + g) / tau, axis=1)
    idx = jnp.argmax(y_soft, axis=1)
    y_hard = jax.nn.one_hot(idx, logits.shape[1], dtype=logits.dtype)
    return y_hard + y_soft - jax.lax.stop_gradient(y_soft)

def reference(rep, edge_index, W1, b1, W2, b2, Wl1, bl1, Wl2, bl2):
    # eval mode: dropout is identity
    h = jax.nn.relu(_gcn_improved(rep, edge_index, W1, b1))
    h = jax.nn.relu(_gcn_improved(h, edge_index, W2, b2))
    cat = jnp.concatenate([rep, h], axis=1)
    z = jax.nn.relu(cat @ Wl1 + bl1)
    prob = jax.nn.sigmoid(z @ Wl2 + bl2)  # [N, 1]
    p = prob.reshape(-1)
    logits = jnp.stack([1.0 - p, p], axis=1)
    y = _gumbel_softmax_hard(logits, jax.random.key(1234), tau=1.0)
    sampled = y @ jnp.array([[0.0], [1.0]], dtype=logits.dtype)  # [N, 1]
    return (jnp.squeeze(prob), jnp.squeeze(sampled))

if __name__ == "__main__":
    import jax
    _d = setup_inputs()
    print(jax.jit(kernel)(*tuple(_d.values())))

</pallas_src>

<mosaic_0001>
#map = affine_map<(d0, d1) -> (0, 0)>
#map1 = affine_map<(d0, d1) -> (0, 0, 0)>
module attributes {stable_mosaic.version = 14 : i64} {
  func.func @_segsum_body(%arg0: i32, %arg1: i32, %arg2: memref<10000x128xf32, #tpu.memory_space<hbm>>, %arg3: memref<2560x128xi32, #tpu.memory_space<hbm>>, %arg4: memref<2560x128xi32, #tpu.memory_space<hbm>>, %arg5: memref<10112x128xf32, #tpu.memory_space<hbm>>, %arg6: memref<2x10112x128xf32, #tpu.memory_space<hbm>>, %arg7: memref<16x128xi32, #tpu.memory_space<vmem>>, %arg8: memref<16x128xi32, #tpu.memory_space<vmem>>, %arg9: memref<128x128xf32, #tpu.memory_space<vmem>>, %arg10: memref<128x128xf32, #tpu.memory_space<vmem>>, %arg11: memref<!tpu.dma_semaphore, #tpu.memory_space<semaphore_mem>>, %arg12: memref<!tpu.dma_semaphore, #tpu.memory_space<semaphore_mem>>, %arg13: memref<10112x128xf32, #tpu.memory_space<vmem_shared>>) attributes {dimension_semantics = [#tpu.dimension_semantics<core_parallel>, #tpu.dimension_semantics<subcore_parallel>], iteration_bounds = array<i64: 2, 16>, scalar_prefetch = 0 : i64, scratch_operands = 7 : i64, tpu.core_type = #tpu.core_type<sc_vector_subcore>, window_params = [{transform_indices = #map}, {transform_indices = #map}, {transform_indices = #map}, {transform_indices = #map}, {transform_indices = #map1}]} {
    %mul3A = arith.constant 16 : i32
    %mul3A_0 = arith.muli %arg0, %mul3A : i32
    %add3A = arith.addi %mul3A_0, %arg1 : i32
    %mul3A_1 = arith.constant 80 : i32
    %mul3A_2 = arith.muli %add3A, %mul3A_1 : i32
    %mul3A_3 = arith.constant 632 : i32
    %mul3A_4 = arith.muli %arg1, %mul3A_3 : i32
    %mul3A_5 = arith.constant 632 : i32
    %mul3A_6 = arith.muli %arg1, %mul3A_5 : i32
    "tpu.region"() ({
      %run_scoped3A = tpu.sem_alloc : memref<!tpu.dma_semaphore, #tpu.memory_space<semaphore_mem>>
      %dma_start3A = arith.constant 0 : i32
      %dma_start3A_16 = tpu.memref_slice %arg13[%mul3A_6, %dma_start3A] : memref<10112x128xf32, #tpu.memory_space<vmem_shared>> -> memref<632x128xf32, #tpu.memory_space<vmem_shared>>
      %dma_start3A_17 = arith.constant 0 : i32
      %dma_start3A_18 = tpu.memref_slice %arg5[%mul3A_4, %dma_start3A_17] : memref<10112x128xf32, #tpu.memory_space<hbm>> -> memref<632x128xf32, #tpu.memory_space<hbm>>
      tpu.enqueue_dma source(%dma_start3A_18 : memref<632x128xf32, #tpu.memory_space<hbm>>) target(%dma_start3A_16 : memref<632x128xf32, #tpu.memory_space<vmem_shared>>) target_semaphore(%run_scoped3A : memref<!tpu.dma_semaphore, #tpu.memory_space<semaphore_mem>>)
      %dma_wait3A = arith.constant 0 : i32
      %dma_wait3A_19 = tpu.memref_slice %arg13[%mul3A_6, %dma_wait3A] : memref<10112x128xf32, #tpu.memory_space<vmem_shared>> -> memref<632x128xf32, #tpu.memory_space<vmem_shared>>
      %dma_wait3A_20 = arith.constant 0 : i32
      %dma_wait3A_21 = tpu.memref_slice %arg5[%mul3A_4, %dma_wait3A_20] : memref<10112x128xf32, #tpu.memory_space<hbm>> -> memref<632x128xf32, #tpu.memory_space<hbm>>
      tpu.wait_dma2 semaphore(%run_scoped3A : memref<!tpu.dma_semaphore, #tpu.memory_space<semaphore_mem>>) src(%dma_wait3A_21 : memref<632x128xf32, #tpu.memory_space<hbm>>) dst(%dma_wait3A_19 : memref<632x128xf32, #tpu.memory_space<vmem_shared>>)
      tpu.yield
    }) : () -> ()
    %barrier3A = arith.constant 0 : index
    tpu.barrier barrier_id(%barrier3A)
    %scan3A = arith.constant 0 : i32
    %scan3A_7 = arith.constant 5 : i32
    %scan3A_8 = arith.addi %scan3A, %scan3A_7 : i32
    %scan3A_9 = arith.constant 1 : i32
    scf.for %scan3A_16 = %scan3A to %scan3A_8 step %scan3A_9  : i32 {
      %mul3A_17 = arith.constant 16 : i32
      %mul3A_18 = arith.muli %scan3A_16, %mul3A_17 : i32
      %add3A_19 = arith.addi %mul3A_2, %mul3A_18 : i32
      "tpu.region"() ({
        %run_scoped3A_55 = tpu.sem_alloc : memref<!tpu.dma_semaphore, #tpu.memory_space<semaphore_mem>>
        %dma_start3A_56 = arith.constant 0 : i32
        %dma_start3A_57 = tpu.memref_slice %arg3[%add3A_19, %dma_start3A_56] : memref<2560x128xi32, #tpu.memory_space<hbm>> -> memref<16x128xi32, #tpu.memory_space<hbm>>
        %dma_start3A_58 = arith.constant 0 : i32
        %dma_start3A_59 = tpu.memref_slice %arg3[%add3A_19, %dma_start3A_58] : memref<2560x128xi32, #tpu.memory_space<hbm>> -> memref<16x128xi32, #tpu.memory_space<hbm>>
        tpu.enqueue_dma source(%dma_start3A_59 : memref<16x128xi32, #tpu.memory_space<hbm>>) target(%arg7 : memref<16x128xi32, #tpu.memory_space<vmem>>) target_semaphore(%run_scoped3A_55 : memref<!tpu.dma_semaphore, #tpu.memory_space<semaphore_mem>>)
        %dma_wait3A_60 = arith.constant 0 : i32
        %dma_wait3A_61 = tpu.memref_slice %arg3[%add3A_19, %dma_wait3A_60] : memref<2560x128xi32, #tpu.memory_space<hbm>> -> memref<16x128xi32, #tpu.memory_space<hbm>>
        %dma_wait3A_62 = arith.constant 0 : i32
        %dma_wait3A_63 = tpu.memref_slice %arg3[%add3A_19, %dma_wait3A_62] : memref<2560x128xi32, #tpu.memory_space<hbm>> -> memref<16x128xi32, #tpu.memory_space<hbm>>
        tpu.wait_dma2 semaphore(%run_scoped3A_55 : memref<!tpu.dma_semaphore, #tpu.memory_space<semaphore_mem>>) src(%dma_wait3A_63 : memref<16x128xi32, #tpu.memory_space<hbm>>) dst(%arg7 : memref<16x128xi32, #tpu.memory_space<vmem>>)
        tpu.yield
      }) : () -> ()
      %mul3A_20 = arith.constant 16 : i32
      %mul3A_21 = arith.muli %scan3A_16, %mul3A_20 : i32
      %add3A_22 = arith.addi %mul3A_2, %mul3A_21 : i32
      "tpu.region"() ({
        %run_scoped3A_55 = tpu.sem_alloc : memref<!tpu.dma_semaphore, #tpu.memory_space<semaphore_mem>>
        %dma_start3A_56 = arith.constant 0 : i32
        %dma_start3A_57 = tpu.memref_slice %arg4[%add3A_22, %dma_start3A_56] : memref<2560x128xi32, #tpu.memory_space<hbm>> -> memref<16x128xi32, #tpu.memory_space<hbm>>
        %dma_start3A_58 = arith.constant 0 : i32
        %dma_start3A_59 = tpu.memref_slice %arg4[%add3A_22, %dma_start3A_58] : memref<2560x128xi32, #tpu.memory_space<hbm>> -> memref<16x128xi32, #tpu.memory_space<hbm>>
        tpu.enqueue_dma source(%dma_start3A_59 : memref<16x128xi32, #tpu.memory_space<hbm>>) target(%arg8 : memref<16x128xi32, #tpu.memory_space<vmem>>) target_semaphore(%run_scoped3A_55 : memref<!tpu.dma_semaphore, #tpu.memory_space<semaphore_mem>>)
        %dma_wait3A_60 = arith.constant 0 : i32
        %dma_wait3A_61 = tpu.memref_slice %arg4[%add3A_22, %dma_wait3A_60] : memref<2560x128xi32, #tpu.memory_space<hbm>> -> memref<16x128xi32, #tpu.memory_space<hbm>>
        %dma_wait3A_62 = arith.constant 0 : i32
        %dma_wait3A_63 = tpu.memref_slice %arg4[%add3A_22, %dma_wait3A_62] : memref<2560x128xi32, #tpu.memory_space<hbm>> -> memref<16x128xi32, #tpu.memory_space<hbm>>
        tpu.wait_dma2 semaphore(%run_scoped3A_55 : memref<!tpu.dma_semaphore, #tpu.memory_space<semaphore_mem>>) src(%dma_wait3A_63 : memref<16x128xi32, #tpu.memory_space<hbm>>) dst(%arg8 : memref<16x128xi32, #tpu.memory_space<vmem>>)
        tpu.yield
      }) : () -> ()
      %dma_start3A = arith.constant 0 : i32
      %dma_start3A_23 = arith.constant 0 : i32
      %dma_start3A_24 = tpu.memref_slice %arg7[%dma_start3A, %dma_start3A_23] : memref<16x128xi32, #tpu.memory_space<vmem>> -> memref<1x128xi32, #tpu.memory_space<vmem>>
      %dma_start3A_25 = tpu.memref_squeeze %dma_start3A_24 : memref<1x128xi32, #tpu.memory_space<vmem>> -> memref<128xi32, #tpu.memory_space<vmem>>
      %dma_start3A_26 = arith.constant 0 : i32
      %dma_start3A_27 = arith.constant 0 : i32
      %dma_start3A_28 = tpu.memref_slice %arg2[%dma_start3A_26, %dma_start3A_27] : memref<10000x128xf32, #tpu.memory_space<hbm>> -> memref<10000x128xf32, #tpu.memory_space<hbm>>
      tpu.enqueue_indirect_dma source(%dma_start3A_28 : memref<10000x128xf32, #tpu.memory_space<hbm>>) target(%arg9 : memref<128x128xf32, #tpu.memory_space<vmem>>) offsets(%dma_start3A_25 : memref<128xi32, #tpu.memory_space<vmem>>) semaphore(%arg11 : memref<!tpu.dma_semaphore, #tpu.memory_space<semaphore_mem>>)
      %scan3A_29 = arith.constant 0 : i32
      %scan3A_30 = arith.constant 7 : i32
      %scan3A_31 = arith.addi %scan3A_29, %scan3A_30 : i32
      %scan3A_32 = arith.constant 1 : i32
      scf.for %scan3A_55 = %scan3A_29 to %scan3A_31 step %scan3A_32  : i32 {
        %mul3A_56 = arith.constant 2 : i32
        %mul3A_57 = arith.muli %scan3A_55, %mul3A_56 : i32
        %dma_wait3A_58 = arith.constant 0 : i32
        %dma_wait3A_59 = tpu.memref_slice %arg7[%mul3A_57, %dma_wait3A_58] : memref<16x128xi32, #tpu.memory_space<vmem>> -> memref<1x128xi32, #tpu.memory_space<vmem>>
        %dma_wait3A_60 = tpu.memref_squeeze %dma_wait3A_59 : memref<1x128xi32, #tpu.memory_space<vmem>> -> memref<128xi32, #tpu.memory_space<vmem>>
        %dma_wait3A_61 = arith.constant 0 : i32
        %dma_wait3A_62 = arith.constant 0 : i32
        %dma_wait3A_63 = tpu.memref_slice %arg2[%dma_wait3A_61, %dma_wait3A_62] : memref<10000x128xf32, #tpu.memory_space<hbm>> -> memref<10000x128xf32, #tpu.memory_space<hbm>>
        tpu.wait_indirect_dma semaphore(%arg11 : memref<!tpu.dma_semaphore, #tpu.memory_space<semaphore_mem>>) src(%dma_wait3A_63 : memref<10000x128xf32, #tpu.memory_space<hbm>>) dst(%arg9 : memref<128x128xf32, #tpu.memory_space<vmem>>)
        %add3A_64 = arith.constant 1 : i32
        %add3A_65 = arith.addi %mul3A_57, %add3A_64 : i32
        %dma_start3A_66 = arith.constant 0 : i32
        %dma_start3A_67 = tpu.memref_slice %arg7[%add3A_65, %dma_start3A_66] : memref<16x128xi32, #tpu.memory_space<vmem>> -> memref<1x128xi32, #tpu.memory_space<vmem>>
        %dma_start3A_68 = tpu.memref_squeeze %dma_start3A_67 : memref<1x128xi32, #tpu.memory_space<vmem>> -> memref<128xi32, #tpu.memory_space<vmem>>
        %dma_start3A_69 = arith.constant 0 : i32
        %dma_start3A_70 = arith.constant 0 : i32
        %dma_start3A_71 = tpu.memref_slice %arg2[%dma_start3A_69, %dma_start3A_70] : memref<10000x128xf32, #tpu.memory_space<hbm>> -> memref<10000x128xf32, #tpu.memory_space<hbm>>
        tpu.enqueue_indirect_dma source(%dma_start3A_71 : memref<10000x128xf32, #tpu.memory_space<hbm>>) target(%arg10 : memref<128x128xf32, #tpu.memory_space<vmem>>) offsets(%dma_start3A_68 : memref<128xi32, #tpu.memory_space<vmem>>) semaphore(%arg12 : memref<!tpu.dma_semaphore, #tpu.memory_space<semaphore_mem>>)
        "tpu.region"() ({
          %run_scoped3A_90 = tpu.sem_alloc : memref<!tpu.dma_semaphore, #tpu.memory_space<semaphore_mem>>
          %dma_start3A_91 = arith.constant 0 : i32
          %dma_start3A_92 = tpu.memref_slice %arg8[%mul3A_57, %dma_start3A_91] : memref<16x128xi32, #tpu.memory_space<vmem>> -> memref<1x128xi32, #tpu.memory_space<vmem>>
          %dma_start3A_93 = tpu.memref_squeeze %dma_start3A_92 : memref<1x128xi32, #tpu.memory_space<vmem>> -> memref<128xi32, #tpu.memory_space<vmem>>
          %dma_start3A_94 = arith.constant 0 : i32
          %dma_start3A_95 = arith.constant 0 : i32
          %dma_start3A_96 = tpu.memref_slice %arg13[%dma_start3A_94, %dma_start3A_95] : memref<10112x128xf32, #tpu.memory_space<vmem_shared>> -> memref<10112x128xf32, #tpu.memory_space<vmem_shared>>
          tpu.enqueue_indirect_dma source(%arg9 : memref<128x128xf32, #tpu.memory_space<vmem>>) target(%dma_start3A_96 : memref<10112x128xf32, #tpu.memory_space<vmem_shared>>) offsets(%dma_start3A_93 : memref<128xi32, #tpu.memory_space<vmem>>) semaphore(%run_scoped3A_90 : memref<!tpu.dma_semaphore, #tpu.memory_space<semaphore_mem>>) {add = true}
          %dma_wait3A_97 = arith.constant 0 : i32
          %dma_wait3A_98 = tpu.memref_slice %arg8[%mul3A_57, %dma_wait3A_97] : memref<16x128xi32, #tpu.memory_space<vmem>> -> memref<1x128xi32, #tpu.memory_space<vmem>>
          %dma_wait3A_99 = tpu.memref_squeeze %dma_wait3A_98 : memref<1x128xi32, #tpu.memory_space<vmem>> -> memref<128xi32, #tpu.memory_space<vmem>>
          %dma_wait3A_100 = arith.constant 0 : i32
          %dma_wait3A_101 = arith.constant 0 : i32
          %dma_wait3A_102 = tpu.memref_slice %arg13[%dma_wait3A_100, %dma_wait3A_101] : memref<10112x128xf32, #tpu.memory_space<vmem_shared>> -> memref<10112x128xf32, #tpu.memory_space<vmem_shared>>
          tpu.wait_indirect_dma semaphore(%run_scoped3A_90 : memref<!tpu.dma_semaphore, #tpu.memory_space<semaphore_mem>>) src(%arg9 : memref<128x128xf32, #tpu.memory_space<vmem>>) dst(%dma_wait3A_102 : memref<10112x128xf32, #tpu.memory_space<vmem_shared>>)
          tpu.yield
        }) : () -> ()
        %add3A_72 = arith.constant 1 : i32
        %add3A_73 = arith.addi %mul3A_57, %add3A_72 : i32
        %dma_wait3A_74 = arith.constant 0 : i32
        %dma_wait3A_75 = tpu.memref_slice %arg7[%add3A_73, %dma_wait3A_74] : memref<16x128xi32, #tpu.memory_space<vmem>> -> memref<1x128xi32, #tpu.memory_space<vmem>>
        %dma_wait3A_76 = tpu.memref_squeeze %dma_wait3A_75 : memref<1x128xi32, #tpu.memory_space<vmem>> -> memref<128xi32, #tpu.memory_space<vmem>>
        %dma_wait3A_77 = arith.constant 0 : i32
        %dma_wait3A_78 = arith.constant 0 : i32
        %dma_wait3A_79 = tpu.memref_slice %arg2[%dma_wait3A_77, %dma_wait3A_78] : memref<10000x128xf32, #tpu.memory_space<hbm>> -> memref<10000x128xf32, #tpu.memory_space<hbm>>
        tpu.wait_indirect_dma semaphore(%arg12 : memref<!tpu.dma_semaphore, #tpu.memory_space<semaphore_mem>>) src(%dma_wait3A_79 : memref<10000x128xf32, #tpu.memory_space<hbm>>) dst(%arg10 : memref<128x128xf32, #tpu.memory_space<vmem>>)
        %add3A_80 = arith.constant 2 : i32
        %add3A_81 = arith.addi %mul3A_57, %add3A_80 : i32
        %dma_start3A_82 = arith.constant 0 : i32
        %dma_start3A_83 = tpu.memref_slice %arg7[%add3A_81, %dma_start3A_82] : memref<16x128xi32, #tpu.memory_space<vmem>> -> memref<1x128xi32, #tpu.memory_space<vmem>>
        %dma_start3A_84 = tpu.memref_squeeze %dma_start3A_83 : memref<1x128xi32, #tpu.memory_space<vmem>> -> memref<128xi32, #tpu.memory_space<vmem>>
        %dma_start3A_85 = arith.constant 0 : i32
        %dma_start3A_86 = arith.constant 0 : i32
        %dma_start3A_87 = tpu.memref_slice %arg2[%dma_start3A_85, %dma_start3A_86] : memref<10000x128xf32, #tpu.memory_space<hbm>> -> memref<10000x128xf32, #tpu.memory_space<hbm>>
        tpu.enqueue_indirect_dma source(%dma_start3A_87 : memref<10000x128xf32, #tpu.memory_space<hbm>>) target(%arg9 : memref<128x128xf32, #tpu.memory_space<vmem>>) offsets(%dma_start3A_84 : memref<128xi32, #tpu.memory_space<vmem>>) semaphore(%arg11 : memref<!tpu.dma_semaphore, #tpu.memory_space<semaphore_mem>>)
        %add3A_88 = arith.constant 1 : i32
        %add3A_89 = arith.addi %mul3A_57, %add3A_88 : i32
        "tpu.region"() ({
          %run_scoped3A_90 = tpu.sem_alloc : memref<!tpu.dma_semaphore, #tpu.memory_space<semaphore_mem>>
          %dma_start3A_91 = arith.constant 0 : i32
          %dma_start3A_92 = tpu.memref_slice %arg8[%add3A_89, %dma_start3A_91] : memref<16x128xi32, #tpu.memory_space<vmem>> -> memref<1x128xi32, #tpu.memory_space<vmem>>
          %dma_start3A_93 = tpu.memref_squeeze %dma_start3A_92 : memref<1x128xi32, #tpu.memory_space<vmem>> -> memref<128xi32, #tpu.memory_space<vmem>>
          %dma_start3A_94 = arith.constant 0 : i32
          %dma_start3A_95 = arith.constant 0 : i32
          %dma_start3A_96 = tpu.memref_slice %arg13[%dma_start3A_94, %dma_start3A_95] : memref<10112x128xf32, #tpu.memory_space<vmem_shared>> -> memref<10112x128xf32, #tpu.memory_space<vmem_shared>>
          tpu.enqueue_indirect_dma source(%arg10 : memref<128x128xf32, #tpu.memory_space<vmem>>) target(%dma_start3A_96 : memref<10112x128xf32, #tpu.memory_space<vmem_shared>>) offsets(%dma_start3A_93 : memref<128xi32, #tpu.memory_space<vmem>>) semaphore(%run_scoped3A_90 : memref<!tpu.dma_semaphore, #tpu.memory_space<semaphore_mem>>) {add = true}
          %dma_wait3A_97 = arith.constant 0 : i32
          %dma_wait3A_98 = tpu.memref_slice %arg8[%add3A_89, %dma_wait3A_97] : memref<16x128xi32, #tpu.memory_space<vmem>> -> memref<1x128xi32, #tpu.memory_space<vmem>>
          %dma_wait3A_99 = tpu.memref_squeeze %dma_wait3A_98 : memref<1x128xi32, #tpu.memory_space<vmem>> -> memref<128xi32, #tpu.memory_space<vmem>>
          %dma_wait3A_100 = arith.constant 0 : i32
          %dma_wait3A_101 = arith.constant 0 : i32
          %dma_wait3A_102 = tpu.memref_slice %arg13[%dma_wait3A_100, %dma_wait3A_101] : memref<10112x128xf32, #tpu.memory_space<vmem_shared>> -> memref<10112x128xf32, #tpu.memory_space<vmem_shared>>
          tpu.wait_indirect_dma semaphore(%run_scoped3A_90 : memref<!tpu.dma_semaphore, #tpu.memory_space<semaphore_mem>>) src(%arg10 : memref<128x128xf32, #tpu.memory_space<vmem>>) dst(%dma_wait3A_102 : memref<10112x128xf32, #tpu.memory_space<vmem_shared>>)
          tpu.yield
        }) : () -> ()
      }
      %scan3A_33 = arith.constant 7 : i32
      %dma_wait3A = arith.constant 14 : i32
      %dma_wait3A_34 = arith.constant 0 : i32
      %dma_wait3A_35 = tpu.memref_slice %arg7[%dma_wait3A, %dma_wait3A_34] : memref<16x128xi32, #tpu.memory_space<vmem>> -> memref<1x128xi32, #tpu.memory_space<vmem>>
      %dma_wait3A_36 = tpu.memref_squeeze %dma_wait3A_35 : memref<1x128xi32, #tpu.memory_space<vmem>> -> memref<128xi32, #tpu.memory_space<vmem>>
      %dma_wait3A_37 = arith.constant 0 : i32
      %dma_wait3A_38 = arith.constant 0 : i32
      %dma_wait3A_39 = tpu.memref_slice %arg2[%dma_wait3A_37, %dma_wait3A_38] : memref<10000x128xf32, #tpu.memory_space<hbm>> -> memref<10000x128xf32, #tpu.memory_space<hbm>>
      tpu.wait_indirect_dma semaphore(%arg11 : memref<!tpu.dma_semaphore, #tpu.memory_space<semaphore_mem>>) src(%dma_wait3A_39 : memref<10000x128xf32, #tpu.memory_space<hbm>>) dst(%arg9 : memref<128x128xf32, #tpu.memory_space<vmem>>)
      %dma_start3A_40 = arith.constant 15 : i32
      %dma_start3A_41 = arith.constant 0 : i32
      %dma_start3A_42 = tpu.memref_slice %arg7[%dma_start3A_40, %dma_start3A_41] : memref<16x128xi32, #tpu.memory_space<vmem>> -> memref<1x128xi32, #tpu.memory_space<vmem>>
      %dma_start3A_43 = tpu.memref_squeeze %dma_start3A_42 : memref<1x128xi32, #tpu.memory_space<vmem>> -> memref<128xi32, #tpu.memory_space<vmem>>
      %dma_start3A_44 = arith.constant 0 : i32
      %dma_start3A_45 = arith.constant 0 : i32
      %dma_start3A_46 = tpu.memref_slice %arg2[%dma_start3A_44, %dma_start3A_45] : memref<10000x128xf32, #tpu.memory_space<hbm>> -> memref<10000x128xf32, #tpu.memory_space<hbm>>
      tpu.enqueue_indirect_dma source(%dma_start3A_46 : memref<10000x128xf32, #tpu.memory_space<hbm>>) target(%arg10 : memref<128x128xf32, #tpu.memory_space<vmem>>) offsets(%dma_start3A_43 : memref<128xi32, #tpu.memory_space<vmem>>) semaphore(%arg12 : memref<!tpu.dma_semaphore, #tpu.memory_space<semaphore_mem>>)
      %run_scoped3A = arith.constant 14 : i32
      "tpu.region"() ({
        %run_scoped3A_55 = tpu.sem_alloc : memref<!tpu.dma_semaphore, #tpu.memory_space<semaphore_mem>>
        %dma_start3A_56 = arith.constant 0 : i32
        %dma_start3A_57 = tpu.memref_slice %arg8[%run_scoped3A, %dma_start3A_56] : memref<16x128xi32, #tpu.memory_space<vmem>> -> memref<1x128xi32, #tpu.memory_space<vmem>>
        %dma_start3A_58 = tpu.memref_squeeze %dma_start3A_57 : memref<1x128xi32, #tpu.memory_space<vmem>> -> memref<128xi32, #tpu.memory_space<vmem>>
        %dma_start3A_59 = arith.constant 0 : i32
        %dma_start3A_60 = arith.constant 0 : i32
        %dma_start3A_61 = tpu.memref_slice %arg13[%dma_start3A_59, %dma_start3A_60] : memref<10112x128xf32, #tpu.memory_space<vmem_shared>> -> memref<10112x128xf32, #tpu.memory_space<vmem_shared>>
        tpu.enqueue_indirect_dma source(%arg9 : memref<128x128xf32, #tpu.memory_space<vmem>>) target(%dma_start3A_61 : memref<10112x128xf32, #tpu.memory_space<vmem_shared>>) offsets(%dma_start3A_58 : memref<128xi32, #tpu.memory_space<vmem>>) semaphore(%run_scoped3A_55 : memref<!tpu.dma_semaphore, #tpu.memory_space<semaphore_mem>>) {add = true}
        %dma_wait3A_62 = arith.constant 0 : i32
        %dma_wait3A_63 = tpu.memref_slice %arg8[%run_scoped3A, %dma_wait3A_62] : memref<16x128xi32, #tpu.memory_space<vmem>> -> memref<1x128xi32, #tpu.memory_space<vmem>>
        %dma_wait3A_64 = tpu.memref_squeeze %dma_wait3A_63 : memref<1x128xi32, #tpu.memory_space<vmem>> -> memref<128xi32, #tpu.memory_space<vmem>>
        %dma_wait3A_65 = arith.constant 0 : i32
        %dma_wait3A_66 = arith.constant 0 : i32
        %dma_wait3A_67 = tpu.memref_slice %arg13[%dma_wait3A_65, %dma_wait3A_66] : memref<10112x128xf32, #tpu.memory_space<vmem_shared>> -> memref<10112x128xf32, #tpu.memory_space<vmem_shared>>
        tpu.wait_indirect_dma semaphore(%run_scoped3A_55 : memref<!tpu.dma_semaphore, #tpu.memory_space<semaphore_mem>>) src(%arg9 : memref<128x128xf32, #tpu.memory_space<vmem>>) dst(%dma_wait3A_67 : memref<10112x128xf32, #tpu.memory_space<vmem_shared>>)
        tpu.yield
      }) : () -> ()
      %dma_wait3A_47 = arith.constant 15 : i32
      %dma_wait3A_48 = arith.constant 0 : i32
      %dma_wait3A_49 = tpu.memref_slice %arg7[%dma_wait3A_47, %dma_wait3A_48] : memref<16x128xi32, #tpu.memory_space<vmem>> -> memref<1x128xi32, #tpu.memory_space<vmem>>
      %dma_wait3A_50 = tpu.memref_squeeze %dma_wait3A_49 : memref<1x128xi32, #tpu.memory_space<vmem>> -> memref<128xi32, #tpu.memory_space<vmem>>
      %dma_wait3A_51 = arith.constant 0 : i32
      %dma_wait3A_52 = arith.constant 0 : i32
      %dma_wait3A_53 = tpu.memref_slice %arg2[%dma_wait3A_51, %dma_wait3A_52] : memref<10000x128xf32, #tpu.memory_space<hbm>> -> memref<10000x128xf32, #tpu.memory_space<hbm>>
      tpu.wait_indirect_dma semaphore(%arg12 : memref<!tpu.dma_semaphore, #tpu.memory_space<semaphore_mem>>) src(%dma_wait3A_53 : memref<10000x128xf32, #tpu.memory_space<hbm>>) dst(%arg10 : memref<128x128xf32, #tpu.memory_space<vmem>>)
      %run_scoped3A_54 = arith.constant 15 : i32
      "tpu.region"() ({
        %run_scoped3A_55 = tpu.sem_alloc : memref<!tpu.dma_semaphore, #tpu.memory_space<semaphore_mem>>
        %dma_start3A_56 = arith.constant 0 : i32
        %dma_start3A_57 = tpu.memref_slice %arg8[%run_scoped3A_54, %dma_start3A_56] : memref<16x128xi32, #tpu.memory_space<vmem>> -> memref<1x128xi32, #tpu.memory_space<vmem>>
        %dma_start3A_58 = tpu.memref_squeeze %dma_start3A_57 : memref<1x128xi32, #tpu.memory_space<vmem>> -> memref<128xi32, #tpu.memory_space<vmem>>
        %dma_start3A_59 = arith.constant 0 : i32
        %dma_start3A_60 = arith.constant 0 : i32
        %dma_start3A_61 = tpu.memref_slice %arg13[%dma_start3A_59, %dma_start3A_60] : memref<10112x128xf32, #tpu.memory_space<vmem_shared>> -> memref<10112x128xf32, #tpu.memory_space<vmem_shared>>
        tpu.enqueue_indirect_dma source(%arg10 : memref<128x128xf32, #tpu.memory_space<vmem>>) target(%dma_start3A_61 : memref<10112x128xf32, #tpu.memory_space<vmem_shared>>) offsets(%dma_start3A_58 : memref<128xi32, #tpu.memory_space<vmem>>) semaphore(%run_scoped3A_55 : memref<!tpu.dma_semaphore, #tpu.memory_space<semaphore_mem>>) {add = true}
        %dma_wait3A_62 = arith.constant 0 : i32
        %dma_wait3A_63 = tpu.memref_slice %arg8[%run_scoped3A_54, %dma_wait3A_62] : memref<16x128xi32, #tpu.memory_space<vmem>> -> memref<1x128xi32, #tpu.memory_space<vmem>>
        %dma_wait3A_64 = tpu.memref_squeeze %dma_wait3A_63 : memref<1x128xi32, #tpu.memory_space<vmem>> -> memref<128xi32, #tpu.memory_space<vmem>>
        %dma_wait3A_65 = arith.constant 0 : i32
        %dma_wait3A_66 = arith.constant 0 : i32
        %dma_wait3A_67 = tpu.memref_slice %arg13[%dma_wait3A_65, %dma_wait3A_66] : memref<10112x128xf32, #tpu.memory_space<vmem_shared>> -> memref<10112x128xf32, #tpu.memory_space<vmem_shared>>
        tpu.wait_indirect_dma semaphore(%run_scoped3A_55 : memref<!tpu.dma_semaphore, #tpu.memory_space<semaphore_mem>>) src(%arg10 : memref<128x128xf32, #tpu.memory_space<vmem>>) dst(%dma_wait3A_67 : memref<10112x128xf32, #tpu.memory_space<vmem_shared>>)
        tpu.yield
      }) : () -> ()
    }
    %scan3A_10 = arith.constant 5 : i32
    %barrier3A_11 = arith.constant 0 : index
    tpu.barrier barrier_id(%barrier3A_11)
    %mul3A_12 = arith.constant 632 : i32
    %mul3A_13 = arith.muli %arg1, %mul3A_12 : i32
    %mul3A_14 = arith.constant 632 : i32
    %mul3A_15 = arith.muli %arg1, %mul3A_14 : i32
    "tpu.region"() ({
      %run_scoped3A = tpu.sem_alloc : memref<!tpu.dma_semaphore, #tpu.memory_space<semaphore_mem>>
      %dma_start3A = arith.constant 0 : i32
      %dma_start3A_16 = tpu.memref_slice %arg6[%arg0, %mul3A_15, %dma_start3A] : memref<2x10112x128xf32, #tpu.memory_space<hbm>> -> memref<1x632x128xf32, #tpu.memory_space<hbm>>
      %dma_start3A_17 = tpu.memref_squeeze %dma_start3A_16 : memref<1x632x128xf32, #tpu.memory_space<hbm>> -> memref<632x128xf32, #tpu.memory_space<hbm>>
      %dma_start3A_18 = arith.constant 0 : i32
      %dma_start3A_19 = tpu.memref_slice %arg13[%mul3A_13, %dma_start3A_18] : memref<10112x128xf32, #tpu.memory_space<vmem_shared>> -> memref<632x128xf32, #tpu.memory_space<vmem_shared>>
      tpu.enqueue_dma source(%dma_start3A_19 : memref<632x128xf32, #tpu.memory_space<vmem_shared>>) target(%dma_start3A_17 : memref<632x128xf32, #tpu.memory_space<hbm>>) target_semaphore(%run_scoped3A : memref<!tpu.dma_semaphore, #tpu.memory_space<semaphore_mem>>)
      %dma_wait3A = arith.constant 0 : i32
      %dma_wait3A_20 = tpu.memref_slice %arg6[%arg0, %mul3A_15, %dma_wait3A] : memref<2x10112x128xf32, #tpu.memory_space<hbm>> -> memref<1x632x128xf32, #tpu.memory_space<hbm>>
      %dma_wait3A_21 = tpu.memref_squeeze %dma_wait3A_20 : memref<1x632x128xf32, #tpu.memory_space<hbm>> -> memref<632x128xf32, #tpu.memory_space<hbm>>
      %dma_wait3A_22 = arith.constant 0 : i32
      %dma_wait3A_23 = tpu.memref_slice %arg13[%mul3A_13, %dma_wait3A_22] : memref<10112x128xf32, #tpu.memory_space<vmem_shared>> -> memref<632x128xf32, #tpu.memory_space<vmem_shared>>
      tpu.wait_dma2 semaphore(%run_scoped3A : memref<!tpu.dma_semaphore, #tpu.memory_space<semaphore_mem>>) src(%dma_wait3A_23 : memref<632x128xf32, #tpu.memory_space<vmem_shared>>) dst(%dma_wait3A_21 : memref<632x128xf32, #tpu.memory_space<hbm>>)
      tpu.yield
    }) : () -> ()
    return
  }
}

#map = affine_map<(d0, d1) -> (0, 0)>
#map1 = affine_map<(d0, d1) -> (0, 0, 0)>
module attributes {stable_mosaic.version = 14 : i64} {
  func.func @_segsum_body(%arg0: i32, %arg1: i32, %arg2: memref<10000x128xf32, #tpu.memory_space<hbm>>, %arg3: memref<2560x128xi32, #tpu.memory_space<hbm>>, %arg4: memref<2560x128xi32, #tpu.memory_space<hbm>>, %arg5: memref<10112x128xf32, #tpu.memory_space<hbm>>, %arg6: memref<2x10112x128xf32, #tpu.memory_space<hbm>>, %arg7: memref<16x128xi32, #tpu.memory_space<vmem>>, %arg8: memref<16x128xi32, #tpu.memory_space<vmem>>, %arg9: memref<128x128xf32, #tpu.memory_space<vmem>>, %arg10: memref<128x128xf32, #tpu.memory_space<vmem>>, %arg11: memref<!tpu.dma_semaphore, #tpu.memory_space<semaphore_mem>>, %arg12: memref<!tpu.dma_semaphore, #tpu.memory_space<semaphore_mem>>, %arg13: memref<10112x128xf32, #tpu.memory_space<vmem_shared>>) attributes {dimension_semantics = [#tpu.dimension_semantics<core_parallel>, #tpu.dimension_semantics<subcore_parallel>], iteration_bounds = array<i64: 2, 16>, scalar_prefetch = 0 : i64, scratch_operands = 7 : i64, tpu.core_type = #tpu.core_type<sc_vector_subcore>, window_params = [{transform_indices = #map}, {transform_indices = #map}, {transform_indices = #map}, {transform_indices = #map}, {transform_indices = #map1}]} {
    %mul3A = arith.constant 16 : i32
    %mul3A_0 = arith.muli %arg0, %mul3A : i32
    %add3A = arith.addi %mul3A_0, %arg1 : i32
    %mul3A_1 = arith.constant 80 : i32
    %mul3A_2 = arith.muli %add3A, %mul3A_1 : i32
    %mul3A_3 = arith.constant 632 : i32
    %mul3A_4 = arith.muli %arg1, %mul3A_3 : i32
    %mul3A_5 = arith.constant 632 : i32
    %mul3A_6 = arith.muli %arg1, %mul3A_5 : i32
    "tpu.region"() ({
      %run_scoped3A = tpu.sem_alloc : memref<!tpu.dma_semaphore, #tpu.memory_space<semaphore_mem>>
      %dma_start3A = arith.constant 0 : i32
      %dma_start3A_16 = tpu.memref_slice %arg13[%mul3A_6, %dma_start3A] : memref<10112x128xf32, #tpu.memory_space<vmem_shared>> -> memref<632x128xf32, #tpu.memory_space<vmem_shared>>
      %dma_start3A_17 = arith.constant 0 : i32
      %dma_start3A_18 = tpu.memref_slice %arg5[%mul3A_4, %dma_start3A_17] : memref<10112x128xf32, #tpu.memory_space<hbm>> -> memref<632x128xf32, #tpu.memory_space<hbm>>
      tpu.enqueue_dma source(%dma_start3A_18 : memref<632x128xf32, #tpu.memory_space<hbm>>) target(%dma_start3A_16 : memref<632x128xf32, #tpu.memory_space<vmem_shared>>) target_semaphore(%run_scoped3A : memref<!tpu.dma_semaphore, #tpu.memory_space<semaphore_mem>>)
      %dma_wait3A = arith.constant 0 : i32
      %dma_wait3A_19 = tpu.memref_slice %arg13[%mul3A_6, %dma_wait3A] : memref<10112x128xf32, #tpu.memory_space<vmem_shared>> -> memref<632x128xf32, #tpu.memory_space<vmem_shared>>
      %dma_wait3A_20 = arith.constant 0 : i32
      %dma_wait3A_21 = tpu.memref_slice %arg5[%mul3A_4, %dma_wait3A_20] : memref<10112x128xf32, #tpu.memory_space<hbm>> -> memref<632x128xf32, #tpu.memory_space<hbm>>
      tpu.wait_dma2 semaphore(%run_scoped3A : memref<!tpu.dma_semaphore, #tpu.memory_space<semaphore_mem>>) src(%dma_wait3A_21 : memref<632x128xf32, #tpu.memory_space<hbm>>) dst(%dma_wait3A_19 : memref<632x128xf32, #tpu.memory_space<vmem_shared>>)
      tpu.yield
    }) : () -> ()
    %barrier3A = arith.constant 0 : index
    tpu.barrier barrier_id(%barrier3A)
    %scan3A = arith.constant 0 : i32
    %scan3A_7 = arith.constant 5 : i32
    %scan3A_8 = arith.addi %scan3A, %scan3A_7 : i32
    %scan3A_9 = arith.constant 1 : i32
    scf.for %scan3A_16 = %scan3A to %scan3A_8 step %scan3A_9  : i32 {
      %mul3A_17 = arith.constant 16 : i32
      %mul3A_18 = arith.muli %scan3A_16, %mul3A_17 : i32
      %add3A_19 = arith.addi %mul3A_2, %mul3A_18 : i32
      "tpu.region"() ({
        %run_scoped3A_55 = tpu.sem_alloc : memref<!tpu.dma_semaphore, #tpu.memory_space<semaphore_mem>>
        %dma_start3A_56 = arith.constant 0 : i32
        %dma_start3A_57 = tpu.memref_slice %arg3[%add3A_19, %dma_start3A_56] : memref<2560x128xi32, #tpu.memory_space<hbm>> -> memref<16x128xi32, #tpu.memory_space<hbm>>
        %dma_start3A_58 = arith.constant 0 : i32
        %dma_start3A_59 = tpu.memref_slice %arg3[%add3A_19, %dma_start3A_58] : memref<2560x128xi32, #tpu.memory_space<hbm>> -> memref<16x128xi32, #tpu.memory_space<hbm>>
        tpu.enqueue_dma source(%dma_start3A_59 : memref<16x128xi32, #tpu.memory_space<hbm>>) target(%arg7 : memref<16x128xi32, #tpu.memory_space<vmem>>) target_semaphore(%run_scoped3A_55 : memref<!tpu.dma_semaphore, #tpu.memory_space<semaphore_mem>>)
        %dma_wait3A_60 = arith.constant 0 : i32
        %dma_wait3A_61 = tpu.memref_slice %arg3[%add3A_19, %dma_wait3A_60] : memref<2560x128xi32, #tpu.memory_space<hbm>> -> memref<16x128xi32, #tpu.memory_space<hbm>>
        %dma_wait3A_62 = arith.constant 0 : i32
        %dma_wait3A_63 = tpu.memref_slice %arg3[%add3A_19, %dma_wait3A_62] : memref<2560x128xi32, #tpu.memory_space<hbm>> -> memref<16x128xi32, #tpu.memory_space<hbm>>
        tpu.wait_dma2 semaphore(%run_scoped3A_55 : memref<!tpu.dma_semaphore, #tpu.memory_space<semaphore_mem>>) src(%dma_wait3A_63 : memref<16x128xi32, #tpu.memory_space<hbm>>) dst(%arg7 : memref<16x128xi32, #tpu.memory_space<vmem>>)
        tpu.yield
      }) : () -> ()
      %mul3A_20 = arith.constant 16 : i32
      %mul3A_21 = arith.muli %scan3A_16, %mul3A_20 : i32
      %add3A_22 = arith.addi %mul3A_2, %mul3A_21 : i32
      "tpu.region"() ({
        %run_scoped3A_55 = tpu.sem_alloc : memref<!tpu.dma_semaphore, #tpu.memory_space<semaphore_mem>>
        %dma_start3A_56 = arith.constant 0 : i32
        %dma_start3A_57 = tpu.memref_slice %arg4[%add3A_22, %dma_start3A_56] : memref<2560x128xi32, #tpu.memory_space<hbm>> -> memref<16x128xi32, #tpu.memory_space<hbm>>
        %dma_start3A_58 = arith.constant 0 : i32
        %dma_start3A_59 = tpu.memref_slice %arg4[%add3A_22, %dma_start3A_58] : memref<2560x128xi32, #tpu.memory_space<hbm>> -> memref<16x128xi32, #tpu.memory_space<hbm>>
        tpu.enqueue_dma source(%dma_start3A_59 : memref<16x128xi32, #tpu.memory_space<hbm>>) target(%arg8 : memref<16x128xi32, #tpu.memory_space<vmem>>) target_semaphore(%run_scoped3A_55 : memref<!tpu.dma_semaphore, #tpu.memory_space<semaphore_mem>>)
        %dma_wait3A_60 = arith.constant 0 : i32
        %dma_wait3A_61 = tpu.memref_slice %arg4[%add3A_22, %dma_wait3A_60] : memref<2560x128xi32, #tpu.memory_space<hbm>> -> memref<16x128xi32, #tpu.memory_space<hbm>>
        %dma_wait3A_62 = arith.constant 0 : i32
        %dma_wait3A_63 = tpu.memref_slice %arg4[%add3A_22, %dma_wait3A_62] : memref<2560x128xi32, #tpu.memory_space<hbm>> -> memref<16x128xi32, #tpu.memory_space<hbm>>
        tpu.wait_dma2 semaphore(%run_scoped3A_55 : memref<!tpu.dma_semaphore, #tpu.memory_space<semaphore_mem>>) src(%dma_wait3A_63 : memref<16x128xi32, #tpu.memory_space<hbm>>) dst(%arg8 : memref<16x128xi32, #tpu.memory_space<vmem>>)
        tpu.yield
      }) : () -> ()
      %dma_start3A = arith.constant 0 : i32
      %dma_start3A_23 = arith.constant 0 : i32
      %dma_start3A_24 = tpu.memref_slice %arg7[%dma_start3A, %dma_start3A_23] : memref<16x128xi32, #tpu.memory_space<vmem>> -> memref<1x128xi32, #tpu.memory_space<vmem>>
      %dma_start3A_25 = tpu.memref_squeeze %dma_start3A_24 : memref<1x128xi32, #tpu.memory_space<vmem>> -> memref<128xi32, #tpu.memory_space<vmem>>
      %dma_start3A_26 = arith.constant 0 : i32
      %dma_start3A_27 = arith.constant 0 : i32
      %dma_start3A_28 = tpu.memref_slice %arg2[%dma_start3A_26, %dma_start3A_27] : memref<10000x128xf32, #tpu.memory_space<hbm>> -> memref<10000x128xf32, #tpu.memory_space<hbm>>
      tpu.enqueue_indirect_dma source(%dma_start3A_28 : memref<10000x128xf32, #tpu.memory_space<hbm>>) target(%arg9 : memref<128x128xf32, #tpu.memory_space<vmem>>) offsets(%dma_start3A_25 : memref<128xi32, #tpu.memory_space<vmem>>) semaphore(%arg11 : memref<!tpu.dma_semaphore, #tpu.memory_space<semaphore_mem>>)
      %scan3A_29 = arith.constant 0 : i32
      %scan3A_30 = arith.constant 7 : i32
      %scan3A_31 = arith.addi %scan3A_29, %scan3A_30 : i32
      %scan3A_32 = arith.constant 1 : i32
      scf.for %scan3A_55 = %scan3A_29 to %scan3A_31 step %scan3A_32  : i32 {
        %mul3A_56 = arith.constant 2 : i32
        %mul3A_57 = arith.muli %scan3A_55, %mul3A_56 : i32
        %dma_wait3A_58 = arith.constant 0 : i32
        %dma_wait3A_59 = tpu.memref_slice %arg7[%mul3A_57, %dma_wait3A_58] : memref<16x128xi32, #tpu.memory_space<vmem>> -> memref<1x128xi32, #tpu.memory_space<vmem>>
        %dma_wait3A_60 = tpu.memref_squeeze %dma_wait3A_59 : memref<1x128xi32, #tpu.memory_space<vmem>> -> memref<128xi32, #tpu.memory_space<vmem>>
        %dma_wait3A_61 = arith.constant 0 : i32
        %dma_wait3A_62 = arith.constant 0 : i32
        %dma_wait3A_63 = tpu.memref_slice %arg2[%dma_wait3A_61, %dma_wait3A_62] : memref<10000x128xf32, #tpu.memory_space<hbm>> -> memref<10000x128xf32, #tpu.memory_space<hbm>>
        tpu.wait_indirect_dma semaphore(%arg11 : memref<!tpu.dma_semaphore, #tpu.memory_space<semaphore_mem>>) src(%dma_wait3A_63 : memref<10000x128xf32, #tpu.memory_space<hbm>>) dst(%arg9 : memref<128x128xf32, #tpu.memory_space<vmem>>)
        %add3A_64 = arith.constant 1 : i32
        %add3A_65 = arith.addi %mul3A_57, %add3A_64 : i32
        %dma_start3A_66 = arith.constant 0 : i32
        %dma_start3A_67 = tpu.memref_slice %arg7[%add3A_65, %dma_start3A_66] : memref<16x128xi32, #tpu.memory_space<vmem>> -> memref<1x128xi32, #tpu.memory_space<vmem>>
        %dma_start3A_68 = tpu.memref_squeeze %dma_start3A_67 : memref<1x128xi32, #tpu.memory_space<vmem>> -> memref<128xi32, #tpu.memory_space<vmem>>
        %dma_start3A_69 = arith.constant 0 : i32
        %dma_start3A_70 = arith.constant 0 : i32
        %dma_start3A_71 = tpu.memref_slice %arg2[%dma_start3A_69, %dma_start3A_70] : memref<10000x128xf32, #tpu.memory_space<hbm>> -> memref<10000x128xf32, #tpu.memory_space<hbm>>
        tpu.enqueue_indirect_dma source(%dma_start3A_71 : memref<10000x128xf32, #tpu.memory_space<hbm>>) target(%arg10 : memref<128x128xf32, #tpu.memory_space<vmem>>) offsets(%dma_start3A_68 : memref<128xi32, #tpu.memory_space<vmem>>) semaphore(%arg12 : memref<!tpu.dma_semaphore, #tpu.memory_space<semaphore_mem>>)
        "tpu.region"() ({
          %run_scoped3A_90 = tpu.sem_alloc : memref<!tpu.dma_semaphore, #tpu.memory_space<semaphore_mem>>
          %dma_start3A_91 = arith.constant 0 : i32
          %dma_start3A_92 = tpu.memref_slice %arg8[%mul3A_57, %dma_start3A_91] : memref<16x128xi32, #tpu.memory_space<vmem>> -> memref<1x128xi32, #tpu.memory_space<vmem>>
          %dma_start3A_93 = tpu.memref_squeeze %dma_start3A_92 : memref<1x128xi32, #tpu.memory_space<vmem>> -> memref<128xi32, #tpu.memory_space<vmem>>
          %dma_start3A_94 = arith.constant 0 : i32
          %dma_start3A_95 = arith.constant 0 : i32
          %dma_start3A_96 = tpu.memref_slice %arg13[%dma_start3A_94, %dma_start3A_95] : memref<10112x128xf32, #tpu.memory_space<vmem_shared>> -> memref<10112x128xf32, #tpu.memory_space<vmem_shared>>
          tpu.enqueue_indirect_dma source(%arg9 : memref<128x128xf32, #tpu.memory_space<vmem>>) target(%dma_start3A_96 : memref<10112x128xf32, #tpu.memory_space<vmem_shared>>) offsets(%dma_start3A_93 : memref<128xi32, #tpu.memory_space<vmem>>) semaphore(%run_scoped3A_90 : memref<!tpu.dma_semaphore, #tpu.memory_space<semaphore_mem>>) {add = true}
          %dma_wait3A_97 = arith.constant 0 : i32
          %dma_wait3A_98 = tpu.memref_slice %arg8[%mul3A_57, %dma_wait3A_97] : memref<16x128xi32, #tpu.memory_space<vmem>> -> memref<1x128xi32, #tpu.memory_space<vmem>>
          %dma_wait3A_99 = tpu.memref_squeeze %dma_wait3A_98 : memref<1x128xi32, #tpu.memory_space<vmem>> -> memref<128xi32, #tpu.memory_space<vmem>>
          %dma_wait3A_100 = arith.constant 0 : i32
          %dma_wait3A_101 = arith.constant 0 : i32
          %dma_wait3A_102 = tpu.memref_slice %arg13[%dma_wait3A_100, %dma_wait3A_101] : memref<10112x128xf32, #tpu.memory_space<vmem_shared>> -> memref<10112x128xf32, #tpu.memory_space<vmem_shared>>
          tpu.wait_indirect_dma semaphore(%run_scoped3A_90 : memref<!tpu.dma_semaphore, #tpu.memory_space<semaphore_mem>>) src(%arg9 : memref<128x128xf32, #tpu.memory_space<vmem>>) dst(%dma_wait3A_102 : memref<10112x128xf32, #tpu.memory_space<vmem_shared>>)
          tpu.yield
        }) : () -> ()
        %add3A_72 = arith.constant 1 : i32
        %add3A_73 = arith.addi %mul3A_57, %add3A_72 : i32
        %dma_wait3A_74 = arith.constant 0 : i32
        %dma_wait3A_75 = tpu.memref_slice %arg7[%add3A_73, %dma_wait3A_74] : memref<16x128xi32, #tpu.memory_space<vmem>> -> memref<1x128xi32, #tpu.memory_space<vmem>>
        %dma_wait3A_76 = tpu.memref_squeeze %dma_wait3A_75 : memref<1x128xi32, #tpu.memory_space<vmem>> -> memref<128xi32, #tpu.memory_space<vmem>>
        %dma_wait3A_77 = arith.constant 0 : i32
        %dma_wait3A_78 = arith.constant 0 : i32
        %dma_wait3A_79 = tpu.memref_slice %arg2[%dma_wait3A_77, %dma_wait3A_78] : memref<10000x128xf32, #tpu.memory_space<hbm>> -> memref<10000x128xf32, #tpu.memory_space<hbm>>
        tpu.wait_indirect_dma semaphore(%arg12 : memref<!tpu.dma_semaphore, #tpu.memory_space<semaphore_mem>>) src(%dma_wait3A_79 : memref<10000x128xf32, #tpu.memory_space<hbm>>) dst(%arg10 : memref<128x128xf32, #tpu.memory_space<vmem>>)
        %add3A_80 = arith.constant 2 : i32
        %add3A_81 = arith.addi %mul3A_57, %add3A_80 : i32
        %dma_start3A_82 = arith.constant 0 : i32
        %dma_start3A_83 = tpu.memref_slice %arg7[%add3A_81, %dma_start3A_82] : memref<16x128xi32, #tpu.memory_space<vmem>> -> memref<1x128xi32, #tpu.memory_space<vmem>>
        %dma_start3A_84 = tpu.memref_squeeze %dma_start3A_83 : memref<1x128xi32, #tpu.memory_space<vmem>> -> memref<128xi32, #tpu.memory_space<vmem>>
        %dma_start3A_85 = arith.constant 0 : i32
        %dma_start3A_86 = arith.constant 0 : i32
        %dma_start3A_87 = tpu.memref_slice %arg2[%dma_start3A_85, %dma_start3A_86] : memref<10000x128xf32, #tpu.memory_space<hbm>> -> memref<10000x128xf32, #tpu.memory_space<hbm>>
        tpu.enqueue_indirect_dma source(%dma_start3A_87 : memref<10000x128xf32, #tpu.memory_space<hbm>>) target(%arg9 : memref<128x128xf32, #tpu.memory_space<vmem>>) offsets(%dma_start3A_84 : memref<128xi32, #tpu.memory_space<vmem>>) semaphore(%arg11 : memref<!tpu.dma_semaphore, #tpu.memory_space<semaphore_mem>>)
        %add3A_88 = arith.constant 1 : i32
        %add3A_89 = arith.addi %mul3A_57, %add3A_88 : i32
        "tpu.region"() ({
          %run_scoped3A_90 = tpu.sem_alloc : memref<!tpu.dma_semaphore, #tpu.memory_space<semaphore_mem>>
          %dma_start3A_91 = arith.constant 0 : i32
          %dma_start3A_92 = tpu.memref_slice %arg8[%add3A_89, %dma_start3A_91] : memref<16x128xi32, #tpu.memory_space<vmem>> -> memref<1x128xi32, #tpu.memory_space<vmem>>
          %dma_start3A_93 = tpu.memref_squeeze %dma_start3A_92 : memref<1x128xi32, #tpu.memory_space<vmem>> -> memref<128xi32, #tpu.memory_space<vmem>>
          %dma_start3A_94 = arith.constant 0 : i32
          %dma_start3A_95 = arith.constant 0 : i32
          %dma_start3A_96 = tpu.memref_slice %arg13[%dma_start3A_94, %dma_start3A_95] : memref<10112x128xf32, #tpu.memory_space<vmem_shared>> -> memref<10112x128xf32, #tpu.memory_space<vmem_shared>>
          tpu.enqueue_indirect_dma source(%arg10 : memref<128x128xf32, #tpu.memory_space<vmem>>) target(%dma_start3A_96 : memref<10112x128xf32, #tpu.memory_space<vmem_shared>>) offsets(%dma_start3A_93 : memref<128xi32, #tpu.memory_space<vmem>>) semaphore(%run_scoped3A_90 : memref<!tpu.dma_semaphore, #tpu.memory_space<semaphore_mem>>) {add = true}
          %dma_wait3A_97 = arith.constant 0 : i32
          %dma_wait3A_98 = tpu.memref_slice %arg8[%add3A_89, %dma_wait3A_97] : memref<16x128xi32, #tpu.memory_space<vmem>> -> memref<1x128xi32, #tpu.memory_space<vmem>>
          %dma_wait3A_99 = tpu.memref_squeeze %dma_wait3A_98 : memref<1x128xi32, #tpu.memory_space<vmem>> -> memref<128xi32, #tpu.memory_space<vmem>>
          %dma_wait3A_100 = arith.constant 0 : i32
          %dma_wait3A_101 = arith.constant 0 : i32
          %dma_wait3A_102 = tpu.memref_slice %arg13[%dma_wait3A_100, %dma_wait3A_101] : memref<10112x128xf32, #tpu.memory_space<vmem_shared>> -> memref<10112x128xf32, #tpu.memory_space<vmem_shared>>
          tpu.wait_indirect_dma semaphore(%run_scoped3A_90 : memref<!tpu.dma_semaphore, #tpu.memory_space<semaphore_mem>>) src(%arg10 : memref<128x128xf32, #tpu.memory_space<vmem>>) dst(%dma_wait3A_102 : memref<10112x128xf32, #tpu.memory_space<vmem_shared>>)
          tpu.yield
        }) : () -> ()
      }
      %scan3A_33 = arith.constant 7 : i32
      %dma_wait3A = arith.constant 14 : i32
      %dma_wait3A_34 = arith.constant 0 : i32
      %dma_wait3A_35 = tpu.memref_slice %arg7[%dma_wait3A, %dma_wait3A_34] : memref<16x128xi32, #tpu.memory_space<vmem>> -> memref<1x128xi32, #tpu.memory_space<vmem>>
      %dma_wait3A_36 = tpu.memref_squeeze %dma_wait3A_35 : memref<1x128xi32, #tpu.memory_space<vmem>> -> memref<128xi32, #tpu.memory_space<vmem>>
      %dma_wait3A_37 = arith.constant 0 : i32
      %dma_wait3A_38 = arith.constant 0 : i32
      %dma_wait3A_39 = tpu.memref_slice %arg2[%dma_wait3A_37, %dma_wait3A_38] : memref<10000x128xf32, #tpu.memory_space<hbm>> -> memref<10000x128xf32, #tpu.memory_space<hbm>>
      tpu.wait_indirect_dma semaphore(%arg11 : memref<!tpu.dma_semaphore, #tpu.memory_space<semaphore_mem>>) src(%dma_wait3A_39 : memref<10000x128xf32, #tpu.memory_space<hbm>>) dst(%arg9 : memref<128x128xf32, #tpu.memory_space<vmem>>)
      %dma_start3A_40 = arith.constant 15 : i32
      %dma_start3A_41 = arith.constant 0 : i32
      %dma_start3A_42 = tpu.memref_slice %arg7[%dma_start3A_40, %dma_start3A_41] : memref<16x128xi32, #tpu.memory_space<vmem>> -> memref<1x128xi32, #tpu.memory_space<vmem>>
      %dma_start3A_43 = tpu.memref_squeeze %dma_start3A_42 : memref<1x128xi32, #tpu.memory_space<vmem>> -> memref<128xi32, #tpu.memory_space<vmem>>
      %dma_start3A_44 = arith.constant 0 : i32
      %dma_start3A_45 = arith.constant 0 : i32
      %dma_start3A_46 = tpu.memref_slice %arg2[%dma_start3A_44, %dma_start3A_45] : memref<10000x128xf32, #tpu.memory_space<hbm>> -> memref<10000x128xf32, #tpu.memory_space<hbm>>
      tpu.enqueue_indirect_dma source(%dma_start3A_46 : memref<10000x128xf32, #tpu.memory_space<hbm>>) target(%arg10 : memref<128x128xf32, #tpu.memory_space<vmem>>) offsets(%dma_start3A_43 : memref<128xi32, #tpu.memory_space<vmem>>) semaphore(%arg12 : memref<!tpu.dma_semaphore, #tpu.memory_space<semaphore_mem>>)
      %run_scoped3A = arith.constant 14 : i32
      "tpu.region"() ({
        %run_scoped3A_55 = tpu.sem_alloc : memref<!tpu.dma_semaphore, #tpu.memory_space<semaphore_mem>>
        %dma_start3A_56 = arith.constant 0 : i32
        %dma_start3A_57 = tpu.memref_slice %arg8[%run_scoped3A, %dma_start3A_56] : memref<16x128xi32, #tpu.memory_space<vmem>> -> memref<1x128xi32, #tpu.memory_space<vmem>>
        %dma_start3A_58 = tpu.memref_squeeze %dma_start3A_57 : memref<1x128xi32, #tpu.memory_space<vmem>> -> memref<128xi32, #tpu.memory_space<vmem>>
        %dma_start3A_59 = arith.constant 0 : i32
        %dma_start3A_60 = arith.constant 0 : i32
        %dma_start3A_61 = tpu.memref_slice %arg13[%dma_start3A_59, %dma_start3A_60] : memref<10112x128xf32, #tpu.memory_space<vmem_shared>> -> memref<10112x128xf32, #tpu.memory_space<vmem_shared>>
        tpu.enqueue_indirect_dma source(%arg9 : memref<128x128xf32, #tpu.memory_space<vmem>>) target(%dma_start3A_61 : memref<10112x128xf32, #tpu.memory_space<vmem_shared>>) offsets(%dma_start3A_58 : memref<128xi32, #tpu.memory_space<vmem>>) semaphore(%run_scoped3A_55 : memref<!tpu.dma_semaphore, #tpu.memory_space<semaphore_mem>>) {add = true}
        %dma_wait3A_62 = arith.constant 0 : i32
        %dma_wait3A_63 = tpu.memref_slice %arg8[%run_scoped3A, %dma_wait3A_62] : memref<16x128xi32, #tpu.memory_space<vmem>> -> memref<1x128xi32, #tpu.memory_space<vmem>>
        %dma_wait3A_64 = tpu.memref_squeeze %dma_wait3A_63 : memref<1x128xi32, #tpu.memory_space<vmem>> -> memref<128xi32, #tpu.memory_space<vmem>>
        %dma_wait3A_65 = arith.constant 0 : i32
        %dma_wait3A_66 = arith.constant 0 : i32
        %dma_wait3A_67 = tpu.memref_slice %arg13[%dma_wait3A_65, %dma_wait3A_66] : memref<10112x128xf32, #tpu.memory_space<vmem_shared>> -> memref<10112x128xf32, #tpu.memory_space<vmem_shared>>
        tpu.wait_indirect_dma semaphore(%run_scoped3A_55 : memref<!tpu.dma_semaphore, #tpu.memory_space<semaphore_mem>>) src(%arg9 : memref<128x128xf32, #tpu.memory_space<vmem>>) dst(%dma_wait3A_67 : memref<10112x128xf32, #tpu.memory_space<vmem_shared>>)
        tpu.yield
      }) : () -> ()
      %dma_wait3A_47 = arith.constant 15 : i32
      %dma_wait3A_48 = arith.constant 0 : i32
      %dma_wait3A_49 = tpu.memref_slice %arg7[%dma_wait3A_47, %dma_wait3A_48] : memref<16x128xi32, #tpu.memory_space<vmem>> -> memref<1x128xi32, #tpu.memory_space<vmem>>
      %dma_wait3A_50 = tpu.memref_squeeze %dma_wait3A_49 : memref<1x128xi32, #tpu.memory_space<vmem>> -> memref<128xi32, #tpu.memory_space<vmem>>
      %dma_wait3A_51 = arith.constant 0 : i32
      %dma_wait3A_52 = arith.constant 0 : i32
      %dma_wait3A_53 = tpu.memref_slice %arg2[%dma_wait3A_51, %dma_wait3A_52] : memref<10000x128xf32, #tpu.memory_space<hbm>> -> memref<10000x128xf32, #tpu.memory_space<hbm>>
      tpu.wait_indirect_dma semaphore(%arg12 : memref<!tpu.dma_semaphore, #tpu.memory_space<semaphore_mem>>) src(%dma_wait3A_53 : memref<10000x128xf32, #tpu.memory_space<hbm>>) dst(%arg10 : memref<128x128xf32, #tpu.memory_space<vmem>>)
      %run_scoped3A_54 = arith.constant 15 : i32
      "tpu.region"() ({
        %run_scoped3A_55 = tpu.sem_alloc : memref<!tpu.dma_semaphore, #tpu.memory_space<semaphore_mem>>
        %dma_start3A_56 = arith.constant 0 : i32
        %dma_start3A_57 = tpu.memref_slice %arg8[%run_scoped3A_54, %dma_start3A_56] : memref<16x128xi32, #tpu.memory_space<vmem>> -> memref<1x128xi32, #tpu.memory_space<vmem>>
        %dma_start3A_58 = tpu.memref_squeeze %dma_start3A_57 : memref<1x128xi32, #tpu.memory_space<vmem>> -> memref<128xi32, #tpu.memory_space<vmem>>
        %dma_start3A_59 = arith.constant 0 : i32
        %dma_start3A_60 = arith.constant 0 : i32
        %dma_start3A_61 = tpu.memref_slice %arg13[%dma_start3A_59, %dma_start3A_60] : memref<10112x128xf32, #tpu.memory_space<vmem_shared>> -> memref<10112x128xf32, #tpu.memory_space<vmem_shared>>
        tpu.enqueue_indirect_dma source(%arg10 : memref<128x128xf32, #tpu.memory_space<vmem>>) target(%dma_start3A_61 : memref<10112x128xf32, #tpu.memory_space<vmem_shared>>) offsets(%dma_start3A_58 : memref<128xi32, #tpu.memory_space<vmem>>) semaphore(%run_scoped3A_55 : memref<!tpu.dma_semaphore, #tpu.memory_space<semaphore_mem>>) {add = true}
        %dma_wait3A_62 = arith.constant 0 : i32
        %dma_wait3A_63 = tpu.memref_slice %arg8[%run_scoped3A_54, %dma_wait3A_62] : memref<16x128xi32, #tpu.memory_space<vmem>> -> memref<1x128xi32, #tpu.memory_space<vmem>>
        %dma_wait3A_64 = tpu.memref_squeeze %dma_wait3A_63 : memref<1x128xi32, #tpu.memory_space<vmem>> -> memref<128xi32, #tpu.memory_space<vmem>>
        %dma_wait3A_65 = arith.constant 0 : i32
        %dma_wait3A_66 = arith.constant 0 : i32
        %dma_wait3A_67 = tpu.memref_slice %arg13[%dma_wait3A_65, %dma_wait3A_66] : memref<10112x128xf32, #tpu.memory_space<vmem_shared>> -> memref<10112x128xf32, #tpu.memory_space<vmem_shared>>
        tpu.wait_indirect_dma semaphore(%run_scoped3A_55 : memref<!tpu.dma_semaphore, #tpu.memory_space<semaphore_mem>>) src(%arg10 : memref<128x128xf32, #tpu.memory_space<vmem>>) dst(%dma_wait3A_67 : memref<10112x128xf32, #tpu.memory_space<vmem_shared>>)
        tpu.yield
      }) : () -> ()
    }
    %scan3A_10 = arith.constant 5 : i32
    %barrier3A_11 = arith.constant 0 : index
    tpu.barrier barrier_id(%barrier3A_11)
    %mul3A_12 = arith.constant 632 : i32
    %mul3A_13 = arith.muli %arg1, %mul3A_12 : i32
    %mul3A_14 = arith.constant 632 : i32
    %mul3A_15 = arith.muli %arg1, %mul3A_14 : i32
    "tpu.region"() ({
      %run_scoped3A = tpu.sem_alloc : memref<!tpu.dma_semaphore, #tpu.memory_space<semaphore_mem>>
      %dma_start3A = arith.constant 0 : i32
      %dma_start3A_16 = tpu.memref_slice %arg6[%arg0, %mul3A_15, %dma_start3A] : memref<2x10112x128xf32, #tpu.memory_space<hbm>> -> memref<1x632x128xf32, #tpu.memory_space<hbm>>
      %dma_start3A_17 = tpu.memref_squeeze %dma_start3A_16 : memref<1x632x128xf32, #tpu.memory_space<hbm>> -> memref<632x128xf32, #tpu.memory_space<hbm>>
      %dma_start3A_18 = arith.constant 0 : i32
      %dma_start3A_19 = tpu.memref_slice %arg13[%mul3A_13, %dma_start3A_18] : memref<10112x128xf32, #tpu.memory_space<vmem_shared>> -> memref<632x128xf32, #tpu.memory_space<vmem_shared>>
      tpu.enqueue_dma source(%dma_start3A_19 : memref<632x128xf32, #tpu.memory_space<vmem_shared>>) target(%dma_start3A_17 : memref<632x128xf32, #tpu.memory_space<hbm>>) target_semaphore(%run_scoped3A : memref<!tpu.dma_semaphore, #tpu.memory_space<semaphore_mem>>)
      %dma_wait3A = arith.constant 0 : i32
      %dma_wait3A_20 = tpu.memref_slice %arg6[%arg0, %mul3A_15, %dma_wait3A] : memref<2x10112x128xf32, #tpu.memory_space<hbm>> -> memref<1x632x128xf32, #tpu.memory_space<hbm>>
      %dma_wait3A_21 = tpu.memref_squeeze %dma_wait3A_20 : memref<1x632x128xf32, #tpu.memory_space<hbm>> -> memref<632x128xf32, #tpu.memory_space<hbm>>
      %dma_wait3A_22 = arith.constant 0 : i32
      %dma_wait3A_23 = tpu.memref_slice %arg13[%mul3A_13, %dma_wait3A_22] : memref<10112x128xf32, #tpu.memory_space<vmem_shared>> -> memref<632x128xf32, #tpu.memory_space<vmem_shared>>
      tpu.wait_dma2 semaphore(%run_scoped3A : memref<!tpu.dma_semaphore, #tpu.memory_space<semaphore_mem>>) src(%dma_wait3A_23 : memref<632x128xf32, #tpu.memory_space<vmem_shared>>) dst(%dma_wait3A_21 : memref<632x128xf32, #tpu.memory_space<hbm>>)
      tpu.yield
    }) : () -> ()
    return
  }
}

#map = affine_map<(d0, d1) -> (0, 0, 0)>
#map1 = affine_map<(d0, d1) -> (0, 0)>
#map2 = affine_map<(d0, d1) -> (0, 0, 0, 0)>
module attributes {stable_mosaic.version = 14 : i64} {
  func.func @_deg_body(%arg0: i32, %arg1: i32, %arg2: memref<32x80x128xi32, #tpu.memory_space<hbm>>, %arg3: memref<128x16xf32, #tpu.memory_space<hbm>>, %arg4: memref<16x632x16xf32, #tpu.memory_space<hbm>>, %arg5: memref<2x16x632x16xf32, #tpu.memory_space<hbm>>, %arg6: memref<80x128xi32, #tpu.memory_space<vmem>>, %arg7: memref<128x16xf32, #tpu.memory_space<vmem>>, %arg8: memref<10112x16xf32, #tpu.memory_space<vmem_shared>>) attributes {dimension_semantics = [#tpu.dimension_semantics<core_parallel>, #tpu.dimension_semantics<subcore_parallel>], iteration_bounds = array<i64: 2, 16>, scalar_prefetch = 0 : i64, scratch_operands = 3 : i64, tpu.core_type = #tpu.core_type<sc_vector_subcore>, window_params = [{transform_indices = #map}, {transform_indices = #map1}, {transform_indices = #map}, {transform_indices = #map2}]} {
    %mul3A = arith.constant 16 : i32
    %mul3A_0 = arith.muli %arg0, %mul3A : i32
    %add3A = arith.addi %mul3A_0, %arg1 : i32
    "tpu.region"() ({
      %run_scoped3A = tpu.sem_alloc : memref<!tpu.dma_semaphore, #tpu.memory_space<semaphore_mem>>
      %dma_start3A = arith.constant 0 : i32
      %dma_start3A_10 = arith.constant 0 : i32
      %dma_start3A_11 = tpu.memref_slice %arg2[%add3A, %dma_start3A, %dma_start3A_10] : memref<32x80x128xi32, #tpu.memory_space<hbm>> -> memref<1x80x128xi32, #tpu.memory_space<hbm>>
      %dma_start3A_12 = tpu.memref_squeeze %dma_start3A_11 : memref<1x80x128xi32, #tpu.memory_space<hbm>> -> memref<80x128xi32, #tpu.memory_space<hbm>>
      %dma_start3A_13 = arith.constant 0 : i32
      %dma_start3A_14 = arith.constant 0 : i32
      %dma_start3A_15 = tpu.memref_slice %arg2[%add3A, %dma_start3A_13, %dma_start3A_14] : memref<32x80x128xi32, #tpu.memory_space<hbm>> -> memref<1x80x128xi32, #tpu.memory_space<hbm>>
      %dma_start3A_16 = tpu.memref_squeeze %dma_start3A_15 : memref<1x80x128xi32, #tpu.memory_space<hbm>> -> memref<80x128xi32, #tpu.memory_space<hbm>>
      tpu.enqueue_dma source(%dma_start3A_16 : memref<80x128xi32, #tpu.memory_space<hbm>>) target(%arg6 : memref<80x128xi32, #tpu.memory_space<vmem>>) target_semaphore(%run_scoped3A : memref<!tpu.dma_semaphore, #tpu.memory_space<semaphore_mem>>)
      %dma_wait3A = arith.constant 0 : i32
      %dma_wait3A_17 = arith.constant 0 : i32
      %dma_wait3A_18 = tpu.memref_slice %arg2[%add3A, %dma_wait3A, %dma_wait3A_17] : memref<32x80x128xi32, #tpu.memory_space<hbm>> -> memref<1x80x128xi32, #tpu.memory_space<hbm>>
      %dma_wait3A_19 = tpu.memref_squeeze %dma_wait3A_18 : memref<1x80x128xi32, #tpu.memory_space<hbm>> -> memref<80x128xi32, #tpu.memory_space<hbm>>
      %dma_wait3A_20 = arith.constant 0 : i32
      %dma_wait3A_21 = arith.constant 0 : i32
      %dma_wait3A_22 = tpu.memref_slice %arg2[%add3A, %dma_wait3A_20, %dma_wait3A_21] : memref<32x80x128xi32, #tpu.memory_space<hbm>> -> memref<1x80x128xi32, #tpu.memory_space<hbm>>
      %dma_wait3A_23 = tpu.memref_squeeze %dma_wait3A_22 : memref<1x80x128xi32, #tpu.memory_space<hbm>> -> memref<80x128xi32, #tpu.memory_space<hbm>>
      tpu.wait_dma2 semaphore(%run_scoped3A : memref<!tpu.dma_semaphore, #tpu.memory_space<semaphore_mem>>) src(%dma_wait3A_23 : memref<80x128xi32, #tpu.memory_space<hbm>>) dst(%arg6 : memref<80x128xi32, #tpu.memory_space<vmem>>)
      tpu.yield
    }) : () -> ()
    "tpu.region"() ({
      %run_scoped3A = tpu.sem_alloc : memref<!tpu.dma_semaphore, #tpu.memory_space<semaphore_mem>>
      tpu.enqueue_dma source(%arg3 : memref<128x16xf32, #tpu.memory_space<hbm>>) target(%arg7 : memref<128x16xf32, #tpu.memory_space<vmem>>) target_semaphore(%run_scoped3A : memref<!tpu.dma_semaphore, #tpu.memory_space<semaphore_mem>>)
      tpu.wait_dma2 semaphore(%run_scoped3A : memref<!tpu.dma_semaphore, #tpu.memory_space<semaphore_mem>>) src(%arg3 : memref<128x16xf32, #tpu.memory_space<hbm>>) dst(%arg7 : memref<128x16xf32, #tpu.memory_space<vmem>>)
      tpu.yield
    }) : () -> ()
    %mul3A_1 = arith.constant 632 : i32
    %mul3A_2 = arith.muli %arg1, %mul3A_1 : i32
    "tpu.region"() ({
      %run_scoped3A = tpu.sem_alloc : memref<!tpu.dma_semaphore, #tpu.memory_space<semaphore_mem>>
      %dma_start3A = arith.constant 0 : i32
      %dma_start3A_10 = tpu.memref_slice %arg8[%mul3A_2, %dma_start3A] : memref<10112x16xf32, #tpu.memory_space<vmem_shared>> -> memref<632x16xf32, #tpu.memory_space<vmem_shared>>
      %dma_start3A_11 = arith.constant 0 : i32
      %dma_start3A_12 = arith.constant 0 : i32
      %dma_start3A_13 = tpu.memref_slice %arg4[%arg1, %dma_start3A_11, %dma_start3A_12] : memref<16x632x16xf32, #tpu.memory_space<hbm>> -> memref<1x632x16xf32, #tpu.memory_space<hbm>>
      %dma_start3A_14 = tpu.memref_squeeze %dma_start3A_13 : memref<1x632x16xf32, #tpu.memory_space<hbm>> -> memref<632x16xf32, #tpu.memory_space<hbm>>
      tpu.enqueue_dma source(%dma_start3A_14 : memref<632x16xf32, #tpu.memory_space<hbm>>) target(%dma_start3A_10 : memref<632x16xf32, #tpu.memory_space<vmem_shared>>) target_semaphore(%run_scoped3A : memref<!tpu.dma_semaphore, #tpu.memory_space<semaphore_mem>>)
      %dma_wait3A = arith.constant 0 : i32
      %dma_wait3A_15 = tpu.memref_slice %arg8[%mul3A_2, %dma_wait3A] : memref<10112x16xf32, #tpu.memory_space<vmem_shared>> -> memref<632x16xf32, #tpu.memory_space<vmem_shared>>
      %dma_wait3A_16 = arith.constant 0 : i32
      %dma_wait3A_17 = arith.constant 0 : i32
      %dma_wait3A_18 = tpu.memref_slice %arg4[%arg1, %dma_wait3A_16, %dma_wait3A_17] : memref<16x632x16xf32, #tpu.memory_space<hbm>> -> memref<1x632x16xf32, #tpu.memory_space<hbm>>
      %dma_wait3A_19 = tpu.memref_squeeze %dma_wait3A_18 : memref<1x632x16xf32, #tpu.memory_space<hbm>> -> memref<632x16xf32, #tpu.memory_space<hbm>>
      tpu.wait_dma2 semaphore(%run_scoped3A : memref<!tpu.dma_semaphore, #tpu.memory_space<semaphore_mem>>) src(%dma_wait3A_19 : memref<632x16xf32, #tpu.memory_space<hbm>>) dst(%dma_wait3A_15 : memref<632x16xf32, #tpu.memory_space<vmem_shared>>)
      tpu.yield
    }) : () -> ()
    %barrier3A = arith.constant 0 : index
    tpu.barrier barrier_id(%barrier3A)
    %scan3A = arith.constant 0 : i32
    %scan3A_3 = arith.constant 80 : i32
    %scan3A_4 = arith.addi %scan3A, %scan3A_3 : i32
    %scan3A_5 = arith.constant 1 : i32
    scf.for %scan3A_10 = %scan3A to %scan3A_4 step %scan3A_5  : i32 {
      "tpu.region"() ({
        %run_scoped3A = tpu.sem_alloc : memref<!tpu.dma_semaphore, #tpu.memory_space<semaphore_mem>>
        %dma_start3A = arith.constant 0 : i32
        %dma_start3A_11 = tpu.memref_slice %arg6[%scan3A_10, %dma_start3A] : memref<80x128xi32, #tpu.memory_space<vmem>> -> memref<1x128xi32, #tpu.memory_space<vmem>>
        %dma_start3A_12 = tpu.memref_squeeze %dma_start3A_11 : memref<1x128xi32, #tpu.memory_space<vmem>> -> memref<128xi32, #tpu.memory_space<vmem>>
        %dma_start3A_13 = arith.constant 0 : i32
        %dma_start3A_14 = arith.constant 0 : i32
        %dma_start3A_15 = tpu.memref_slice %arg8[%dma_start3A_13, %dma_start3A_14] : memref<10112x16xf32, #tpu.memory_space<vmem_shared>> -> memref<10112x16xf32, #tpu.memory_space<vmem_shared>>
        tpu.enqueue_indirect_dma source(%arg7 : memref<128x16xf32, #tpu.memory_space<vmem>>) target(%dma_start3A_15 : memref<10112x16xf32, #tpu.memory_space<vmem_shared>>) offsets(%dma_start3A_12 : memref<128xi32, #tpu.memory_space<vmem>>) semaphore(%run_scoped3A : memref<!tpu.dma_semaphore, #tpu.memory_space<semaphore_mem>>) {add = true}
        %dma_wait3A = arith.constant 0 : i32
        %dma_wait3A_16 = tpu.memref_slice %arg6[%scan3A_10, %dma_wait3A] : memref<80x128xi32, #tpu.memory_space<vmem>> -> memref<1x128xi32, #tpu.memory_space<vmem>>
        %dma_wait3A_17 = tpu.memref_squeeze %dma_wait3A_16 : memref<1x128xi32, #tpu.memory_space<vmem>> -> memref<128xi32, #tpu.memory_space<vmem>>
        %dma_wait3A_18 = arith.constant 0 : i32
        %dma_wait3A_19 = arith.constant 0 : i32
        %dma_wait3A_20 = tpu.memref_slice %arg8[%dma_wait3A_18, %dma_wait3A_19] : memref<10112x16xf32, #tpu.memory_space<vmem_shared>> -> memref<10112x16xf32, #tpu.memory_space<vmem_shared>>
        tpu.wait_indirect_dma semaphore(%run_scoped3A : memref<!tpu.dma_semaphore, #tpu.memory_space<semaphore_mem>>) src(%arg7 : memref<128x16xf32, #tpu.memory_space<vmem>>) dst(%dma_wait3A_20 : memref<10112x16xf32, #tpu.memory_space<vmem_shared>>)
        tpu.yield
      }) : () -> ()
    }
    %scan3A_6 = arith.constant 80 : i32
    %barrier3A_7 = arith.constant 0 : index
    tpu.barrier barrier_id(%barrier3A_7)
    %mul3A_8 = arith.constant 632 : i32
    %mul3A_9 = arith.muli %arg1, %mul3A_8 : i32
    "tpu.region"() ({
      %run_scoped3A = tpu.sem_alloc : memref<!tpu.dma_semaphore, #tpu.memory_space<semaphore_mem>>
      %dma_start3A = arith.constant 0 : i32
      %dma_start3A_10 = arith.constant 0 : i32
      %dma_start3A_11 = tpu.memref_slice %arg5[%arg0, %arg1, %dma_start3A, %dma_start3A_10] : memref<2x16x632x16xf32, #tpu.memory_space<hbm>> -> memref<1x1x632x16xf32, #tpu.memory_space<hbm>>
      %dma_start3A_12 = tpu.memref_squeeze %dma_start3A_11 : memref<1x1x632x16xf32, #tpu.memory_space<hbm>> -> memref<632x16xf32, #tpu.memory_space<hbm>>
      %dma_start3A_13 = arith.constant 0 : i32
      %dma_start3A_14 = tpu.memref_slice %arg8[%mul3A_9, %dma_start3A_13] : memref<10112x16xf32, #tpu.memory_space<vmem_shared>> -> memref<632x16xf32, #tpu.memory_space<vmem_shared>>
      tpu.enqueue_dma source(%dma_start3A_14 : memref<632x16xf32, #tpu.memory_space<vmem_shared>>) target(%dma_start3A_12 : memref<632x16xf32, #tpu.memory_space<hbm>>) target_semaphore(%run_scoped3A : memref<!tpu.dma_semaphore, #tpu.memory_space<semaphore_mem>>)
      %dma_wait3A = arith.constant 0 : i32
      %dma_wait3A_15 = arith.constant 0 : i32
      %dma_wait3A_16 = tpu.memref_slice %arg5[%arg0, %arg1, %dma_wait3A, %dma_wait3A_15] : memref<2x16x632x16xf32, #tpu.memory_space<hbm>> -> memref<1x1x632x16xf32, #tpu.memory_space<hbm>>
      %dma_wait3A_17 = tpu.memref_squeeze %dma_wait3A_16 : memref<1x1x632x16xf32, #tpu.memory_space<hbm>> -> memref<632x16xf32, #tpu.memory_space<hbm>>
      %dma_wait3A_18 = arith.constant 0 : i32
      %dma_wait3A_19 = tpu.memref_slice %arg8[%mul3A_9, %dma_wait3A_18] : memref<10112x16xf32, #tpu.memory_space<vmem_shared>> -> memref<632x16xf32, #tpu.memory_space<vmem_shared>>
      tpu.wait_dma2 semaphore(%run_scoped3A : memref<!tpu.dma_semaphore, #tpu.memory_space<semaphore_mem>>) src(%dma_wait3A_19 : memref<632x16xf32, #tpu.memory_space<vmem_shared>>) dst(%dma_wait3A_17 : memref<632x16xf32, #tpu.memory_space<hbm>>)
      tpu.yield
    }) : () -> ()
    return
  }
}

module attributes {stable_mosaic.version = 14 : i64} {
  func.func @_tc1a_body(%arg0: i32, %arg1: memref<1000x128xf32, #tpu.memory_space<vmem>>, %arg2: memref<128x128xf32, #tpu.memory_space<vmem>>, %arg3: memref<1000x128xf32, #tpu.memory_space<vmem>>) attributes {dimension_semantics = [#tpu.dimension_semantics<arbitrary>], iteration_bounds = array<i64: 10>, scalar_prefetch = 0 : i64, scratch_operands = 0 : i64, tpu.core_type = #tpu.core_type<tc>, window_params = [{transform_indices = @transform_0, window_bounds = array<i64: 1000, 128>}, {pipeline_mode = #tpu.pipeline_mode<synchronous>, transform_indices = @transform_1, window_bounds = array<i64: 128, 128>}, {transform_indices = @transform_2, window_bounds = array<i64: 1000, 128>}]} {
    %get3A = arith.constant 0 : index
    %get3A_0 = arith.constant 0 : index
    %get3A_1 = vector.load %arg1[%get3A, %get3A_0] : memref<1000x128xf32, #tpu.memory_space<vmem>>, vector<1000x128xf32>
    %get3A_2 = arith.constant 0 : index
    %get3A_3 = arith.constant 0 : index
    %get3A_4 = vector.load %arg2[%get3A_2, %get3A_3] : memref<128x128xf32, #tpu.memory_space<vmem>>, vector<128x128xf32>
    %dot_general3A = arith.constant dense<0.000000e+00> : vector<1000x128xf32>
    %dot_general3A_5 = tpu.matmul %get3A_1, %get3A_4, %dot_general3A {dimension_numbers = #tpu.dot_dimension_numbers<[1], [0], [0], [1], [0, 0, 1, 1], [], []>, transpose_lhs_hint = false} : vector<1000x128xf32>, vector<128x128xf32>, vector<1000x128xf32> -> vector<1000x128xf32>
    %swap3A = arith.constant 0 : index
    %swap3A_6 = arith.constant 0 : index
    %swap3A_7 = vector.load %arg3[%swap3A, %swap3A_6] : memref<1000x128xf32, #tpu.memory_space<vmem>>, vector<1000x128xf32>
    tpu.vector_store %arg3[%swap3A, %swap3A_6], %dot_general3A_5 {strides = array<i32>} : memref<1000x128xf32, #tpu.memory_space<vmem>>, vector<1000x128xf32>,
    return
  }
  func.func @transform_0(%arg0: i32) -> (i32, i32) {
    %c0_i32 = arith.constant 0 : i32
    %c0_i32_0 = arith.constant 0 : i32
    return %arg0, %c0_i32 : i32, i32
  }
  func.func @transform_1(%arg0: i32) -> (i32, i32) {
    %c0_i32 = arith.constant 0 : i32
    %c0_i32_0 = arith.constant 0 : i32
    %c0_i32_1 = arith.constant 0 : i32
    return %c0_i32, %c0_i32_0 : i32, i32
  }
  func.func @transform_2(%arg0: i32) -> (i32, i32) {
    %c0_i32 = arith.constant 0 : i32
    %c0_i32_0 = arith.constant 0 : i32
    return %arg0, %c0_i32 : i32, i32
  }
}

module attributes {stable_mosaic.version = 14 : i64} {
  func.func @_tc1b_body(%arg0: i32, %arg1: memref<2x1000x16xf32, #tpu.memory_space<vmem>>, %arg2: memref<1000x128xf32, #tpu.memory_space<vmem>>, %arg3: memref<1000x128xf32, #tpu.memory_space<vmem>>) attributes {dimension_semantics = [#tpu.dimension_semantics<arbitrary>], iteration_bounds = array<i64: 10>, scalar_prefetch = 0 : i64, scratch_operands = 0 : i64, tpu.core_type = #tpu.core_type<tc>, window_params = [{transform_indices = @transform_0, window_bounds = array<i64: 2, 1000, 16>}, {transform_indices = @transform_1, window_bounds = array<i64: 1000, 128>}, {transform_indices = @transform_2, window_bounds = array<i64: 1000, 128>}]} {
    %get3A = arith.constant 0 : index
    %get3A_0 = arith.constant 0 : index
    %get3A_1 = vector.load %arg2[%get3A, %get3A_0] : memref<1000x128xf32, #tpu.memory_space<vmem>>, vector<1000x128xf32>
    %get3A_2 = arith.constant 0 : index
    %get3A_3 = arith.constant 0 : index
    %get3A_4 = arith.constant 0 : index
    %get3A_5 = vector.load %arg1[%get3A_2, %get3A_3, %get3A_4] : memref<2x1000x16xf32, #tpu.memory_space<vmem>>, vector<1x1000x16xf32>
    %get3A_6 = vector.shape_cast %get3A_5 : vector<1x1000x16xf32> to vector<1000x16xf32>
    %get3A_7 = arith.constant 1 : index
    %get3A_8 = arith.constant 0 : index
    %get3A_9 = arith.constant 0 : index
    %get3A_10 = vector.load %arg1[%get3A_7, %get3A_8, %get3A_9] : memref<2x1000x16xf32, #tpu.memory_space<vmem>>, vector<1x1000x16xf32>
    %get3A_11 = vector.shape_cast %get3A_10 : vector<1x1000x16xf32> to vector<1000x16xf32>
    %add3A = arith.addf %get3A_6, %get3A_11 : vector<1000x16xf32>
    %slice3A = vector.extract_strided_slice %add3A {offsets = [0, 0], sizes = [1000, 1], strides = [1, 1]} : vector<1000x16xf32> to vector<1000x1xf32>
    %add3A_12 = arith.constant 2.000000e+00 : f32
    %add3A_13 = vector.broadcast %add3A_12 : f32 to vector<1000x1xf32>
    %add3A_14 = arith.addf %slice3A, %add3A_13 : vector<1000x1xf32>
    %rsqrt3A = math.rsqrt %add3A_14 : vector<1000x1xf32>
    %mul3A = vector.broadcast %rsqrt3A : vector<1000x1xf32> to vector<1000x128xf32>
    %mul3A_15 = arith.mulf %get3A_1, %mul3A : vector<1000x128xf32>
    %swap3A = arith.constant 0 : index
    %swap3A_16 = arith.constant 0 : index
    %swap3A_17 = vector.load %arg3[%swap3A, %swap3A_16] : memref<1000x128xf32, #tpu.memory_space<vmem>>, vector<1000x128xf32>
    tpu.vector_store %arg3[%swap3A, %swap3A_16], %mul3A_15 {strides = array<i32>} : memref<1000x128xf32, #tpu.memory_space<vmem>>, vector<1000x128xf32>,
    return
  }
  func.func @transform_0(%arg0: i32) -> (i32, i32, i32) {
    %c0_i32 = arith.constant 0 : i32
    %c0_i32_0 = arith.constant 0 : i32
    %c0_i32_1 = arith.constant 0 : i32
    return %c0_i32, %arg0, %c0_i32_0 : i32, i32, i32
  }
  func.func @transform_1(%arg0: i32) -> (i32, i32) {
    %c0_i32 = arith.constant 0 : i32
    %c0_i32_0 = arith.constant 0 : i32
    return %arg0, %c0_i32 : i32, i32
  }
  func.func @transform_2(%arg0: i32) -> (i32, i32) {
    %c0_i32 = arith.constant 0 : i32
    %c0_i32_0 = arith.constant 0 : i32
    return %arg0, %c0_i32 : i32, i32
  }
}

module attributes {stable_mosaic.version = 14 : i64} {
  func.func @_tc2_body(%arg0: i32, %arg1: memref<2x1000x128xf32, #tpu.memory_space<vmem>>, %arg2: memref<1000x128xf32, #tpu.memory_space<vmem>>, %arg3: memref<2x1000x16xf32, #tpu.memory_space<vmem>>, %arg4: memref<128xf32, #tpu.memory_space<vmem>>, %arg5: memref<128x128xf32, #tpu.memory_space<vmem>>, %arg6: memref<1000x128xf32, #tpu.memory_space<vmem>>) attributes {dimension_semantics = [#tpu.dimension_semantics<arbitrary>], iteration_bounds = array<i64: 10>, scalar_prefetch = 0 : i64, scratch_operands = 0 : i64, tpu.core_type = #tpu.core_type<tc>, window_params = [{transform_indices = @transform_0, window_bounds = array<i64: 2, 1000, 128>}, {transform_indices = @transform_1, window_bounds = array<i64: 1000, 128>}, {transform_indices = @transform_2, window_bounds = array<i64: 2, 1000, 16>}, {pipeline_mode = #tpu.pipeline_mode<synchronous>, transform_indices = @transform_3, window_bounds = array<i64: 128>}, {pipeline_mode = #tpu.pipeline_mode<synchronous>, transform_indices = @transform_4, window_bounds = array<i64: 128, 128>}, {transform_indices = @transform_5, window_bounds = array<i64: 1000, 128>}]} {
    %get3A = arith.constant 0 : index
    %get3A_0 = arith.constant 0 : index
    %get3A_1 = arith.constant 0 : index
    %get3A_2 = vector.load %arg1[%get3A, %get3A_0, %get3A_1] : memref<2x1000x128xf32, #tpu.memory_space<vmem>>, vector<1x1000x128xf32>
    %get3A_3 = vector.shape_cast %get3A_2 : vector<1x1000x128xf32> to vector<1000x128xf32>
    %get3A_4 = arith.constant 1 : index
    %get3A_5 = arith.constant 0 : index
    %get3A_6 = arith.constant 0 : index
    %get3A_7 = vector.load %arg1[%get3A_4, %get3A_5, %get3A_6] : memref<2x1000x128xf32, #tpu.memory_space<vmem>>, vector<1x1000x128xf32>
    %get3A_8 = vector.shape_cast %get3A_7 : vector<1x1000x128xf32> to vector<1000x128xf32>
    %add3A = arith.addf %get3A_3, %get3A_8 : vector<1000x128xf32>
    %get3A_9 = arith.constant 0 : index
    %get3A_10 = arith.constant 0 : index
    %get3A_11 = arith.constant 0 : index
    %get3A_12 = vector.load %arg3[%get3A_9, %get3A_10, %get3A_11] : memref<2x1000x16xf32, #tpu.memory_space<vmem>>, vector<1x1000x16xf32>
    %get3A_13 = vector.shape_cast %get3A_12 : vector<1x1000x16xf32> to vector<1000x16xf32>
    %get3A_14 = arith.constant 1 : index
    %get3A_15 = arith.constant 0 : index
    %get3A_16 = arith.constant 0 : index
    %get3A_17 = vector.load %arg3[%get3A_14, %get3A_15, %get3A_16] : memref<2x1000x16xf32, #tpu.memory_space<vmem>>, vector<1x1000x16xf32>
    %get3A_18 = vector.shape_cast %get3A_17 : vector<1x1000x16xf32> to vector<1000x16xf32>
    %add3A_19 = arith.addf %get3A_13, %get3A_18 : vector<1000x16xf32>
    %slice3A = vector.extract_strided_slice %add3A_19 {offsets = [0, 0], sizes = [1000, 1], strides = [1, 1]} : vector<1000x16xf32> to vector<1000x1xf32>
    %add3A_20 = arith.constant 2.000000e+00 : f32
    %add3A_21 = vector.broadcast %add3A_20 : f32 to vector<1000x1xf32>
    %add3A_22 = arith.addf %slice3A, %add3A_21 : vector<1000x1xf32>
    %rsqrt3A = math.rsqrt %add3A_22 : vector<1000x1xf32>
    %get3A_23 = arith.constant 0 : index
    %get3A_24 = arith.constant 0 : index
    %get3A_25 = vector.load %arg2[%get3A_23, %get3A_24] : memref<1000x128xf32, #tpu.memory_space<vmem>>, vector<1000x128xf32>
    %mul3A = arith.constant 2.000000e+00 : f32
    %mul3A_26 = vector.broadcast %mul3A : f32 to vector<1000x128xf32>
    %mul3A_27 = arith.mulf %mul3A_26, %get3A_25 : vector<1000x128xf32>
    %add3A_28 = arith.addf %add3A, %mul3A_27 : vector<1000x128xf32>
    %mul3A_29 = vector.broadcast %rsqrt3A : vector<1000x1xf32> to vector<1000x128xf32>
    %mul3A_30 = arith.mulf %mul3A_29, %add3A_28 : vector<1000x128xf32>
    %get3A_31 = arith.constant 0 : index
    %get3A_32 = vector.load %arg4[%get3A_31] : memref<128xf32, #tpu.memory_space<vmem>>, vector<128xf32>
    %broadcast_in_dim3A = vector.shape_cast %get3A_32 : vector<128xf32> to vector<1x128xf32>
    %add3A_33 = vector.broadcast %broadcast_in_dim3A : vector<1x128xf32> to vector<1000x128xf32>
    %add3A_34 = arith.addf %mul3A_30, %add3A_33 : vector<1000x128xf32>
    %max3A = arith.constant 0.000000e+00 : f32
    %max3A_35 = vector.broadcast %max3A : f32 to vector<1000x128xf32>
    %max3A_36 = arith.maximumf %add3A_34, %max3A_35 : vector<1000x128xf32>
    %get3A_37 = arith.constant 0 : index
    %get3A_38 = arith.constant 0 : index
    %get3A_39 = vector.load %arg5[%get3A_37, %get3A_38] : memref<128x128xf32, #tpu.memory_space<vmem>>, vector<128x128xf32>
    %dot_general3A = arith.constant dense<0.000000e+00> : vector<1000x128xf32>
    %dot_general3A_40 = tpu.matmul %max3A_36, %get3A_39, %dot_general3A {dimension_numbers = #tpu.dot_dimension_numbers<[1], [0], [0], [1], [0, 0, 1, 1], [], []>, transpose_lhs_hint = false} : vector<1000x128xf32>, vector<128x128xf32>, vector<1000x128xf32> -> vector<1000x128xf32>
    %mul3A_41 = vector.broadcast %rsqrt3A : vector<1000x1xf32> to vector<1000x128xf32>
    %mul3A_42 = arith.mulf %dot_general3A_40, %mul3A_41 : vector<1000x128xf32>
    %swap3A = arith.constant 0 : index
    %swap3A_43 = arith.constant 0 : index
    %swap3A_44 = vector.load %arg6[%swap3A, %swap3A_43] : memref<1000x128xf32, #tpu.memory_space<vmem>>, vector<1000x128xf32>
    tpu.vector_store %arg6[%swap3A, %swap3A_43], %mul3A_42 {strides = array<i32>} : memref<1000x128xf32, #tpu.memory_space<vmem>>, vector<1000x128xf32>,
    return
  }
  func.func @transform_0(%arg0: i32) -> (i32, i32, i32) {
    %c0_i32 = arith.constant 0 : i32
    %c0_i32_0 = arith.constant 0 : i32
    %c0_i32_1 = arith.constant 0 : i32
    return %c0_i32, %arg0, %c0_i32_0 : i32, i32, i32
  }
  func.func @transform_1(%arg0: i32) -> (i32, i32) {
    %c0_i32 = arith.constant 0 : i32
    %c0_i32_0 = arith.constant 0 : i32
    return %arg0, %c0_i32 : i32, i32
  }
  func.func @transform_2(%arg0: i32) -> (i32, i32, i32) {
    %c0_i32 = arith.constant 0 : i32
    %c0_i32_0 = arith.constant 0 : i32
    %c0_i32_1 = arith.constant 0 : i32
    return %c0_i32, %arg0, %c0_i32_0 : i32, i32, i32
  }
  func.func @transform_3(%arg0: i32) -> i32 {
    %c0_i32 = arith.constant 0 : i32
    %c0_i32_0 = arith.constant 0 : i32
    return %c0_i32 : i32
  }
  func.func @transform_4(%arg0: i32) -> (i32, i32) {
    %c0_i32 = arith.constant 0 : i32
    %c0_i32_0 = arith.constant 0 : i32
    %c0_i32_1 = arith.constant 0 : i32
    return %c0_i32, %c0_i32_0 : i32, i32
  }
  func.func @transform_5(%arg0: i32) -> (i32, i32) {
    %c0_i32 = arith.constant 0 : i32
    %c0_i32_0 = arith.constant 0 : i32
    return %arg0, %c0_i32 : i32, i32
  }
}

module attributes {stable_mosaic.version = 14 : i64} {
  func.func @_tc3_body(%arg0: i32, %arg1: memref<2x1000x128xf32, #tpu.memory_space<vmem>>, %arg2: memref<1000x128xf32, #tpu.memory_space<vmem>>, %arg3: memref<2x1000x16xf32, #tpu.memory_space<vmem>>, %arg4: memref<128xf32, #tpu.memory_space<vmem>>, %arg5: memref<1000x128xf32, #tpu.memory_space<vmem>>, %arg6: memref<128x64xf32, #tpu.memory_space<vmem>>, %arg7: memref<128x64xf32, #tpu.memory_space<vmem>>, %arg8: memref<64xf32, #tpu.memory_space<vmem>>, %arg9: memref<64x1xf32, #tpu.memory_space<vmem>>, %arg10: memref<1x1xf32, #tpu.memory_space<vmem>>, %arg11: memref<1000x2xf32, #tpu.memory_space<vmem>>, %arg12: memref<1000x1xf32, #tpu.memory_space<vmem>>, %arg13: memref<1000x1xf32, #tpu.memory_space<vmem>>) attributes {dimension_semantics = [#tpu.dimension_semantics<arbitrary>], iteration_bounds = array<i64: 10>, scalar_prefetch = 0 : i64, scratch_operands = 0 : i64, tpu.core_type = #tpu.core_type<tc>, window_params = [{transform_indices = @transform_0, window_bounds = array<i64: 2, 1000, 128>}, {transform_indices = @transform_1, window_bounds = array<i64: 1000, 128>}, {transform_indices = @transform_2, window_bounds = array<i64: 2, 1000, 16>}, {pipeline_mode = #tpu.pipeline_mode<synchronous>, transform_indices = @transform_3, window_bounds = array<i64: 128>}, {transform_indices = @transform_4, window_bounds = array<i64: 1000, 128>}, {pipeline_mode = #tpu.pipeline_mode<synchronous>, transform_indices = @transform_5, window_bounds = array<i64: 128, 64>}, {pipeline_mode = #tpu.pipeline_mode<synchronous>, transform_indices = @transform_6, window_bounds = array<i64: 128, 64>}, {pipeline_mode = #tpu.pipeline_mode<synchronous>, transform_indices = @transform_7, window_bounds = array<i64: 64>}, {pipeline_mode = #tpu.pipeline_mode<synchronous>, transform_indices = @transform_8, window_bounds = array<i64: 64, 1>}, {pipeline_mode = #tpu.pipeline_mode<synchronous>, transform_indices = @transform_9, window_bounds = array<i64: 1, 1>}, {transform_indices = @transform_10, window_bounds = array<i64: 1000, 2>}, {transform_indices = @transform_11, window_bounds = array<i64: 1000, 1>}, {transform_indices = @transform_12, window_bounds = array<i64: 1000, 1>}]} {
    %get3A = arith.constant 0 : index
    %get3A_0 = arith.constant 0 : index
    %get3A_1 = arith.constant 0 : index
    %get3A_2 = vector.load %arg1[%get3A, %get3A_0, %get3A_1] : memref<2x1000x128xf32, #tpu.memory_space<vmem>>, vector<1x1000x128xf32>
    %get3A_3 = vector.shape_cast %get3A_2 : vector<1x1000x128xf32> to vector<1000x128xf32>
    %get3A_4 = arith.constant 1 : index
    %get3A_5 = arith.constant 0 : index
    %get3A_6 = arith.constant 0 : index
    %get3A_7 = vector.load %arg1[%get3A_4, %get3A_5, %get3A_6] : memref<2x1000x128xf32, #tpu.memory_space<vmem>>, vector<1x1000x128xf32>
    %get3A_8 = vector.shape_cast %get3A_7 : vector<1x1000x128xf32> to vector<1000x128xf32>
    %add3A = arith.addf %get3A_3, %get3A_8 : vector<1000x128xf32>
    %get3A_9 = arith.constant 0 : index
    %get3A_10 = arith.constant 0 : index
    %get3A_11 = arith.constant 0 : index
    %get3A_12 = vector.load %arg3[%get3A_9, %get3A_10, %get3A_11] : memref<2x1000x16xf32, #tpu.memory_space<vmem>>, vector<1x1000x16xf32>
    %get3A_13 = vector.shape_cast %get3A_12 : vector<1x1000x16xf32> to vector<1000x16xf32>
    %get3A_14 = arith.constant 1 : index
    %get3A_15 = arith.constant 0 : index
    %get3A_16 = arith.constant 0 : index
    %get3A_17 = vector.load %arg3[%get3A_14, %get3A_15, %get3A_16] : memref<2x1000x16xf32, #tpu.memory_space<vmem>>, vector<1x1000x16xf32>
    %get3A_18 = vector.shape_cast %get3A_17 : vector<1x1000x16xf32> to vector<1000x16xf32>
    %add3A_19 = arith.addf %get3A_13, %get3A_18 : vector<1000x16xf32>
    %slice3A = vector.extract_strided_slice %add3A_19 {offsets = [0, 0], sizes = [1000, 1], strides = [1, 1]} : vector<1000x16xf32> to vector<1000x1xf32>
    %add3A_20 = arith.constant 2.000000e+00 : f32
    %add3A_21 = vector.broadcast %add3A_20 : f32 to vector<1000x1xf32>
    %add3A_22 = arith.addf %slice3A, %add3A_21 : vector<1000x1xf32>
    %rsqrt3A = math.rsqrt %add3A_22 : vector<1000x1xf32>
    %get3A_23 = arith.constant 0 : index
    %get3A_24 = arith.constant 0 : index
    %get3A_25 = vector.load %arg2[%get3A_23, %get3A_24] : memref<1000x128xf32, #tpu.memory_space<vmem>>, vector<1000x128xf32>
    %mul3A = arith.constant 2.000000e+00 : f32
    %mul3A_26 = vector.broadcast %mul3A : f32 to vector<1000x128xf32>
    %mul3A_27 = arith.mulf %mul3A_26, %get3A_25 : vector<1000x128xf32>
    %add3A_28 = arith.addf %add3A, %mul3A_27 : vector<1000x128xf32>
    %mul3A_29 = vector.broadcast %rsqrt3A : vector<1000x1xf32> to vector<1000x128xf32>
    %mul3A_30 = arith.mulf %mul3A_29, %add3A_28 : vector<1000x128xf32>
    %get3A_31 = arith.constant 0 : index
    %get3A_32 = vector.load %arg4[%get3A_31] : memref<128xf32, #tpu.memory_space<vmem>>, vector<128xf32>
    %broadcast_in_dim3A = vector.shape_cast %get3A_32 : vector<128xf32> to vector<1x128xf32>
    %add3A_33 = vector.broadcast %broadcast_in_dim3A : vector<1x128xf32> to vector<1000x128xf32>
    %add3A_34 = arith.addf %mul3A_30, %add3A_33 : vector<1000x128xf32>
    %max3A = arith.constant 0.000000e+00 : f32
    %max3A_35 = vector.broadcast %max3A : f32 to vector<1000x128xf32>
    %max3A_36 = arith.maximumf %add3A_34, %max3A_35 : vector<1000x128xf32>
    %get3A_37 = arith.constant 0 : index
    %get3A_38 = arith.constant 0 : index
    %get3A_39 = vector.load %arg5[%get3A_37, %get3A_38] : memref<1000x128xf32, #tpu.memory_space<vmem>>, vector<1000x128xf32>
    %get3A_40 = arith.constant 0 : index
    %get3A_41 = arith.constant 0 : index
    %get3A_42 = vector.load %arg6[%get3A_40, %get3A_41] : memref<128x64xf32, #tpu.memory_space<vmem>>, vector<128x64xf32>
    %dot_general3A = arith.constant dense<0.000000e+00> : vector<1000x64xf32>
    %dot_general3A_43 = tpu.matmul %get3A_39, %get3A_42, %dot_general3A {dimension_numbers = #tpu.dot_dimension_numbers<[1], [0], [0], [1], [0, 0, 1, 1], [], []>, transpose_lhs_hint = false} : vector<1000x128xf32>, vector<128x64xf32>, vector<1000x64xf32> -> vector<1000x64xf32>
    %get3A_44 = arith.constant 0 : index
    %get3A_45 = arith.constant 0 : index
    %get3A_46 = vector.load %arg7[%get3A_44, %get3A_45] : memref<128x64xf32, #tpu.memory_space<vmem>>, vector<128x64xf32>
    %dot_general3A_47 = arith.constant dense<0.000000e+00> : vector<1000x64xf32>
    %dot_general3A_48 = tpu.matmul %max3A_36, %get3A_46, %dot_general3A_47 {dimension_numbers = #tpu.dot_dimension_numbers<[1], [0], [0], [1], [0, 0, 1, 1], [], []>, transpose_lhs_hint = false} : vector<1000x128xf32>, vector<128x64xf32>, vector<1000x64xf32> -> vector<1000x64xf32>
    %add3A_49 = arith.addf %dot_general3A_43, %dot_general3A_48 : vector<1000x64xf32>
    %get3A_50 = arith.constant 0 : index
    %get3A_51 = vector.load %arg8[%get3A_50] : memref<64xf32, #tpu.memory_space<vmem>>, vector<64xf32>
    %broadcast_in_dim3A_52 = vector.shape_cast %get3A_51 : vector<64xf32> to vector<1x64xf32>
    %add3A_53 = vector.broadcast %broadcast_in_dim3A_52 : vector<1x64xf32> to vector<1000x64xf32>
    %add3A_54 = arith.addf %add3A_49, %add3A_53 : vector<1000x64xf32>
    %max3A_55 = arith.constant 0.000000e+00 : f32
    %max3A_56 = vector.broadcast %max3A_55 : f32 to vector<1000x64xf32>
    %max3A_57 = arith.maximumf %add3A_54, %max3A_56 : vector<1000x64xf32>
    %get3A_58 = arith.constant 0 : index
    %get3A_59 = arith.constant 0 : index
    %get3A_60 = vector.load %arg9[%get3A_58, %get3A_59] : memref<64x1xf32, #tpu.memory_space<vmem>>, vector<64x1xf32>
    %dot_general3A_61 = arith.constant dense<0.000000e+00> : vector<1000x1xf32>
    %dot_general3A_62 = tpu.matmul %max3A_57, %get3A_60, %dot_general3A_61 {dimension_numbers = #tpu.dot_dimension_numbers<[1], [0], [0], [1], [0, 0, 1, 1], [], []>, transpose_lhs_hint = false} : vector<1000x64xf32>, vector<64x1xf32>, vector<1000x1xf32> -> vector<1000x1xf32>
    %get3A_63 = arith.constant 0 : index
    %get3A_64 = arith.constant 0 : index
    %get3A_65 = vector.load %arg10[%get3A_63, %get3A_64] : memref<1x1xf32, #tpu.memory_space<vmem>>, vector<1x1xf32>
    %get3A_66 = vector.extract %get3A_65[0, 0] : f32 from vector<1x1xf32>
    %add3A_67 = vector.broadcast %get3A_66 : f32 to vector<1000x1xf32>
    %add3A_68 = arith.addf %dot_general3A_62, %add3A_67 : vector<1000x1xf32>
    %neg3A = arith.constant 0.000000e+00 : f32
    %neg3A_69 = vector.broadcast %neg3A : f32 to vector<1000x1xf32>
    %neg3A_70 = arith.subf %neg3A_69, %add3A_68 : vector<1000x1xf32>
    %exp3A = math.exp %neg3A_70 : vector<1000x1xf32>
    %add3A_71 = arith.constant 1.000000e+00 : f32
    %add3A_72 = vector.broadcast %add3A_71 : f32 to vector<1000x1xf32>
    %add3A_73 = arith.addf %add3A_72, %exp3A : vector<1000x1xf32>
    %div3A = arith.constant 1.000000e+00 : f32
    %div3A_74 = vector.broadcast %div3A : f32 to vector<1000x1xf32>
    %div3A_75 = arith.divf %div3A_74, %add3A_73 : vector<1000x1xf32>
    %get3A_76 = arith.constant 0 : index
    %get3A_77 = arith.constant 0 : index
    %get3A_78 = vector.load %arg11[%get3A_76, %get3A_77] : memref<1000x2xf32, #tpu.memory_space<vmem>>, vector<1000x1xf32>
    %get3A_79 = arith.constant 0 : index
    %get3A_80 = arith.constant 1 : index
    %get3A_81 = vector.load %arg11[%get3A_79, %get3A_80] : memref<1000x2xf32, #tpu.memory_space<vmem>>, vector<1000x1xf32>
    %log3A = math.log %get3A_78 : vector<1000x1xf32>
    %neg3A_82 = arith.constant 0.000000e+00 : f32
    %neg3A_83 = vector.broadcast %neg3A_82 : f32 to vector<1000x1xf32>
    %neg3A_84 = arith.subf %neg3A_83, %log3A : vector<1000x1xf32>
    %log3A_85 = math.log %neg3A_84 : vector<1000x1xf32>
    %neg3A_86 = arith.constant 0.000000e+00 : f32
    %neg3A_87 = vector.broadcast %neg3A_86 : f32 to vector<1000x1xf32>
    %neg3A_88 = arith.subf %neg3A_87, %log3A_85 : vector<1000x1xf32>
    %log3A_89 = math.log %get3A_81 : vector<1000x1xf32>
    %neg3A_90 = arith.constant 0.000000e+00 : f32
    %neg3A_91 = vector.broadcast %neg3A_90 : f32 to vector<1000x1xf32>
    %neg3A_92 = arith.subf %neg3A_91, %log3A_89 : vector<1000x1xf32>
    %log3A_93 = math.log %neg3A_92 : vector<1000x1xf32>
    %neg3A_94 = arith.constant 0.000000e+00 : f32
    %neg3A_95 = vector.broadcast %neg3A_94 : f32 to vector<1000x1xf32>
    %neg3A_96 = arith.subf %neg3A_95, %log3A_93 : vector<1000x1xf32>
    %swap3A = arith.constant 0 : index
    %swap3A_97 = arith.constant 0 : index
    %swap3A_98 = vector.load %arg12[%swap3A, %swap3A_97] : memref<1000x1xf32, #tpu.memory_space<vmem>>, vector<1000x1xf32>
    tpu.vector_store %arg12[%swap3A, %swap3A_97], %div3A_75 {strides = array<i32>} : memref<1000x1xf32, #tpu.memory_space<vmem>>, vector<1000x1xf32>,
    %add3A_99 = arith.addf %div3A_75, %neg3A_96 : vector<1000x1xf32>
    %sub3A = arith.constant 1.000000e+00 : f32
    %sub3A_100 = vector.broadcast %sub3A : f32 to vector<1000x1xf32>
    %sub3A_101 = arith.subf %sub3A_100, %div3A_75 : vector<1000x1xf32>
    %add3A_102 = arith.addf %sub3A_101, %neg3A_88 : vector<1000x1xf32>
    %gt3A = arith.cmpf ogt, %add3A_99, %add3A_102 : vector<1000x1xf32>
    %jit3A = arith.constant 1.000000e+00 : f32
    %jit3A_103 = arith.constant 0.000000e+00 : f32
    %broadcast_in_dim3A_104 = vector.broadcast %jit3A : f32 to vector<1000x1xf32>
    %broadcast_in_dim3A_105 = vector.broadcast %jit3A_103 : f32 to vector<1000x1xf32>
    %select_n3A = arith.select %gt3A, %broadcast_in_dim3A_104, %broadcast_in_dim3A_105 : vector<1000x1xi1>, vector<1000x1xf32>
    %swap3A_106 = arith.constant 0 : index
    %swap3A_107 = arith.constant 0 : index
    %swap3A_108 = vector.load %arg13[%swap3A_106, %swap3A_107] : memref<1000x1xf32, #tpu.memory_space<vmem>>, vector<1000x1xf32>
    tpu.vector_store %arg13[%swap3A_106, %swap3A_107], %select_n3A {strides = array<i32>} : memref<1000x1xf32, #tpu.memory_space<vmem>>, vector<1000x1xf32>,
    return
  }
  func.func @transform_0(%arg0: i32) -> (i32, i32, i32) {
    %c0_i32 = arith.constant 0 : i32
    %c0_i32_0 = arith.constant 0 : i32
    %c0_i32_1 = arith.constant 0 : i32
    return %c0_i32, %arg0, %c0_i32_0 : i32, i32, i32
  }
  func.func @transform_1(%arg0: i32) -> (i32, i32) {
    %c0_i32 = arith.constant 0 : i32
    %c0_i32_0 = arith.constant 0 : i32
    return %arg0, %c0_i32 : i32, i32
  }
  func.func @transform_2(%arg0: i32) -> (i32, i32, i32) {
    %c0_i32 = arith.constant 0 : i32
    %c0_i32_0 = arith.constant 0 : i32
    %c0_i32_1 = arith.constant 0 : i32
    return %c0_i32, %arg0, %c0_i32_0 : i32, i32, i32
  }
  func.func @transform_3(%arg0: i32) -> i32 {
    %c0_i32 = arith.constant 0 : i32
    %c0_i32_0 = arith.constant 0 : i32
    return %c0_i32 : i32
  }
  func.func @transform_4(%arg0: i32) -> (i32, i32) {
    %c0_i32 = arith.constant 0 : i32
    %c0_i32_0 = arith.constant 0 : i32
    return %arg0, %c0_i32 : i32, i32
  }
  func.func @transform_5(%arg0: i32) -> (i32, i32) {
    %c0_i32 = arith.constant 0 : i32
    %c0_i32_0 = arith.constant 0 : i32
    %c0_i32_1 = arith.constant 0 : i32
    return %c0_i32, %c0_i32_0 : i32, i32
  }
  func.func @transform_6(%arg0: i32) -> (i32, i32) {
    %c0_i32 = arith.constant 0 : i32
    %c0_i32_0 = arith.constant 0 : i32
    %c0_i32_1 = arith.constant 0 : i32
    return %c0_i32, %c0_i32_0 : i32, i32
  }
  func.func @transform_7(%arg0: i32) -> i32 {
    %c0_i32 = arith.constant 0 : i32
    %c0_i32_0 = arith.constant 0 : i32
    return %c0_i32 : i32
  }
  func.func @transform_8(%arg0: i32) -> (i32, i32) {
    %c0_i32 = arith.constant 0 : i32
    %c0_i32_0 = arith.constant 0 : i32
    %c0_i32_1 = arith.constant 0 : i32
    return %c0_i32, %c0_i32_0 : i32, i32
  }
  func.func @transform_9(%arg0: i32) -> (i32, i32) {
    %c0_i32 = arith.constant 0 : i32
    %c0_i32_0 = arith.constant 0 : i32
    %c0_i32_1 = arith.constant 0 : i32
    return %c0_i32, %c0_i32_0 : i32, i32
  }
  func.func @transform_10(%arg0: i32) -> (i32, i32) {
    %c0_i32 = arith.constant 0 : i32
    %c0_i32_0 = arith.constant 0 : i32
    return %arg0, %c0_i32 : i32, i32
  }
  func.func @transform_11(%arg0: i32) -> (i32, i32) {
    %c0_i32 = arith.constant 0 : i32
    %c0_i32_0 = arith.constant 0 : i32
    return %arg0, %c0_i32 : i32, i32
  }
  func.func @transform_12(%arg0: i32) -> (i32, i32) {
    %c0_i32 = arith.constant 0 : i32
    %c0_i32_0 = arith.constant 0 : i32
    return %arg0, %c0_i32 : i32, i32
  }
}

</mosaic_0001>

<sc_bundles>
// kernel: kernel.12.cloned.1.call-start
scs
__scs_entry_jumppad:
0x0: {  	(pc) =	sbr.rel $0x88, $3  }
0x1: {  	(tag) =	ssettag $0x0;
	lr =	simm.s32 $0x1  }
0x2: {  	[smem:$0x3F97] =	sst lr;
	_ =	strace $0xD0000000  }
0x3: {  	_ = 	snop  }
0x4: {  	_ = 	snop  }
0x5: {  	_ = 	snop  }
0x6: {  	_ = 	snop  }
0x7: {  	_ = 	snop  }
__scs_overlays_trampoline_lowered:
0x8: {  	[smem:$0x3FA6] =	sst s0  }
0x9: {  	[smem:$0x3FA7] =	sst s1  }
0xa: {  	[smem:$0x3FA8] =	sst s2  }
0xb: {  	[smem:$0x3FA9] =	sst s3  }
0xc: {  	[smem:$0x3FAA] =	sst s4  }
0xd: {  	[smem:$0x3FAB] =	sst s5  }
0xe: {  	[smem:$0x3FAC] =	sst s6  }
0xf: {  	[smem:$0x3FAD] =	sst s7  }
0x10: {  	[smem:$0x3FAE] =	sst s8  }
0x11: {  	[smem:$0x3FAF] =	sst s9;
	s0 =	simm.s32 @!p0 $0x0  }
0x12: {  	s1 =	sld [smem:$0x3F95];
	s0 =	simm.s32 @p0 $0x1  }
0x13: {  	[smem:$0x3FB0] =	sst s0;
	s0 =	simm.s32 @!p1 $0x0  }
0x14: {  	s2 =	sld [smem:$0x3F94];
	s0 =	simm.s32 @p1 $0x1  }
0x15: {  	[smem:$0x3FB1] =	sst s0;
	s0 =	simm.s32 @!p2 $0x0  }
0x16: {  	s3 =	sld [smem:$0x3FDB];
	s0 =	simm.s32 @p2 $0x1  }
0x17: {  	s4 =	simm.s32 $0x1BF5;
	[smem:$0x3FB3] =	sst s0  }
0x18: {  	s0 =	sld [smem:$0x3F96];
	_ =	swait.ge [sflag:s4], $0x0  }
0x19: {  	s7 =	sld [smem:$0x3F97]  }
0x1a: {  	s8 =	sadd.s32 $0xFFFFE003, lr  }
0x1b: {  	s9 =	sadd.s32 $0xFFFFFEF7, lr;
	s5 =	simm.s32 $0xFFFFFFFF;
	p2 =	slt.u32 s8, $0xFFFFF086  }
0x1c: {  	p1 =	slt.u32 s9, $0xF7A;
	s5 =	simm.s32 @!p2 $0x0  }
0x1d: {  	s5 =	simm.s32 @p1 $0x1;
	p0 =	seq.s32 s7, s2  }
0x1e: {  	s7 =	smul.u32 @!p0 $0xF7A, s2;
	p2 =	seq.s32 @!p0 s5, $0x0  }
0x1f: {  	s9 =	smul.u32 $0xF7A, s1;
	s8 =	simm.s32 @!p0 $0x1BF5;
	p2 =	por !p2, p0  }
0x20: {  	[sflag:s8] =	ssyncset.s32 @!p0 $0xFFFFF086;
	s6 =	sadd.s32 @!p0 s3, s7;
	s7 =	simm.s32 @!p0 $0x108  }
0x21: {  	s3 =	sadd.s32 s3, s9;
	s6 =	sadd.s32 @!p0 $0x88, s6;
	s7 =	simm.s32 @p2 $0x1082  }
0x22: {  	[simem:s7], [sflag:s8] =	dma.local @!p0 [hbm:s6], $0xF7A  }
0x23: {  	s9 =	sor.u32 $0xD0000000, s2;
	s6 =	simm.s32 $0x108;
	_ =	swait.ge @!p0 [sflag:s8], $0x0  }
0x24: {  	s3 =	sadd.s32 $0x88, s3;
	s6 =	simm.s32 @!p1 $0x1082;
	[sflag:s4] =	ssyncset.s32 $0xFFFFF086  }
0x25: {  	[simem:s6], [sflag:s4] =	dma.local [hbm:s3], $0xF7A  }
0x26: {  	[smem:$0x3F97] =	sst s1;
	(tag) =	ssettag s2;
	_ =	strace s9  }
0x27: {  	s1 =	sld [smem:$0x3FA7]  }
0x28: {  	s2 =	sld [smem:$0x3FA8]  }
0x29: {  	s4 =	sld [smem:$0x3FAA]  }
0x2a: {  	p0 =	seq.s32 s5, $0x0;
	s5 =	sld [smem:$0x3FAB]  }
0x2b: {  	s6 =	sld [smem:$0x3FAC]  }
0x2c: {  	s7 =	sld [smem:$0x3FAD]  }
0x2d: {  	s3 =	simm.s32 $0x108;
	s8 =	sld [smem:$0x3FAE]  }
0x2e: {  	s3 =	simm.s32 @!p0 $0x1082;
	s9 =	sld [smem:$0x3FAF]  }
0x2f: {  	lr =	sadd.s32 s0, s3;
	s0 =	sld [smem:$0x3FA6]  }
0x30: {  	s3 =	sld [smem:$0x3FA9]  }
0x31: {  	[smem:$0x3FB2] =	sst s10  }
0x32: {  	s10 =	sld [smem:$0x3FB0];
	_ =	sdelay $0x3  }
0x33: {  	p0 =	seq.s32 s10, $0x1;
	s10 =	sld [smem:$0x3FB2];
	_ =	sdelay $0x3  }
0x34: {  	[smem:$0x3FB2] =	sst s10  }
0x35: {  	s10 =	sld [smem:$0x3FB1];
	_ =	sdelay $0x3  }
0x36: {  	p1 =	seq.s32 s10, $0x1;
	s10 =	sld [smem:$0x3FB2];
	_ =	sdelay $0x3  }
0x37: {  	[smem:$0x3FB2] =	sst s10  }
0x38: {  	s10 =	sld [smem:$0x3FB3]  }
0x39: {  	_ = 	snop;
	(pc) =	sbr.ind lr, $3  }
0x3a: {  	_ = 	snop  }
0x3b: {  	_ = 	snop  }
0x3c: {  	p2 =	seq.s32 s10, $0x1;
	s10 =	sld [smem:$0x3FB2]  }
0x3d: {  	_ =	shalt  }
0x3e: {  	_ =	shalt  }
0x3f: {  	_ =	shalt  }
0x40: {  	_ =	shalt  }
0x41: {  	_ =	shalt  }
0x42: {  	_ =	shalt  }
0x43: {  	_ =	shalt  }
0x44: {  	_ =	shalt  }
0x45: {  	_ =	shalt  }
0x46: {  	_ =	shalt  }
0x47: {  	_ =	shalt  }
0x48: {  	_ =	shalt  }
0x49: {  	_ =	shalt  }
0x4a: {  	_ =	shalt  }
0x4b: {  	_ =	shalt  }
0x4c: {  	_ =	shalt  }
0x4d: {  	_ =	shalt  }
0x4e: {  	_ =	shalt  }
0x4f: {  	_ =	shalt  }
0x50: {  	_ =	shalt  }
0x51: {  	_ =	shalt  }
0x52: {  	_ =	shalt  }
0x53: {  	_ =	shalt  }
0x54: {  	_ =	shalt  }
0x55: {  	_ =	shalt  }
0x56: {  	_ =	shalt  }
0x57: {  	_ =	shalt  }
0x58: {  	_ =	shalt  }
0x59: {  	_ =	shalt  }
0x5a: {  	_ =	shalt  }
0x5b: {  	_ =	shalt  }
0x5c: {  	_ =	shalt  }
0x5d: {  	_ =	shalt  }
0x5e: {  	_ =	shalt  }
0x5f: {  	_ =	shalt  }
0x60: {  	_ =	shalt  }
0x61: {  	_ =	shalt  }
0x62: {  	_ =	shalt  }
0x63: {  	_ =	shalt  }
0x64: {  	_ =	shalt  }
0x65: {  	_ =	shalt  }
0x66: {  	_ =	shalt  }
0x67: {  	_ =	shalt  }
0x68: {  	_ =	shalt  }
0x69: {  	_ =	shalt  }
0x6a: {  	_ =	shalt  }
0x6b: {  	_ =	shalt  }
0x6c: {  	_ =	shalt  }
0x6d: {  	_ =	shalt  }
0x6e: {  	_ =	shalt  }
0x6f: {  	_ =	shalt  }
0x70: {  	_ =	shalt  }
0x71: {  	_ =	shalt  }
0x72: {  	_ =	shalt  }
0x73: {  	_ =	shalt  }
0x74: {  	_ =	shalt  }
0x75: {  	_ =	shalt  }
0x76: {  	_ =	shalt  }
0x77: {  	_ =	shalt  }
0x78: {  	_ =	shalt  }
0x79: {  	_ =	shalt  }
0x7a: {  	_ =	shalt  }
0x7b: {  	_ =	shalt  }
0x7c: {  	_ =	shalt  }
0x7d: {  	_ =	shalt  }
0x7e: {  	_ =	shalt  }
0x7f: {  	_ =	shalt  }
0x80: {  	_ =	shalt  }
0x81: {  	_ =	shalt  }
0x82: {  	_ =	shalt  }
0x83: {  	_ =	shalt  }
0x84: {  	_ =	shalt  }
0x85: {  	_ =	shalt  }
0x86: {  	_ =	shalt  }
0x87: {  	_ =	shalt  }
.Lfunc_end0:
.L_simem_size_0:
called_computation.1_lowered:
.L_overlay_start_0:
0x88: {  	s2 =	sld [smem:$0x3FD9]  }
0x89: {  	s3 =	sld [smem:$0x3FFE];
	_ =	sdelay $0x1  }
0x8a: {  	s1 =	srdreg.scid  }
0x8b: {  	s0 =	sand.u32 $0x1, s1  }
0x8c: {  	s16 =	sshll.u32 s0, $0xA;
	s2 =	sadd.s32 s3, s2  }
0x8d: {  	s2 =	sadd.s32 s2, s16  }
0x8e: {  	[smem:$0x3FBE] =	sst s2  }
0x8f: {  	_ = 	snop  }
0x90: {  	(tm) =	ssettm $0x1  }
0x91: {  	s17 =	sld [smem:$0x3FFB];
	_ =	sdelay $0x3  }
0x92: {  	_ =	strace s17  }
0x93: {  	s2 =	sld [smem:$0x3FFC];
	_ =	sdelay $0x3  }
0x94: {  	_ =	strace s2  }
0x95: {  	s2 =	sld [smem:$0x3FFD];
	_ =	sdelay $0x3  }
0x96: {  	_ =	strace s2  }
0x97: {  	_ =	strace $0x8FFFFFFF  }
0x98: {  	s18 =	sld [smem:$0x3FDB];
	_ =	sdelay $0x1  }
0x99: {  	s19 =	simm.s32 $_scs_section_size  }
0x9a: {  	s4 =	simm.s32 $_size__tile_overlayer_lowered;
	s5 =	simm.s32 $_tile_overlayer_lowered  }
0x9b: {  	s22 =	simm.s32 $0x1BFF;
	s21 =	sshll.u32 s5, $0x1;
	s2 =	sadd.s32 s19, s18  }
0x9c: {  	s6 =	simm.s32 $0x0;
	s20 =	sshll.u32 s4, $0x1;
	s4 =	sadd.s32 s21, s2  }
0x9d: {  	[timem:s6], [sflag:s22] =	dma.local [hbm:s4], s20  }
0x9e: {  	_ =	swait.ge [sflag:s22], s20  }
0x9f: {  	s3 =	ssub.s32 $0x0, s20;
	[sflag:s22] =	ssyncset.done $0x0  }
0xa0: {  	[sflag:s22] =	ssyncadd.s32 s3;
	_ =	sdelay $0x1  }
0xa1: {  	s23 =	simm.s32 $0x1B8B  }
0xa2: {  	_ =	swait.ge [sflag:s23], $0x1  }
0xa3: {  	[sflag:s23] =	ssyncset.done $0x0  }
0xa4: {  	s25 =	simm.s32 $0x1B8E;
	s24 =	sld [smem:$0x3FFE];
	[sflag:s23] =	ssyncadd.s32 $0xFFFFFFFF  }
0xa5: {  	s26 =	simm.s32 $execute0_lowered;
	[smem:$0x3FD2] =	sst s25  }
0xa6: {  	s4 =	sshll.u32 s26, $0x1;
	_ =	strace $0x80000049;
	[dreg:$0x1] =	wrdreg $0xFFFFFFFF  }
0xa7: {  	s28 =	simm.s32 $_size_execute0_lowered;
	s2 =	sadd.s32 s2, s4;
	[dreg:$0x0] =	wrdreg $0x0  }
0xa8: {  	s4 =	sshll.u32 s28, $0x1;
	[dreg:$0x2] =	wrdreg s2  }
0xa9: {  	[dreg:$0x3] =	wrdreg s4  }
0xaa: {  	[dreg:$0x4] =	wrdreg $0xC0  }
0xab: {  	_ =	task [dreg:s6], $0x5FFFF  }
0xac: {  	[dreg:$0x1] =	wrdreg $0xFFFFFFFF  }
0xad: {  	[dreg:$0x0] =	wrdreg $0x60  }
0xae: {  	[dreg:$0x2] =	wrdreg s24  }
0xaf: {  	[dreg:$0x3] =	wrdreg $0x90000  }
0xb0: {  	[dreg:$0x4] =	wrdreg $0x9  }
0xb1: {  	_ =	task.clear_ibuf [dreg:s6], $0x5FFFF;
	_ =	strace $0x90000049  }
0xb2: {  	s29 =	simm.s32 $0x9;
	_ =	strace $0x8000004B  }
0xb3: {  	_ =	swait.ge [sflag:s29], $0x1  }
0xb4: {  	[sflag:s29] =	ssyncadd.s32 $0xFFFFFFFF  }
0xb5: {  	_ =	strace $0x9000004B  }
0xb6: {  	_ =	sfence  }
0xb7: {  	s30 =	sld [smem:$0x0];
	_ =	sdelay $0x2  }
0xb8: {  	s31 =	sshll.u32 s1, $0xD;
	s1 =	sshrl.u32 s1, $0x2  }
0xb9: {  	s3 =	sand.u32 $0x4000, s31;
	s1 =	sadd.s32 s1, s30  }
0xba: {  	s0 =	sor.u32 s3, s0;
	s1 =	sshll.u32 s1, $0x11  }
0xbb: {  	s0 =	sor.u32 s1, s0  }
0xbc: {  	s0 =	sadd.s32 $0x8F2B, s0  }
0xbd: {  	[sflag:s0] =	ssyncadd.remote.s32 $0x1  }
0xbe: {  	_ =	sfence.sel $0xFFFF  }
0xbf: {  	[dreg:$0x0] =	wrdreg $0xFFFFFFFF;
	(pc) =	sbr.abs _section_cstart, $3  }
0xc0: {  	[dreg:$0x1] =	wrdreg $0xFFFFFFFF  }
0xc1: {  	_ =	task.clear_ibuf [dreg:s6], $0x2FFFF;
	_ =	strace $0x9FFFFFFF  }
0xc2: {  	(tm) =	ssettm $0x7FFFFFFF  }
0xc3: {  	_ =	shalt  }
tec
execute0_lowered:
.L_overlay_start_1:
0x0: {  	(tag) =	ssettag $0x1  }
0x1: {  	s0 =	srdreg.scid;
	s1 =	rddreg [dreg:$0x0]  }
0x2: {  	s10 =	stileid.u32;
	s2 =	rddreg [dreg:$0x1]  }
0x3: {  	s3 =	simm.s32 $0x0;
	s13 =	simm.s32 $0x100;
	s15 =	simm.s32 $0x880  }
0x4: {  	s17 =	simm.s32 $0x180;
	s18 =	simm.s32 $0x900;
	s19 =	simm.s32 $0x200  }
0x5: {  	s20 =	simm.s32 $0x980;
	s21 =	simm.s32 $0x280;
	[smem:$0x7FF] =	sst s3  }
0x6: {  	s22 =	simm.s32 $0xA00;
	_ =	strace $0x8000004A;
	[dreg:$0x5] =	wrdreg s13  }
0x7: {  	s23 =	simm.s32 $0x300;
	s24 =	simm.s32 $0xA80;
	[dreg:$0x6] =	wrdreg s15  }
0x8: {  	s28 =	simm.s32 $0x680;
	s29 =	simm.s32 $0xE00;
	[dreg:$0x7] =	wrdreg s17  }
0x9: {  	s30 =	simm.s32 $0x700;
	s5 =	smul.u32 $0x2800, s10;
	[dreg:$0x8] =	wrdreg s18  }
0xa: {  	s31 =	simm.s32 $0xE80;
	s25 =	smul.u32 $0x13C00, s10;
	[dreg:$0x9] =	wrdreg s19  }
0xb: {  	s0 =	sand.u32 $0x1, s0;
	s9 =	smul.u32 $0x4F000, s10;
	[dreg:$0xa] =	wrdreg s20  }
0xc: {  	s16 =	sshll.u32 s10, $0x6;
	s4 =	smul.u32 $0x28000, s0;
	[dreg:$0xb] =	wrdreg s21  }
0xd: {  	s10 =	simm.s32 $0x3;
	s7 =	smul.u32 $0x13C000, s0;
	[dreg:$0xc] =	wrdreg s22  }
0xe: {  	s0 =	ssub.s32 $0x2, s0;
	[dreg:$0xd] =	wrdreg s23;
	s13 =	simm.s32 $0x1000  }
0xf: {  	[dreg:$0xe] =	wrdreg s24;
	s15 =	simm.s32 $0x5000;
	s17 =	simm.s32 $0x400  }
0x10: {  	s18 =	simm.s32 $0xB80;
	s19 =	simm.s32 $0x480;
	s20 =	simm.s32 $0xC00  }
0x11: {  	s21 =	simm.s32 $0x500;
	s22 =	simm.s32 $0xC80;
	s23 =	simm.s32 $0x580  }
0x12: {  	s24 =	simm.s32 $0xD00;
	s8 =	sshrl.u32 s25, $0x3;
	s26 =	sshrl.u32 s0, $0x1  }
0x13: {  	s9 =	sshrl.u32 s9, $0x2;
	s4 =	sadd.s32 s5, s4;
	s8 =	sadd.s32 s8, s1  }
0x14: {  	s5 =	sadd.s32 s25, s7;
	s0 =	ssub.s32 s0, s26;
	s12 =	sadd.s32 s9, s2  }
0x15: {  	s25 =	simm.s32 $0x380;
	s26 =	simm.s32 $0xB00;
	s9 =	simm.s32 $0x0  }
0x16: {  	s6 =	sshrl.u32 s4, $0x3;
	s4 =	sadd.s32 $0x7EC00, s1;
	s5 =	sshrl.u32 s5, $0x3  }
0x17: {  	s14 =	sadd.s32 $0xA5E00, s8;
	s0 =	smax.u32 s0, $0x1;
	[dreg:$0xf] =	wrdreg s25  }
0x18: {  	s8 =	sshrl.u32 s12, $0x3;
	s12 =	simm.s32 $0x80;
	[dreg:$0x10] =	wrdreg s26  }
0x19: {  	s25 =	simm.s32 $0x600;
	s26 =	simm.s32 $0xD80;
	[dreg:$0x11] =	wrdreg s14  }
0x1a: {  	s6 =	sadd.s32 s6, s1;
	s1 =	sadd.s32 s5, s1;
	[dreg:$0x14] =	wrdreg s0  }
0x1b: {  	s14 =	simm.s32 $0x1;
	[dreg:$0x15] =	wrdreg s8;
	s7 =	sadd.s32 $0xCE00, s6  }
0x1c: {  	s0 =	simm.s32 $0xF00;
	s11 =	sadd.s32 $0x25C00, s6;
	[dreg:$0x3] =	wrdreg s7  }
0x1d: {  	s5 =	simm.s32 $0xF80;
	s1 =	sadd.s32 $0xCD600, s1;
	[dreg:$0x4] =	wrdreg s11  }
0x1e: {  	s7 =	sor.u32 $0x1C03, s16;
	[dreg:$0x13] =	wrdreg s1;
	s11 =	simm.s32 $0x800  }
0x1f: {  	s16 =	simm.s32 $0x2;
	s1 =	simm.s32 $0x780;
	[dreg:$0x12] =	wrdreg s7  }
.LBB2_1:
0x20: {  	[dreg:$0x16] =	wrdreg s9  }
0x21: {  	s6 =	rddreg [dreg:$0x11]  }
0x22: {  	[spmem:s8], [sflag:s7] =	dma.local [hbm:s6], $0x2780  }
0x23: {  	_ =	swait.ge [sflag:s10], $0x2780  }
0x24: {  	[sflag:s10] =	ssyncset.done $0x0  }
0x25: {  	[sflag:s10] =	ssyncadd.s32 $0xFFFFD880  }
0x26: {  	[bflag:$0x0] =	sbarrier.arrive $0xFFFF  }
0x27: {  	s7 =	rddreg [dreg:$0x4]  }
0x28: {  	s6 =	sadd.s32 $0x0, s7  }
0x29: {  	[tilespmem:s3], [sflag:$0x3] =	stream.linear.gather [hbm4b:s6+s3], $0x800, $0x38;
	[tilespmem:$0x1CC00] =	vst v63  }
0x2a: {  	_ =	swait.ge [sflag:s10], $0x800  }
0x2b: {  	s8 =	rddreg [dreg:$0x3];
	[sflag:s10] =	ssyncset.done $0x0  }
0x2c: {  	[sflag:s10] =	ssyncadd.s32 $0xFFFFF800;
	s6 =	sadd.s32 $0x0, s8  }
0x2d: {  	[tilespmem:s11], [sflag:$0x3] =	stream.linear.gather [hbm4b:s6+s3], $0x800, $0x38;
	[tilespmem:$0x1CC00] =	vst v63  }
0x2e: {  	_ =	swait.ge [sflag:s10], $0x800  }
0x2f: {  	[sflag:s10] =	ssyncset.done $0x0  }
0x30: {  	[sflag:s10] =	ssyncadd.s32 $0xFFFFF800  }
0x31: {  	[tilespmem:s13], [sflag:$0x1] =	stream.indirect.gather [hbm4b:s4+s12], $0x80, s3, s12, $0xb8;
	[tilespmem:$0x1CC00] =	vst v63  }
0x32: {  	_ =	swait.ge [sflag:s14], $0x4000  }
0x33: {  	[sflag:s14] =	ssyncset.done $0x0  }
0x34: {  	[sflag:s14] =	ssyncadd.s32 $0xFFFFC000  }
0x35: {  	[tilespmem:s15], [sflag:$0x2] =	stream.indirect.gather [hbm4b:s4+s12], $0x80, s12, s12, $0xb8;
	[tilespmem:$0x1CC00] =	vst v63  }
0x36: {  	_ = 	snop  }
0x37: {  	[spmem:s2] =	stream.indirect.scatter.add.f32 [tilespmem:s13], [sflag:$0x3], $0x80, s11, s12, $0xb8;
	[tilespmem:$0x1CC00] =	vst v63  }
0x38: {  	_ =	swait.ge [sflag:s10], $0x4000  }
0x39: {  	[sflag:s10] =	ssyncset.done $0x0  }
0x3a: {  	[sflag:s10] =	ssyncadd.s32 $0xFFFFC000  }
0x3b: {  	_ =	swait.ge [sflag:s16], $0x4000  }
0x3c: {  	[sflag:s16] =	ssyncset.done $0x0  }
0x3d: {  	s9 =	rddreg [dreg:$0x5];
	[sflag:s16] =	ssyncadd.s32 $0xFFFFC000  }
0x3e: {  	[tilespmem:s13], [sflag:$0x1] =	stream.indirect.gather [hbm4b:s4+s12], $0x80, s9, s12, $0xb8;
	[tilespmem:$0x1CC00] =	vst v63  }
0x3f: {  	s7 =	rddreg [dreg:$0x6]  }
0x40: {  	[spmem:s2] =	stream.indirect.scatter.add.f32 [tilespmem:s15], [sflag:$0x3], $0x80, s7, s12, $0xb8;
	[tilespmem:$0x1CC00] =	vst v63  }
0x41: {  	_ =	swait.ge [sflag:s10], $0x4000  }
0x42: {  	[sflag:s10] =	ssyncset.done $0x0  }
0x43: {  	[sflag:s10] =	ssyncadd.s32 $0xFFFFC000  }
0x44: {  	_ =	swait.ge [sflag:s14], $0x4000  }
0x45: {  	[sflag:s14] =	ssyncset.done $0x0  }
0x46: {  	s9 =	rddreg [dreg:$0x7];
	[sflag:s14] =	ssyncadd.s32 $0xFFFFC000  }
0x47: {  	[tilespmem:s15], [sflag:$0x2] =	stream.indirect.gather [hbm4b:s4+s12], $0x80, s9, s12, $0xb8;
	[tilespmem:$0x1CC00] =	vst v63  }
0x48: {  	s7 =	rddreg [dreg:$0x8]  }
0x49: {  	[spmem:s2] =	stream.indirect.scatter.add.f32 [tilespmem:s13], [sflag:$0x3], $0x80, s7, s12, $0xb8;
	[tilespmem:$0x1CC00] =	vst v63  }
0x4a: {  	_ =	swait.ge [sflag:s10], $0x4000  }
0x4b: {  	[sflag:s10] =	ssyncset.done $0x0  }
0x4c: {  	[sflag:s10] =	ssyncadd.s32 $0xFFFFC000  }
0x4d: {  	_ =	swait.ge [sflag:s16], $0x4000  }
0x4e: {  	[sflag:s16] =	ssyncset.done $0x0  }
0x4f: {  	s9 =	rddreg [dreg:$0x9];
	[sflag:s16] =	ssyncadd.s32 $0xFFFFC000  }
0x50: {  	[tilespmem:s13], [sflag:$0x1] =	stream.indirect.gather [hbm4b:s4+s12], $0x80, s9, s12, $0xb8;
	[tilespmem:$0x1CC00] =	vst v63  }
0x51: {  	s7 =	rddreg [dreg:$0xa]  }
0x52: {  	[spmem:s2] =	stream.indirect.scatter.add.f32 [tilespmem:s15], [sflag:$0x3], $0x80, s7, s12, $0xb8;
	[tilespmem:$0x1CC00] =	vst v63  }
0x53: {  	_ =	swait.ge [sflag:s10], $0x4000  }
0x54: {  	[sflag:s10] =	ssyncset.done $0x0  }
0x55: {  	[sflag:s10] =	ssyncadd.s32 $0xFFFFC000  }
0x56: {  	_ =	swait.ge [sflag:s14], $0x4000  }
0x57: {  	[sflag:s14] =	ssyncset.done $0x0  }
0x58: {  	s9 =	rddreg [dreg:$0xb];
	[sflag:s14] =	ssyncadd.s32 $0xFFFFC000  }
0x59: {  	[tilespmem:s15], [sflag:$0x2] =	stream.indirect.gather [hbm4b:s4+s12], $0x80, s9, s12, $0xb8;
	[tilespmem:$0x1CC00] =	vst v63  }
0x5a: {  	s7 =	rddreg [dreg:$0xc]  }
0x5b: {  	[spmem:s2] =	stream.indirect.scatter.add.f32 [tilespmem:s13], [sflag:$0x3], $0x80, s7, s12, $0xb8;
	[tilespmem:$0x1CC00] =	vst v63  }
0x5c: {  	_ =	swait.ge [sflag:s10], $0x4000  }
0x5d: {  	[sflag:s10] =	ssyncset.done $0x0  }
0x5e: {  	[sflag:s10] =	ssyncadd.s32 $0xFFFFC000  }
0x5f: {  	_ =	swait.ge [sflag:s16], $0x4000  }
0x60: {  	[sflag:s16] =	ssyncset.done $0x0  }
0x61: {  	s9 =	rddreg [dreg:$0xd];
	[sflag:s16] =	ssyncadd.s32 $0xFFFFC000  }
0x62: {  	[tilespmem:s13], [sflag:$0x1] =	stream.indirect.gather [hbm4b:s4+s12], $0x80, s9, s12, $0xb8;
	[tilespmem:$0x1CC00] =	vst v63  }
0x63: {  	s7 =	rddreg [dreg:$0xe]  }
0x64: {  	[spmem:s2] =	stream.indirect.scatter.add.f32 [tilespmem:s15], [sflag:$0x3], $0x80, s7, s12, $0xb8;
	[tilespmem:$0x1CC00] =	vst v63  }
0x65: {  	_ =	swait.ge [sflag:s10], $0x4000  }
0x66: {  	[sflag:s10] =	ssyncset.done $0x0  }
0x67: {  	[sflag:s10] =	ssyncadd.s32 $0xFFFFC000  }
0x68: {  	_ =	swait.ge [sflag:s14], $0x4000  }
0x69: {  	[sflag:s14] =	ssyncset.done $0x0  }
0x6a: {  	s8 =	rddreg [dreg:$0xf];
	[sflag:s14] =	ssyncadd.s32 $0xFFFFC000  }
0x6b: {  	[tilespmem:s15], [sflag:$0x2] =	stream.indirect.gather [hbm4b:s4+s12], $0x80, s8, s12, $0xb8;
	[tilespmem:$0x1CC00] =	vst v63  }
0x6c: {  	s9 =	rddreg [dreg:$0x10]  }
0x6d: {  	[spmem:s2] =	stream.indirect.scatter.add.f32 [tilespmem:s13], [sflag:$0x3], $0x80, s9, s12, $0xb8;
	[tilespmem:$0x1CC00] =	vst v63  }
0x6e: {  	_ =	swait.ge [sflag:s10], $0x4000  }
0x6f: {  	[sflag:s10] =	ssyncset.done $0x0  }
0x70: {  	[sflag:s10] =	ssyncadd.s32 $0xFFFFC000  }
0x71: {  	_ =	swait.ge [sflag:s16], $0x4000  }
0x72: {  	[sflag:s16] =	ssyncset.done $0x0  }
0x73: {  	[sflag:s16] =	ssyncadd.s32 $0xFFFFC000  }
0x74: {  	[tilespmem:s13], [sflag:$0x1] =	stream.indirect.gather [hbm4b:s4+s12], $0x80, s17, s12, $0xb8;
	[tilespmem:$0x1CC00] =	vst v63  }
0x75: {  	_ = 	snop  }
0x76: {  	[spmem:s2] =	stream.indirect.scatter.add.f32 [tilespmem:s15], [sflag:$0x3], $0x80, s18, s12, $0xb8;
	[tilespmem:$0x1CC00] =	vst v63  }
0x77: {  	_ =	swait.ge [sflag:s10], $0x4000  }
0x78: {  	[sflag:s10] =	ssyncset.done $0x0  }
0x79: {  	[sflag:s10] =	ssyncadd.s32 $0xFFFFC000  }
0x7a: {  	_ =	swait.ge [sflag:s14], $0x4000  }
0x7b: {  	[sflag:s14] =	ssyncset.done $0x0  }
0x7c: {  	[sflag:s14] =	ssyncadd.s32 $0xFFFFC000  }
0x7d: {  	[tilespmem:s15], [sflag:$0x2] =	stream.indirect.gather [hbm4b:s4+s12], $0x80, s19, s12, $0xb8;
	[tilespmem:$0x1CC00] =	vst v63  }
0x7e: {  	_ = 	snop  }
0x7f: {  	[spmem:s2] =	stream.indirect.scatter.add.f32 [tilespmem:s13], [sflag:$0x3], $0x80, s20, s12, $0xb8;
	[tilespmem:$0x1CC00] =	vst v63  }
0x80: {  	_ =	swait.ge [sflag:s10], $0x4000  }
0x81: {  	[sflag:s10] =	ssyncset.done $0x0  }
0x82: {  	[sflag:s10] =	ssyncadd.s32 $0xFFFFC000  }
0x83: {  	_ =	swait.ge [sflag:s16], $0x4000  }
0x84: {  	[sflag:s16] =	ssyncset.done $0x0  }
0x85: {  	[sflag:s16] =	ssyncadd.s32 $0xFFFFC000  }
0x86: {  	[tilespmem:s13], [sflag:$0x1] =	stream.indirect.gather [hbm4b:s4+s12], $0x80, s21, s12, $0xb8;
	[tilespmem:$0x1CC00] =	vst v63  }
0x87: {  	_ = 	snop  }
0x88: {  	[spmem:s2] =	stream.indirect.scatter.add.f32 [tilespmem:s15], [sflag:$0x3], $0x80, s22, s12, $0xb8;
	[tilespmem:$0x1CC00] =	vst v63  }
0x89: {  	_ =	swait.ge [sflag:s10], $0x4000  }
0x8a: {  	[sflag:s10] =	ssyncset.done $0x0  }
0x8b: {  	[sflag:s10] =	ssyncadd.s32 $0xFFFFC000  }
0x8c: {  	_ =	swait.ge [sflag:s14], $0x4000  }
0x8d: {  	[sflag:s14] =	ssyncset.done $0x0  }
0x8e: {  	[sflag:s14] =	ssyncadd.s32 $0xFFFFC000  }
0x8f: {  	[tilespmem:s15], [sflag:$0x2] =	stream.indirect.gather [hbm4b:s4+s12], $0x80, s23, s12, $0xb8;
	[tilespmem:$0x1CC00] =	vst v63  }
0x90: {  	_ = 	snop  }
0x91: {  	[spmem:s2] =	stream.indirect.scatter.add.f32 [tilespmem:s13], [sflag:$0x3], $0x80, s24, s12, $0xb8;
	[tilespmem:$0x1CC00] =	vst v63  }
0x92: {  	_ =	swait.ge [sflag:s10], $0x4000  }
0x93: {  	[sflag:s10] =	ssyncset.done $0x0  }
0x94: {  	[sflag:s10] =	ssyncadd.s32 $0xFFFFC000  }
0x95: {  	_ =	swait.ge [sflag:s16], $0x4000  }
0x96: {  	[sflag:s16] =	ssyncset.done $0x0  }
0x97: {  	[sflag:s16] =	ssyncadd.s32 $0xFFFFC000  }
0x98: {  	[tilespmem:s13], [sflag:$0x1] =	stream.indirect.gather [hbm4b:s4+s12], $0x80, s25, s12, $0xb8;
	[tilespmem:$0x1CC00] =	vst v63  }
0x99: {  	_ = 	snop  }
0x9a: {  	[spmem:s2] =	stream.indirect.scatter.add.f32 [tilespmem:s15], [sflag:$0x3], $0x80, s26, s12, $0xb8;
	[tilespmem:$0x1CC00] =	vst v63  }
0x9b: {  	_ =	swait.ge [sflag:s10], $0x4000  }
0x9c: {  	[sflag:s10] =	ssyncset.done $0x0  }
0x9d: {  	[sflag:s10] =	ssyncadd.s32 $0xFFFFC000  }
0x9e: {  	_ =	swait.ge [sflag:s14], $0x4000  }
0x9f: {  	[sflag:s14] =	ssyncset.done $0x0  }
0xa0: {  	[sflag:s14] =	ssyncadd.s32 $0xFFFFC000  }
0xa1: {  	[tilespmem:s15], [sflag:$0x2] =	stream.indirect.gather [hbm4b:s4+s12], $0x80, s28, s12, $0xb8;
	[tilespmem:$0x1CC00] =	vst v63  }
0xa2: {  	_ = 	snop  }
0xa3: {  	[spmem:s2] =	stream.indirect.scatter.add.f32 [tilespmem:s13], [sflag:$0x3], $0x80, s29, s12, $0xb8;
	[tilespmem:$0x1CC00] =	vst v63  }
0xa4: {  	_ =	swait.ge [sflag:s10], $0x4000  }
0xa5: {  	[sflag:s10] =	ssyncset.done $0x0  }
0xa6: {  	[sflag:s10] =	ssyncadd.s32 $0xFFFFC000  }
0xa7: {  	_ =	swait.ge [sflag:s16], $0x4000  }
0xa8: {  	[sflag:s16] =	ssyncset.done $0x0  }
0xa9: {  	[sflag:s16] =	ssyncadd.s32 $0xFFFFC000  }
0xaa: {  	[tilespmem:s13], [sflag:$0x1] =	stream.indirect.gather [hbm4b:s4+s12], $0x80, s30, s12, $0xb8;
	[tilespmem:$0x1CC00] =	vst v63  }
0xab: {  	_ = 	snop  }
0xac: {  	[spmem:s2] =	stream.indirect.scatter.add.f32 [tilespmem:s15], [sflag:$0x3], $0x80, s31, s12, $0xb8;
	[tilespmem:$0x1CC00] =	vst v63  }
0xad: {  	_ =	swait.ge [sflag:s10], $0x4000  }
0xae: {  	[sflag:s10] =	ssyncset.done $0x0  }
0xaf: {  	[sflag:s10] =	ssyncadd.s32 $0xFFFFC000  }
0xb0: {  	_ =	swait.ge [sflag:s14], $0x4000  }
0xb1: {  	[sflag:s14] =	ssyncset.done $0x0  }
0xb2: {  	[sflag:s14] =	ssyncadd.s32 $0xFFFFC000  }
0xb3: {  	[tilespmem:s15], [sflag:$0x2] =	stream.indirect.gather [hbm4b:s4+s12], $0x80, s1, s12, $0xb8;
	[tilespmem:$0x1CC00] =	vst v63  }
0xb4: {  	_ = 	snop  }
0xb5: {  	[spmem:s2] =	stream.indirect.scatter.add.f32 [tilespmem:s13], [sflag:$0x3], $0x80, s0, s12, $0xb8;
	[tilespmem:$0x1CC00] =	vst v63  }
0xb6: {  	_ =	swait.ge [sflag:s10], $0x4000  }
0xb7: {  	[sflag:s10] =	ssyncset.done $0x0  }
0xb8: {  	[sflag:s10] =	ssyncadd.s32 $0xFFFFC000  }
0xb9: {  	_ =	swait.ge [sflag:s16], $0x4000  }
0xba: {  	[sflag:s16] =	ssyncset.done $0x0  }
0xbb: {  	[sflag:s16] =	ssyncadd.s32 $0xFFFFC000  }
0xbc: {  	[spmem:s2] =	stream.indirect.scatter.add.f32 [tilespmem:s15], [sflag:$0x3], $0x80, s5, s12, $0xb8;
	[tilespmem:$0x1CC00] =	vst v63  }
0xbd: {  	s6 =	simm.s32 $0x200;
	_ =	swait.ge [sflag:s10], $0x4000  }
0xbe: {  	s8 =	simm.s32 $0x100;
	s9 =	rddreg [dreg:$0x4];
	[sflag:s10] =	ssyncset.done $0x0  }
.LBB2_2:
0xbf: {  	[sflag:s10] =	ssyncadd.s32 $0xFFFFC000;
	s9 =	sadd.s32 s8, s9  }
0xc0: {  	[tilespmem:s3], [sflag:$0x3] =	stream.linear.gather [hbm4b:s9+s3], $0x800, $0x38;
	[tilespmem:$0x1CC00] =	vst v63  }
0xc1: {  	_ =	swait.ge [sflag:s10], $0x800  }
0xc2: {  	s9 =	rddreg [dreg:$0x3];
	[sflag:s10] =	ssyncset.done $0x0  }
0xc3: {  	[sflag:s10] =	ssyncadd.s32 $0xFFFFF800;
	s9 =	sadd.s32 s8, s9  }
0xc4: {  	[tilespmem:s11], [sflag:$0x3] =	stream.linear.gather [hbm4b:s9+s3], $0x800, $0x38;
	[tilespmem:$0x1CC00] =	vst v63  }
0xc5: {  	_ =	swait.ge [sflag:s10], $0x800  }
0xc6: {  	[sflag:s10] =	ssyncset.done $0x0  }
0xc7: {  	[sflag:s10] =	ssyncadd.s32 $0xFFFFF800  }
0xc8: {  	[tilespmem:s13], [sflag:$0x1] =	stream.indirect.gather [hbm4b:s4+s12], $0x80, s3, s12, $0xb8;
	[tilespmem:$0x1CC00] =	vst v63  }
0xc9: {  	_ =	swait.ge [sflag:s14], $0x4000  }
0xca: {  	[sflag:s14] =	ssyncset.done $0x0  }
0xcb: {  	[sflag:s14] =	ssyncadd.s32 $0xFFFFC000  }
0xcc: {  	[tilespmem:s15], [sflag:$0x2] =	stream.indirect.gather [hbm4b:s4+s12], $0x80, s12, s12, $0xb8;
	[tilespmem:$0x1CC00] =	vst v63  }
0xcd: {  	_ = 	snop  }
0xce: {  	[spmem:s2] =	stream.indirect.scatter.add.f32 [tilespmem:s13], [sflag:$0x3], $0x80, s11, s12, $0xb8;
	[tilespmem:$0x1CC00] =	vst v63  }
0xcf: {  	_ =	swait.ge [sflag:s10], $0x4000  }
0xd0: {  	[sflag:s10] =	ssyncset.done $0x0  }
0xd1: {  	[sflag:s10] =	ssyncadd.s32 $0xFFFFC000  }
0xd2: {  	_ =	swait.ge [sflag:s16], $0x4000  }
0xd3: {  	s7 =	smov.u32 s6;
	[sflag:s16] =	ssyncset.done $0x0  }
0xd4: {  	s8 =	smov.u32 s7;
	s7 =	rddreg [dreg:$0x5];
	[sflag:s16] =	ssyncadd.s32 $0xFFFFC000  }
0xd5: {  	[tilespmem:s13], [sflag:$0x1] =	stream.indirect.gather [hbm4b:s4+s12], $0x80, s7, s12, $0xb8;
	[tilespmem:$0x1CC00] =	vst v63  }
0xd6: {  	s9 =	rddreg [dreg:$0x6]  }
0xd7: {  	[spmem:s2] =	stream.indirect.scatter.add.f32 [tilespmem:s15], [sflag:$0x3], $0x80, s9, s12, $0xb8;
	[tilespmem:$0x1CC00] =	vst v63  }
0xd8: {  	_ =	swait.ge [sflag:s10], $0x4000  }
0xd9: {  	[sflag:s10] =	ssyncset.done $0x0  }
0xda: {  	[sflag:s10] =	ssyncadd.s32 $0xFFFFC000  }
0xdb: {  	_ =	swait.ge [sflag:s14], $0x4000  }
0xdc: {  	[sflag:s14] =	ssyncset.done $0x0  }
0xdd: {  	s7 =	rddreg [dreg:$0x7];
	[sflag:s14] =	ssyncadd.s32 $0xFFFFC000  }
0xde: {  	[tilespmem:s15], [sflag:$0x2] =	stream.indirect.gather [hbm4b:s4+s12], $0x80, s7, s12, $0xb8;
	[tilespmem:$0x1CC00] =	vst v63  }
0xdf: {  	s9 =	rddreg [dreg:$0x8]  }
0xe0: {  	[spmem:s2] =	stream.indirect.scatter.add.f32 [tilespmem:s13], [sflag:$0x3], $0x80, s9, s12, $0xb8;
	[tilespmem:$0x1CC00] =	vst v63  }
0xe1: {  	_ =	swait.ge [sflag:s10], $0x4000  }
0xe2: {  	[sflag:s10] =	ssyncset.done $0x0  }
0xe3: {  	[sflag:s10] =	ssyncadd.s32 $0xFFFFC000  }
0xe4: {  	_ =	swait.ge [sflag:s16], $0x4000  }
0xe5: {  	[sflag:s16] =	ssyncset.done $0x0  }
0xe6: {  	s7 =	rddreg [dreg:$0x9];
	[sflag:s16] =	ssyncadd.s32 $0xFFFFC000  }
0xe7: {  	[tilespmem:s13], [sflag:$0x1] =	stream.indirect.gather [hbm4b:s4+s12], $0x80, s7, s12, $0xb8;
	[tilespmem:$0x1CC00] =	vst v63  }
0xe8: {  	s9 =	rddreg [dreg:$0xa]  }
0xe9: {  	[spmem:s2] =	stream.indirect.scatter.add.f32 [tilespmem:s15], [sflag:$0x3], $0x80, s9, s12, $0xb8;
	[tilespmem:$0x1CC00] =	vst v63  }
0xea: {  	_ =	swait.ge [sflag:s10], $0x4000  }
0xeb: {  	[sflag:s10] =	ssyncset.done $0x0  }
0xec: {  	[sflag:s10] =	ssyncadd.s32 $0xFFFFC000  }
0xed: {  	_ =	swait.ge [sflag:s14], $0x4000  }
0xee: {  	[sflag:s14] =	ssyncset.done $0x0  }
0xef: {  	s7 =	rddreg [dreg:$0xb];
	[sflag:s14] =	ssyncadd.s32 $0xFFFFC000  }
0xf0: {  	[tilespmem:s15], [sflag:$0x2] =	stream.indirect.gather [hbm4b:s4+s12], $0x80, s7, s12, $0xb8;
	[tilespmem:$0x1CC00] =	vst v63  }
0xf1: {  	s9 =	rddreg [dreg:$0xc]  }
0xf2: {  	[spmem:s2] =	stream.indirect.scatter.add.f32 [tilespmem:s13], [sflag:$0x3], $0x80, s9, s12, $0xb8;
	[tilespmem:$0x1CC00] =	vst v63  }
0xf3: {  	_ =	swait.ge [sflag:s10], $0x4000  }
0xf4: {  	[sflag:s10] =	ssyncset.done $0x0  }
0xf5: {  	[sflag:s10] =	ssyncadd.s32 $0xFFFFC000  }
0xf6: {  	_ =	swait.ge [sflag:s16], $0x4000  }
0xf7: {  	[sflag:s16] =	ssyncset.done $0x0  }
0xf8: {  	s7 =	rddreg [dreg:$0xd];
	[sflag:s16] =	ssyncadd.s32 $0xFFFFC000  }
0xf9: {  	[tilespmem:s13], [sflag:$0x1] =	stream.indirect.gather [hbm4b:s4+s12], $0x80, s7, s12, $0xb8;
	[tilespmem:$0x1CC00] =	vst v63  }
0xfa: {  	s9 =	rddreg [dreg:$0xe]  }
0xfb: {  	[spmem:s2] =	stream.indirect.scatter.add.f32 [tilespmem:s15], [sflag:$0x3], $0x80, s9, s12, $0xb8;
	[tilespmem:$0x1CC00] =	vst v63  }
0xfc: {  	_ =	swait.ge [sflag:s10], $0x4000  }
0xfd: {  	[sflag:s10] =	ssyncset.done $0x0  }
0xfe: {  	[sflag:s10] =	ssyncadd.s32 $0xFFFFC000  }
0xff: {  	_ =	swait.ge [sflag:s14], $0x4000  }
0x100: {  	[sflag:s14] =	ssyncset.done $0x0  }
0x101: {  	s7 =	rddreg [dreg:$0xf];
	[sflag:s14] =	ssyncadd.s32 $0xFFFFC000  }
0x102: {  	[tilespmem:s15], [sflag:$0x2] =	stream.indirect.gather [hbm4b:s4+s12], $0x80, s7, s12, $0xb8;
	[tilespmem:$0x1CC00] =	vst v63  }
0x103: {  	s9 =	rddreg [dreg:$0x10]  }
0x104: {  	[spmem:s2] =	stream.indirect.scatter.add.f32 [tilespmem:s13], [sflag:$0x3], $0x80, s9, s12, $0xb8;
	[tilespmem:$0x1CC00] =	vst v63  }
0x105: {  	_ =	swait.ge [sflag:s10], $0x4000  }
0x106: {  	[sflag:s10] =	ssyncset.done $0x0  }
0x107: {  	[sflag:s10] =	ssyncadd.s32 $0xFFFFC000  }
0x108: {  	_ =	swait.ge [sflag:s16], $0x4000  }
0x109: {  	[sflag:s16] =	ssyncset.done $0x0  }
0x10a: {  	[sflag:s16] =	ssyncadd.s32 $0xFFFFC000  }
0x10b: {  	[tilespmem:s13], [sflag:$0x1] =	stream.indirect.gather [hbm4b:s4+s12], $0x80, s17, s12, $0xb8;
	[tilespmem:$0x1CC00] =	vst v63  }
0x10c: {  	_ = 	snop  }
0x10d: {  	[spmem:s2] =	stream.indirect.scatter.add.f32 [tilespmem:s15], [sflag:$0x3], $0x80, s18, s12, $0xb8;
	[tilespmem:$0x1CC00] =	vst v63  }
0x10e: {  	_ =	swait.ge [sflag:s10], $0x4000  }
0x10f: {  	[sflag:s10] =	ssyncset.done $0x0  }
0x110: {  	[sflag:s10] =	ssyncadd.s32 $0xFFFFC000  }
0x111: {  	_ =	swait.ge [sflag:s14], $0x4000  }
0x112: {  	[sflag:s14] =	ssyncset.done $0x0  }
0x113: {  	[sflag:s14] =	ssyncadd.s32 $0xFFFFC000  }
0x114: {  	[tilespmem:s15], [sflag:$0x2] =	stream.indirect.gather [hbm4b:s4+s12], $0x80, s19, s12, $0xb8;
	[tilespmem:$0x1CC00] =	vst v63  }
0x115: {  	_ = 	snop  }
0x116: {  	[spmem:s2] =	stream.indirect.scatter.add.f32 [tilespmem:s13], [sflag:$0x3], $0x80, s20, s12, $0xb8;
	[tilespmem:$0x1CC00] =	vst v63  }
0x117: {  	_ =	swait.ge [sflag:s10], $0x4000  }
0x118: {  	[sflag:s10] =	ssyncset.done $0x0  }
0x119: {  	[sflag:s10] =	ssyncadd.s32 $0xFFFFC000  }
0x11a: {  	_ =	swait.ge [sflag:s16], $0x4000  }
0x11b: {  	[sflag:s16] =	ssyncset.done $0x0  }
0x11c: {  	[sflag:s16] =	ssyncadd.s32 $0xFFFFC000  }
0x11d: {  	[tilespmem:s13], [sflag:$0x1] =	stream.indirect.gather [hbm4b:s4+s12], $0x80, s21, s12, $0xb8;
	[tilespmem:$0x1CC00] =	vst v63  }
0x11e: {  	_ = 	snop  }
0x11f: {  	[spmem:s2] =	stream.indirect.scatter.add.f32 [tilespmem:s15], [sflag:$0x3], $0x80, s22, s12, $0xb8;
	[tilespmem:$0x1CC00] =	vst v63  }
0x120: {  	_ =	swait.ge [sflag:s10], $0x4000  }
0x121: {  	[sflag:s10] =	ssyncset.done $0x0  }
0x122: {  	[sflag:s10] =	ssyncadd.s32 $0xFFFFC000  }
0x123: {  	_ =	swait.ge [sflag:s14], $0x4000  }
0x124: {  	[sflag:s14] =	ssyncset.done $0x0  }
0x125: {  	[sflag:s14] =	ssyncadd.s32 $0xFFFFC000  }
0x126: {  	[tilespmem:s15], [sflag:$0x2] =	stream.indirect.gather [hbm4b:s4+s12], $0x80, s23, s12, $0xb8;
	[tilespmem:$0x1CC00] =	vst v63  }
0x127: {  	_ = 	snop  }
0x128: {  	[spmem:s2] =	stream.indirect.scatter.add.f32 [tilespmem:s13], [sflag:$0x3], $0x80, s24, s12, $0xb8;
	[tilespmem:$0x1CC00] =	vst v63  }
0x129: {  	_ =	swait.ge [sflag:s10], $0x4000  }
0x12a: {  	[sflag:s10] =	ssyncset.done $0x0  }
0x12b: {  	[sflag:s10] =	ssyncadd.s32 $0xFFFFC000  }
0x12c: {  	_ =	swait.ge [sflag:s16], $0x4000  }
0x12d: {  	[sflag:s16] =	ssyncset.done $0x0  }
0x12e: {  	[sflag:s16] =	ssyncadd.s32 $0xFFFFC000  }
0x12f: {  	[tilespmem:s13], [sflag:$0x1] =	stream.indirect.gather [hbm4b:s4+s12], $0x80, s25, s12, $0xb8;
	[tilespmem:$0x1CC00] =	vst v63  }
0x130: {  	_ = 	snop  }
0x131: {  	[spmem:s2] =	stream.indirect.scatter.add.f32 [tilespmem:s15], [sflag:$0x3], $0x80, s26, s12, $0xb8;
	[tilespmem:$0x1CC00] =	vst v63  }
0x132: {  	_ =	swait.ge [sflag:s10], $0x4000  }
0x133: {  	[sflag:s10] =	ssyncset.done $0x0  }
0x134: {  	[sflag:s10] =	ssyncadd.s32 $0xFFFFC000  }
0x135: {  	_ =	swait.ge [sflag:s14], $0x4000  }
0x136: {  	[sflag:s14] =	ssyncset.done $0x0  }
0x137: {  	[sflag:s14] =	ssyncadd.s32 $0xFFFFC000  }
0x138: {  	[tilespmem:s15], [sflag:$0x2] =	stream.indirect.gather [hbm4b:s4+s12], $0x80, s28, s12, $0xb8;
	[tilespmem:$0x1CC00] =	vst v63  }
0x139: {  	_ = 	snop  }
0x13a: {  	[spmem:s2] =	stream.indirect.scatter.add.f32 [tilespmem:s13], [sflag:$0x3], $0x80, s29, s12, $0xb8;
	[tilespmem:$0x1CC00] =	vst v63  }
0x13b: {  	_ =	swait.ge [sflag:s10], $0x4000  }
0x13c: {  	[sflag:s10] =	ssyncset.done $0x0  }
0x13d: {  	[sflag:s10] =	ssyncadd.s32 $0xFFFFC000  }
0x13e: {  	_ =	swait.ge [sflag:s16], $0x4000  }
0x13f: {  	[sflag:s16] =	ssyncset.done $0x0  }
0x140: {  	[sflag:s16] =	ssyncadd.s32 $0xFFFFC000  }
0x141: {  	[tilespmem:s13], [sflag:$0x1] =	stream.indirect.gather [hbm4b:s4+s12], $0x80, s30, s12, $0xb8;
	[tilespmem:$0x1CC00] =	vst v63  }
0x142: {  	_ = 	snop  }
0x143: {  	[spmem:s2] =	stream.indirect.scatter.add.f32 [tilespmem:s15], [sflag:$0x3], $0x80, s31, s12, $0xb8;
	[tilespmem:$0x1CC00] =	vst v63  }
0x144: {  	_ =	swait.ge [sflag:s10], $0x4000  }
0x145: {  	[sflag:s10] =	ssyncset.done $0x0  }
0x146: {  	[sflag:s10] =	ssyncadd.s32 $0xFFFFC000  }
0x147: {  	_ =	swait.ge [sflag:s14], $0x4000  }
0x148: {  	[sflag:s14] =	ssyncset.done $0x0  }
0x149: {  	[sflag:s14] =	ssyncadd.s32 $0xFFFFC000  }
0x14a: {  	[tilespmem:s15], [sflag:$0x2] =	stream.indirect.gather [hbm4b:s4+s12], $0x80, s1, s12, $0xb8;
	[tilespmem:$0x1CC00] =	vst v63  }
0x14b: {  	_ = 	snop  }
0x14c: {  	[spmem:s2] =	stream.indirect.scatter.add.f32 [tilespmem:s13], [sflag:$0x3], $0x80, s0, s12, $0xb8;
	[tilespmem:$0x1CC00] =	vst v63  }
0x14d: {  	_ =	swait.ge [sflag:s10], $0x4000  }
0x14e: {  	[sflag:s10] =	ssyncset.done $0x0  }
0x14f: {  	[sflag:s10] =	ssyncadd.s32 $0xFFFFC000  }
0x150: {  	p0 =	sne.s32 s6, $0x400;
	_ =	swait.ge [sflag:s16], $0x4000  }
.Ltmp0:
0x151: {  	[sflag:s16] =	ssyncset.done $0x0;
	(pc) =	sbr.rel @p0 .LBB2_2-.Ltmp0, $4  }
0x152: {  	[sflag:s16] =	ssyncadd.s32 $0xFFFFC000  }
0x153: {  	[spmem:s2] =	stream.indirect.scatter.add.f32 [tilespmem:s15], [sflag:$0x3], $0x80, s5, s12, $0xb8;
	[tilespmem:$0x1CC00] =	vst v63  }
0x154: {  	_ =	swait.ge [sflag:s10], $0x4000  }
0x155: {  	s6 =	sadd.s32 $0x100, s6;
	s9 =	rddreg [dreg:$0x4];
	[sflag:s10] =	ssyncset.done $0x0  }
0x156: {  	[sflag:s10] =	ssyncadd.s32 $0xFFFFC000;
	s6 =	sadd.s32 s8, s9  }
0x157: {  	[tilespmem:s3], [sflag:$0x3] =	stream.linear.gather [hbm4b:s6+s3], $0x800, $0x38;
	[tilespmem:$0x1CC00] =	vst v63  }
0x158: {  	_ =	swait.ge [sflag:s10], $0x800  }
0x159: {  	s7 =	rddreg [dreg:$0x3];
	[sflag:s10] =	ssyncset.done $0x0  }
0x15a: {  	[sflag:s10] =	ssyncadd.s32 $0xFFFFF800;
	s6 =	sadd.s32 s8, s7  }
0x15b: {  	[tilespmem:s11], [sflag:$0x3] =	stream.linear.gather [hbm4b:s6+s3], $0x800, $0x38;
	[tilespmem:$0x1CC00] =	vst v63  }
0x15c: {  	_ =	swait.ge [sflag:s10], $0x800  }
0x15d: {  	[sflag:s10] =	ssyncset.done $0x0  }
0x15e: {  	[sflag:s10] =	ssyncadd.s32 $0xFFFFF800  }
0x15f: {  	[tilespmem:s13], [sflag:$0x1] =	stream.indirect.gather [hbm4b:s4+s12], $0x80, s3, s12, $0xb8;
	[tilespmem:$0x1CC00] =	vst v63  }
0x160: {  	_ =	swait.ge [sflag:s14], $0x4000  }
0x161: {  	[sflag:s14] =	ssyncset.done $0x0  }
0x162: {  	[sflag:s14] =	ssyncadd.s32 $0xFFFFC000  }
0x163: {  	[tilespmem:s15], [sflag:$0x2] =	stream.indirect.gather [hbm4b:s4+s12], $0x80, s12, s12, $0xb8;
	[tilespmem:$0x1CC00] =	vst v63  }
0x164: {  	_ = 	snop  }
0x165: {  	[spmem:s2] =	stream.indirect.scatter.add.f32 [tilespmem:s13], [sflag:$0x3], $0x80, s11, s12, $0xb8;
	[tilespmem:$0x1CC00] =	vst v63  }
0x166: {  	_ =	swait.ge [sflag:s10], $0x4000  }
0x167: {  	[sflag:s10] =	ssyncset.done $0x0  }
0x168: {  	[sflag:s10] =	ssyncadd.s32 $0xFFFFC000  }
0x169: {  	_ =	swait.ge [sflag:s16], $0x4000  }
0x16a: {  	[sflag:s16] =	ssyncset.done $0x0  }
0x16b: {  	s9 =	rddreg [dreg:$0x5];
	[sflag:s16] =	ssyncadd.s32 $0xFFFFC000  }
0x16c: {  	[tilespmem:s13], [sflag:$0x1] =	stream.indirect.gather [hbm4b:s4+s12], $0x80, s9, s12, $0xb8;
	[tilespmem:$0x1CC00] =	vst v63  }
0x16d: {  	s7 =	rddreg [dreg:$0x6]  }
0x16e: {  	[spmem:s2] =	stream.indirect.scatter.add.f32 [tilespmem:s15], [sflag:$0x3], $0x80, s7, s12, $0xb8;
	[tilespmem:$0x1CC00] =	vst v63  }
0x16f: {  	_ =	swait.ge [sflag:s10], $0x4000  }
0x170: {  	[sflag:s10] =	ssyncset.done $0x0  }
0x171: {  	[sflag:s10] =	ssyncadd.s32 $0xFFFFC000  }
0x172: {  	_ =	swait.ge [sflag:s14], $0x4000  }
0x173: {  	[sflag:s14] =	ssyncset.done $0x0  }
0x174: {  	s8 =	rddreg [dreg:$0x7];
	[sflag:s14] =	ssyncadd.s32 $0xFFFFC000  }
0x175: {  	[tilespmem:s15], [sflag:$0x2] =	stream.indirect.gather [hbm4b:s4+s12], $0x80, s8, s12, $0xb8;
	[tilespmem:$0x1CC00] =	vst v63  }
0x176: {  	s9 =	rddreg [dreg:$0x8]  }
0x177: {  	[spmem:s2] =	stream.indirect.scatter.add.f32 [tilespmem:s13], [sflag:$0x3], $0x80, s9, s12, $0xb8;
	[tilespmem:$0x1CC00] =	vst v63  }
0x178: {  	_ =	swait.ge [sflag:s10], $0x4000  }
0x179: {  	[sflag:s10] =	ssyncset.done $0x0  }
0x17a: {  	[sflag:s10] =	ssyncadd.s32 $0xFFFFC000  }
0x17b: {  	_ =	swait.ge [sflag:s16], $0x4000  }
0x17c: {  	[sflag:s16] =	ssyncset.done $0x0  }
0x17d: {  	s8 =	rddreg [dreg:$0x9];
	[sflag:s16] =	ssyncadd.s32 $0xFFFFC000  }
0x17e: {  	[tilespmem:s13], [sflag:$0x1] =	stream.indirect.gather [hbm4b:s4+s12], $0x80, s8, s12, $0xb8;
	[tilespmem:$0x1CC00] =	vst v63  }
0x17f: {  	s9 =	rddreg [dreg:$0xa]  }
0x180: {  	[spmem:s2] =	stream.indirect.scatter.add.f32 [tilespmem:s15], [sflag:$0x3], $0x80, s9, s12, $0xb8;
	[tilespmem:$0x1CC00] =	vst v63  }
0x181: {  	_ =	swait.ge [sflag:s10], $0x4000  }
0x182: {  	[sflag:s10] =	ssyncset.done $0x0  }
0x183: {  	[sflag:s10] =	ssyncadd.s32 $0xFFFFC000  }
0x184: {  	_ =	swait.ge [sflag:s14], $0x4000  }
0x185: {  	[sflag:s14] =	ssyncset.done $0x0  }
0x186: {  	s8 =	rddreg [dreg:$0xb];
	[sflag:s14] =	ssyncadd.s32 $0xFFFFC000  }
0x187: {  	[tilespmem:s15], [sflag:$0x2] =	stream.indirect.gather [hbm4b:s4+s12], $0x80, s8, s12, $0xb8;
	[tilespmem:$0x1CC00] =	vst v63  }
0x188: {  	s9 =	rddreg [dreg:$0xc]  }
0x189: {  	[spmem:s2] =	stream.indirect.scatter.add.f32 [tilespmem:s13], [sflag:$0x3], $0x80, s9, s12, $0xb8;
	[tilespmem:$0x1CC00] =	vst v63  }
0x18a: {  	_ =	swait.ge [sflag:s10], $0x4000  }
0x18b: {  	[sflag:s10] =	ssyncset.done $0x0  }
0x18c: {  	[sflag:s10] =	ssyncadd.s32 $0xFFFFC000  }
0x18d: {  	_ =	swait.ge [sflag:s16], $0x4000  }
0x18e: {  	[sflag:s16] =	ssyncset.done $0x0  }
0x18f: {  	s8 =	rddreg [dreg:$0xd];
	[sflag:s16] =	ssyncadd.s32 $0xFFFFC000  }
0x190: {  	[tilespmem:s13], [sflag:$0x1] =	stream.indirect.gather [hbm4b:s4+s12], $0x80, s8, s12, $0xb8;
	[tilespmem:$0x1CC00] =	vst v63  }
0x191: {  	s9 =	rddreg [dreg:$0xe]  }
0x192: {  	[spmem:s2] =	stream.indirect.scatter.add.f32 [tilespmem:s15], [sflag:$0x3], $0x80, s9, s12, $0xb8;
	[tilespmem:$0x1CC00] =	vst v63  }
0x193: {  	_ =	swait.ge [sflag:s10], $0x4000  }
0x194: {  	[sflag:s10] =	ssyncset.done $0x0  }
0x195: {  	[sflag:s10] =	ssyncadd.s32 $0xFFFFC000  }
0x196: {  	_ =	swait.ge [sflag:s14], $0x4000  }
0x197: {  	[sflag:s14] =	ssyncset.done $0x0  }
0x198: {  	s7 =	rddreg [dreg:$0xf];
	[sflag:s14] =	ssyncadd.s32 $0xFFFFC000  }
0x199: {  	[tilespmem:s15], [sflag:$0x2] =	stream.indirect.gather [hbm4b:s4+s12], $0x80, s7, s12, $0xb8;
	[tilespmem:$0x1CC00] =	vst v63  }
0x19a: {  	s8 =	rddreg [dreg:$0x10]  }
0x19b: {  	[spmem:s2] =	stream.indirect.scatter.add.f32 [tilespmem:s13], [sflag:$0x3], $0x80, s8, s12, $0xb8;
	[tilespmem:$0x1CC00] =	vst v63  }
0x19c: {  	_ =	swait.ge [sflag:s10], $0x4000  }
0x19d: {  	[sflag:s10] =	ssyncset.done $0x0  }
0x19e: {  	[sflag:s10] =	ssyncadd.s32 $0xFFFFC000  }
0x19f: {  	_ =	swait.ge [sflag:s16], $0x4000  }
0x1a0: {  	[sflag:s16] =	ssyncset.done $0x0  }
0x1a1: {  	[sflag:s16] =	ssyncadd.s32 $0xFFFFC000  }
0x1a2: {  	[tilespmem:s13], [sflag:$0x1] =	stream.indirect.gather [hbm4b:s4+s12], $0x80, s17, s12, $0xb8;
	[tilespmem:$0x1CC00] =	vst v63  }
0x1a3: {  	_ = 	snop  }
0x1a4: {  	[spmem:s2] =	stream.indirect.scatter.add.f32 [tilespmem:s15], [sflag:$0x3], $0x80, s18, s12, $0xb8;
	[tilespmem:$0x1CC00] =	vst v63  }
0x1a5: {  	_ =	swait.ge [sflag:s10], $0x4000  }
0x1a6: {  	[sflag:s10] =	ssyncset.done $0x0  }
0x1a7: {  	[sflag:s10] =	ssyncadd.s32 $0xFFFFC000  }
0x1a8: {  	_ =	swait.ge [sflag:s14], $0x4000  }
0x1a9: {  	[sflag:s14] =	ssyncset.done $0x0  }
0x1aa: {  	[sflag:s14] =	ssyncadd.s32 $0xFFFFC000  }
0x1ab: {  	[tilespmem:s15], [sflag:$0x2] =	stream.indirect.gather [hbm4b:s4+s12], $0x80, s19, s12, $0xb8;
	[tilespmem:$0x1CC00] =	vst v63  }
0x1ac: {  	_ = 	snop  }
0x1ad: {  	[spmem:s2] =	stream.indirect.scatter.add.f32 [tilespmem:s13], [sflag:$0x3], $0x80, s20, s12, $0xb8;
	[tilespmem:$0x1CC00] =	vst v63  }
0x1ae: {  	_ =	swait.ge [sflag:s10], $0x4000  }
0x1af: {  	[sflag:s10] =	ssyncset.done $0x0  }
0x1b0: {  	[sflag:s10] =	ssyncadd.s32 $0xFFFFC000  }
0x1b1: {  	_ =	swait.ge [sflag:s16], $0x4000  }
0x1b2: {  	[sflag:s16] =	ssyncset.done $0x0  }
0x1b3: {  	[sflag:s16] =	ssyncadd.s32 $0xFFFFC000  }
0x1b4: {  	[tilespmem:s13], [sflag:$0x1] =	stream.indirect.gather [hbm4b:s4+s12], $0x80, s21, s12, $0xb8;
	[tilespmem:$0x1CC00] =	vst v63  }
0x1b5: {  	_ = 	snop  }
0x1b6: {  	[spmem:s2] =	stream.indirect.scatter.add.f32 [tilespmem:s15], [sflag:$0x3], $0x80, s22, s12, $0xb8;
	[tilespmem:$0x1CC00] =	vst v63  }
0x1b7: {  	_ =	swait.ge [sflag:s10], $0x4000  }
0x1b8: {  	[sflag:s10] =	ssyncset.done $0x0  }
0x1b9: {  	[sflag:s10] =	ssyncadd.s32 $0xFFFFC000  }
0x1ba: {  	_ =	swait.ge [sflag:s14], $0x4000  }
0x1bb: {  	[sflag:s14] =	ssyncset.done $0x0  }
0x1bc: {  	[sflag:s14] =	ssyncadd.s32 $0xFFFFC000  }
0x1bd: {  	[tilespmem:s15], [sflag:$0x2] =	stream.indirect.gather [hbm4b:s4+s12], $0x80, s23, s12, $0xb8;
	[tilespmem:$0x1CC00] =	vst v63  }
0x1be: {  	_ = 	snop  }
0x1bf: {  	[spmem:s2] =	stream.indirect.scatter.add.f32 [tilespmem:s13], [sflag:$0x3], $0x80, s24, s12, $0xb8;
	[tilespmem:$0x1CC00] =	vst v63  }
0x1c0: {  	_ =	swait.ge [sflag:s10], $0x4000  }
0x1c1: {  	[sflag:s10] =	ssyncset.done $0x0  }
0x1c2: {  	[sflag:s10] =	ssyncadd.s32 $0xFFFFC000  }
0x1c3: {  	_ =	swait.ge [sflag:s16], $0x4000  }
0x1c4: {  	[sflag:s16] =	ssyncset.done $0x0  }
0x1c5: {  	[sflag:s16] =	ssyncadd.s32 $0xFFFFC000  }
0x1c6: {  	[tilespmem:s13], [sflag:$0x1] =	stream.indirect.gather [hbm4b:s4+s12], $0x80, s25, s12, $0xb8;
	[tilespmem:$0x1CC00] =	vst v63  }
0x1c7: {  	_ = 	snop  }
0x1c8: {  	[spmem:s2] =	stream.indirect.scatter.add.f32 [tilespmem:s15], [sflag:$0x3], $0x80, s26, s12, $0xb8;
	[tilespmem:$0x1CC00] =	vst v63  }
0x1c9: {  	_ =	swait.ge [sflag:s10], $0x4000  }
0x1ca: {  	[sflag:s10] =	ssyncset.done $0x0  }
0x1cb: {  	[sflag:s10] =	ssyncadd.s32 $0xFFFFC000  }
0x1cc: {  	_ =	swait.ge [sflag:s14], $0x4000  }
0x1cd: {  	[sflag:s14] =	ssyncset.done $0x0  }
0x1ce: {  	[sflag:s14] =	ssyncadd.s32 $0xFFFFC000  }
0x1cf: {  	[tilespmem:s15], [sflag:$0x2] =	stream.indirect.gather [hbm4b:s4+s12], $0x80, s28, s12, $0xb8;
	[tilespmem:$0x1CC00] =	vst v63  }
0x1d0: {  	_ = 	snop  }
0x1d1: {  	[spmem:s2] =	stream.indirect.scatter.add.f32 [tilespmem:s13], [sflag:$0x3], $0x80, s29, s12, $0xb8;
	[tilespmem:$0x1CC00] =	vst v63  }
0x1d2: {  	_ =	swait.ge [sflag:s10], $0x4000  }
0x1d3: {  	[sflag:s10] =	ssyncset.done $0x0  }
0x1d4: {  	[sflag:s10] =	ssyncadd.s32 $0xFFFFC000  }
0x1d5: {  	_ =	swait.ge [sflag:s16], $0x4000  }
0x1d6: {  	[sflag:s16] =	ssyncset.done $0x0  }
0x1d7: {  	[sflag:s16] =	ssyncadd.s32 $0xFFFFC000  }
0x1d8: {  	[tilespmem:s13], [sflag:$0x1] =	stream.indirect.gather [hbm4b:s4+s12], $0x80, s30, s12, $0xb8;
	[tilespmem:$0x1CC00] =	vst v63  }
0x1d9: {  	_ = 	snop  }
0x1da: {  	[spmem:s2] =	stream.indirect.scatter.add.f32 [tilespmem:s15], [sflag:$0x3], $0x80, s31, s12, $0xb8;
	[tilespmem:$0x1CC00] =	vst v63  }
0x1db: {  	_ =	swait.ge [sflag:s10], $0x4000  }
0x1dc: {  	[sflag:s10] =	ssyncset.done $0x0  }
0x1dd: {  	[sflag:s10] =	ssyncadd.s32 $0xFFFFC000  }
0x1de: {  	_ =	swait.ge [sflag:s14], $0x4000  }
0x1df: {  	[sflag:s14] =	ssyncset.done $0x0  }
0x1e0: {  	[sflag:s14] =	ssyncadd.s32 $0xFFFFC000  }
0x1e1: {  	[tilespmem:s15], [sflag:$0x2] =	stream.indirect.gather [hbm4b:s4+s12], $0x80, s1, s12, $0xb8;
	[tilespmem:$0x1CC00] =	vst v63  }
0x1e2: {  	_ = 	snop  }
0x1e3: {  	[spmem:s2] =	stream.indirect.scatter.add.f32 [tilespmem:s13], [sflag:$0x3], $0x80, s0, s12, $0xb8;
	[tilespmem:$0x1CC00] =	vst v63  }
0x1e4: {  	_ =	swait.ge [sflag:s10], $0x4000  }
0x1e5: {  	[sflag:s10] =	ssyncset.done $0x0  }
0x1e6: {  	[sflag:s10] =	ssyncadd.s32 $0xFFFFC000  }
0x1e7: {  	_ =	swait.ge [sflag:s16], $0x4000  }
0x1e8: {  	[sflag:s16] =	ssyncset.done $0x0  }
0x1e9: {  	[sflag:s16] =	ssyncadd.s32 $0xFFFFC000  }
0x1ea: {  	[spmem:s2] =	stream.indirect.scatter.add.f32 [tilespmem:s15], [sflag:$0x3], $0x80, s5, s12, $0xb8;
	[tilespmem:$0x1CC00] =	vst v63  }
0x1eb: {  	_ =	swait.ge [sflag:s10], $0x4000  }
0x1ec: {  	[sflag:s10] =	ssyncset.done $0x0  }
0x1ed: {  	[sflag:s10] =	ssyncadd.s32 $0xFFFFC000  }
0x1ee: {  	[bflag:$0x0] =	sbarrier.arrive $0xFFFF  }
0x1ef: {  	s7 =	rddreg [dreg:$0x12]  }
0x1f0: {  	s9 =	rddreg [dreg:$0x13]  }
0x1f1: {  	s8 =	rddreg [dreg:$0x15]  }
0x1f2: {  	[hbm:s9], [sflag:s7] =	dma.local [spmem:s8], $0x2780  }
0x1f3: {  	_ =	swait.ge [sflag:s10], $0x2780  }
0x1f4: {  	s6 =	rddreg [dreg:$0x16]  }
0x1f5: {  	s9 =	sadd.s32 $0x1, s6;
	s6 =	rddreg [dreg:$0x14]  }
0x1f6: {  	p0 =	sne.s32 s9, s6  }
.Ltmp1:
0x1f7: {  	_ = 	snop;
	(pc) =	sbr.rel @p0 .LBB2_1-.Ltmp1, $3  }
0x1f8: {  	_ =	sdelay $0x1  }
0x1f9: {  	[sflag:s10] =	ssyncset.done $0x0  }
0x1fa: {  	[sflag:s10] =	ssyncadd.s32 $0xFFFFD880  }
0x1fb: {  	_ =	sfence.sel $0x180000  }
0x1fc: {  	[bflag:$0x0] =	sbarrier.arrive $0xFFFF  }
0x1fd: {  	_ =	strace $0x9000004A  }
0x1fe: {  	s0 =	stileid.u32;
	[bflag:$0x2] =	sbarrier.arrive $0xFFFF  }
0x1ff: {  	p0 =	sne.s32 s0, $0x0;
	s0 =	rddreg [dreg:$0x2]  }
0x200: {  	s0 =	sadd.s32 @!p0 $0x100000, s0  }
0x201: {  	[sflag:s0] =	ssyncadd.tile.s32 @!p0 $0x1;
	_ =	shalt  }
.Lfunc_end2:
_tile_overlayer_lowered:
.L_overlay_start_2:
0x202: {  	(tag) =	ssettag $0x2  }
0x203: {  	s0 =	rddreg [dreg:$0x0];
	s2 =	stileid.u32  }
0x204: {  	s1 =	rddreg [dreg:$0x1];
	p0 =	sne.s32 s2, $0x0  }
0x205: {  	s3 =	rddreg [dreg:$0x2];
	[bflag:$0x3] =	sbarrier.arrive $0xFFFF;
	s2 =	simm.s32 @!p0 $0x1C03  }
0x206: {  	[timem:s3], [sflag:s2] =	dma.local @!p0 [hbm:s0], s1  }
0x207: {  	s0 =	simm.s32 @!p0 $0x3  }
0x208: {  	_ =	swait.ge @!p0 [sflag:s0], s1  }
0x209: {  	s1 =	ssub.s32 @!p0 $0x0, s1;
	[sflag:s0] =	ssyncset.done @!p0 $0x0  }
0x20a: {  	[sflag:s0] =	ssyncadd.s32 @!p0 s1  }
0x20b: {  	[bflag:$0x3] =	sbarrier.arrive $0xFFFF  }
0x20c: {  	_ =	shalt  }

// kernel: kernel.15.cloned.1.call-start
scs
__scs_entry_jumppad:
0x0: {  	(pc) =	sbr.rel $0x88, $3  }
0x1: {  	(tag) =	ssettag $0x0;
	lr =	simm.s32 $0x1  }
0x2: {  	[smem:$0x3F97] =	sst lr;
	_ =	strace $0xD0000000  }
0x3: {  	_ = 	snop  }
0x4: {  	_ = 	snop  }
0x5: {  	_ = 	snop  }
0x6: {  	_ = 	snop  }
0x7: {  	_ = 	snop  }
__scs_overlays_trampoline_lowered:
0x8: {  	[smem:$0x3FA6] =	sst s0  }
0x9: {  	[smem:$0x3FA7] =	sst s1  }
0xa: {  	[smem:$0x3FA8] =	sst s2  }
0xb: {  	[smem:$0x3FA9] =	sst s3  }
0xc: {  	[smem:$0x3FAA] =	sst s4  }
0xd: {  	[smem:$0x3FAB] =	sst s5  }
0xe: {  	[smem:$0x3FAC] =	sst s6  }
0xf: {  	[smem:$0x3FAD] =	sst s7  }
0x10: {  	[smem:$0x3FAE] =	sst s8  }
0x11: {  	[smem:$0x3FAF] =	sst s9;
	s0 =	simm.s32 @!p0 $0x0  }
0x12: {  	s1 =	sld [smem:$0x3F95];
	s0 =	simm.s32 @p0 $0x1  }
0x13: {  	[smem:$0x3FB0] =	sst s0;
	s0 =	simm.s32 @!p1 $0x0  }
0x14: {  	s2 =	sld [smem:$0x3F94];
	s0 =	simm.s32 @p1 $0x1  }
0x15: {  	[smem:$0x3FB1] =	sst s0;
	s0 =	simm.s32 @!p2 $0x0  }
0x16: {  	s3 =	sld [smem:$0x3FDB];
	s0 =	simm.s32 @p2 $0x1  }
0x17: {  	s4 =	simm.s32 $0x1BF5;
	[smem:$0x3FB3] =	sst s0  }
0x18: {  	s0 =	sld [smem:$0x3F96];
	_ =	swait.ge [sflag:s4], $0x0  }
0x19: {  	s7 =	sld [smem:$0x3F97]  }
0x1a: {  	s8 =	sadd.s32 $0xFFFFE003, lr  }
0x1b: {  	s9 =	sadd.s32 $0xFFFFFEF7, lr;
	s5 =	simm.s32 $0xFFFFFFFF;
	p2 =	slt.u32 s8, $0xFFFFF086  }
0x1c: {  	p1 =	slt.u32 s9, $0xF7A;
	s5 =	simm.s32 @!p2 $0x0  }
0x1d: {  	s5 =	simm.s32 @p1 $0x1;
	p0 =	seq.s32 s7, s2  }
0x1e: {  	s7 =	smul.u32 @!p0 $0xF7A, s2;
	p2 =	seq.s32 @!p0 s5, $0x0  }
0x1f: {  	s9 =	smul.u32 $0xF7A, s1;
	s8 =	simm.s32 @!p0 $0x1BF5;
	p2 =	por !p2, p0  }
0x20: {  	[sflag:s8] =	ssyncset.s32 @!p0 $0xFFFFF086;
	s6 =	sadd.s32 @!p0 s3, s7;
	s7 =	simm.s32 @!p0 $0x108  }
0x21: {  	s3 =	sadd.s32 s3, s9;
	s6 =	sadd.s32 @!p0 $0x88, s6;
	s7 =	simm.s32 @p2 $0x1082  }
0x22: {  	[simem:s7], [sflag:s8] =	dma.local @!p0 [hbm:s6], $0xF7A  }
0x23: {  	s9 =	sor.u32 $0xD0000000, s2;
	s6 =	simm.s32 $0x108;
	_ =	swait.ge @!p0 [sflag:s8], $0x0  }
0x24: {  	s3 =	sadd.s32 $0x88, s3;
	s6 =	simm.s32 @!p1 $0x1082;
	[sflag:s4] =	ssyncset.s32 $0xFFFFF086  }
0x25: {  	[simem:s6], [sflag:s4] =	dma.local [hbm:s3], $0xF7A  }
0x26: {  	[smem:$0x3F97] =	sst s1;
	(tag) =	ssettag s2;
	_ =	strace s9  }
0x27: {  	s1 =	sld [smem:$0x3FA7]  }
0x28: {  	s2 =	sld [smem:$0x3FA8]  }
0x29: {  	s4 =	sld [smem:$0x3FAA]  }
0x2a: {  	p0 =	seq.s32 s5, $0x0;
	s5 =	sld [smem:$0x3FAB]  }
0x2b: {  	s6 =	sld [smem:$0x3FAC]  }
0x2c: {  	s7 =	sld [smem:$0x3FAD]  }
0x2d: {  	s3 =	simm.s32 $0x108;
	s8 =	sld [smem:$0x3FAE]  }
0x2e: {  	s3 =	simm.s32 @!p0 $0x1082;
	s9 =	sld [smem:$0x3FAF]  }
0x2f: {  	lr =	sadd.s32 s0, s3;
	s0 =	sld [smem:$0x3FA6]  }
0x30: {  	s3 =	sld [smem:$0x3FA9]  }
0x31: {  	[smem:$0x3FB2] =	sst s10  }
0x32: {  	s10 =	sld [smem:$0x3FB0];
	_ =	sdelay $0x3  }
0x33: {  	p0 =	seq.s32 s10, $0x1;
	s10 =	sld [smem:$0x3FB2];
	_ =	sdelay $0x3  }
0x34: {  	[smem:$0x3FB2] =	sst s10  }
0x35: {  	s10 =	sld [smem:$0x3FB1];
	_ =	sdelay $0x3  }
0x36: {  	p1 =	seq.s32 s10, $0x1;
	s10 =	sld [smem:$0x3FB2];
	_ =	sdelay $0x3  }
0x37: {  	[smem:$0x3FB2] =	sst s10  }
0x38: {  	s10 =	sld [smem:$0x3FB3]  }
0x39: {  	_ = 	snop;
	(pc) =	sbr.ind lr, $3  }
0x3a: {  	_ = 	snop  }
0x3b: {  	_ = 	snop  }
0x3c: {  	p2 =	seq.s32 s10, $0x1;
	s10 =	sld [smem:$0x3FB2]  }
0x3d: {  	_ =	shalt  }
0x3e: {  	_ =	shalt  }
0x3f: {  	_ =	shalt  }
0x40: {  	_ =	shalt  }
0x41: {  	_ =	shalt  }
0x42: {  	_ =	shalt  }
0x43: {  	_ =	shalt  }
0x44: {  	_ =	shalt  }
0x45: {  	_ =	shalt  }
0x46: {  	_ =	shalt  }
0x47: {  	_ =	shalt  }
0x48: {  	_ =	shalt  }
0x49: {  	_ =	shalt  }
0x4a: {  	_ =	shalt  }
0x4b: {  	_ =	shalt  }
0x4c: {  	_ =	shalt  }
0x4d: {  	_ =	shalt  }
0x4e: {  	_ =	shalt  }
0x4f: {  	_ =	shalt  }
0x50: {  	_ =	shalt  }
0x51: {  	_ =	shalt  }
0x52: {  	_ =	shalt  }
0x53: {  	_ =	shalt  }
0x54: {  	_ =	shalt  }
0x55: {  	_ =	shalt  }
0x56: {  	_ =	shalt  }
0x57: {  	_ =	shalt  }
0x58: {  	_ =	shalt  }
0x59: {  	_ =	shalt  }
0x5a: {  	_ =	shalt  }
0x5b: {  	_ =	shalt  }
0x5c: {  	_ =	shalt  }
0x5d: {  	_ =	shalt  }
0x5e: {  	_ =	shalt  }
0x5f: {  	_ =	shalt  }
0x60: {  	_ =	shalt  }
0x61: {  	_ =	shalt  }
0x62: {  	_ =	shalt  }
0x63: {  	_ =	shalt  }
0x64: {  	_ =	shalt  }
0x65: {  	_ =	shalt  }
0x66: {  	_ =	shalt  }
0x67: {  	_ =	shalt  }
0x68: {  	_ =	shalt  }
0x69: {  	_ =	shalt  }
0x6a: {  	_ =	shalt  }
0x6b: {  	_ =	shalt  }
0x6c: {  	_ =	shalt  }
0x6d: {  	_ =	shalt  }
0x6e: {  	_ =	shalt  }
0x6f: {  	_ =	shalt  }
0x70: {  	_ =	shalt  }
0x71: {  	_ =	shalt  }
0x72: {  	_ =	shalt  }
0x73: {  	_ =	shalt  }
0x74: {  	_ =	shalt  }
0x75: {  	_ =	shalt  }
0x76: {  	_ =	shalt  }
0x77: {  	_ =	shalt  }
0x78: {  	_ =	shalt  }
0x79: {  	_ =	shalt  }
0x7a: {  	_ =	shalt  }
0x7b: {  	_ =	shalt  }
0x7c: {  	_ =	shalt  }
0x7d: {  	_ =	shalt  }
0x7e: {  	_ =	shalt  }
0x7f: {  	_ =	shalt  }
0x80: {  	_ =	shalt  }
0x81: {  	_ =	shalt  }
0x82: {  	_ =	shalt  }
0x83: {  	_ =	shalt  }
0x84: {  	_ =	shalt  }
0x85: {  	_ =	shalt  }
0x86: {  	_ =	shalt  }
0x87: {  	_ =	shalt  }
.Lfunc_end0:
.L_simem_size_0:
called_computation.2_lowered:
.L_overlay_start_0:
0x88: {  	s2 =	sld [smem:$0x3FD9]  }
0x89: {  	s3 =	sld [smem:$0x3FFE];
	_ =	sdelay $0x1  }
0x8a: {  	s1 =	srdreg.scid  }
0x8b: {  	s0 =	sand.u32 $0x1, s1  }
0x8c: {  	s16 =	sshll.u32 s0, $0xA;
	s2 =	sadd.s32 s3, s2  }
0x8d: {  	s2 =	sadd.s32 s2, s16  }
0x8e: {  	[smem:$0x3FBE] =	sst s2  }
0x8f: {  	_ = 	snop  }
0x90: {  	(tm) =	ssettm $0x1  }
0x91: {  	s17 =	sld [smem:$0x3FFB];
	_ =	sdelay $0x3  }
0x92: {  	_ =	strace s17  }
0x93: {  	s2 =	sld [smem:$0x3FFC];
	_ =	sdelay $0x3  }
0x94: {  	_ =	strace s2  }
0x95: {  	s2 =	sld [smem:$0x3FFD];
	_ =	sdelay $0x3  }
0x96: {  	_ =	strace s2  }
0x97: {  	_ =	strace $0x8FFFFFFF  }
0x98: {  	s18 =	sld [smem:$0x3FDB];
	_ =	sdelay $0x1  }
0x99: {  	s19 =	simm.s32 $_scs_section_size  }
0x9a: {  	s4 =	simm.s32 $_size__tile_overlayer_lowered;
	s5 =	simm.s32 $_tile_overlayer_lowered  }
0x9b: {  	s22 =	simm.s32 $0x1BFF;
	s21 =	sshll.u32 s5, $0x1;
	s2 =	sadd.s32 s19, s18  }
0x9c: {  	s6 =	simm.s32 $0x0;
	s20 =	sshll.u32 s4, $0x1;
	s4 =	sadd.s32 s21, s2  }
0x9d: {  	[timem:s6], [sflag:s22] =	dma.local [hbm:s4], s20  }
0x9e: {  	_ =	swait.ge [sflag:s22], s20  }
0x9f: {  	s3 =	ssub.s32 $0x0, s20;
	[sflag:s22] =	ssyncset.done $0x0  }
0xa0: {  	[sflag:s22] =	ssyncadd.s32 s3;
	_ =	sdelay $0x1  }
0xa1: {  	s23 =	simm.s32 $0x1B8B  }
0xa2: {  	_ =	swait.ge [sflag:s23], $0x1  }
0xa3: {  	[sflag:s23] =	ssyncset.done $0x0  }
0xa4: {  	s25 =	simm.s32 $0x1B8E;
	s24 =	sld [smem:$0x3FFE];
	[sflag:s23] =	ssyncadd.s32 $0xFFFFFFFF  }
0xa5: {  	s26 =	simm.s32 $execute0_lowered;
	[smem:$0x3FD2] =	sst s25  }
0xa6: {  	s4 =	sshll.u32 s26, $0x1;
	_ =	strace $0x8000004C;
	[dreg:$0x1] =	wrdreg $0xFFFFFFFF  }
0xa7: {  	s28 =	simm.s32 $_size_execute0_lowered;
	s2 =	sadd.s32 s2, s4;
	[dreg:$0x0] =	wrdreg $0x0  }
0xa8: {  	s4 =	sshll.u32 s28, $0x1;
	[dreg:$0x2] =	wrdreg s2  }
0xa9: {  	[dreg:$0x3] =	wrdreg s4  }
0xaa: {  	[dreg:$0x4] =	wrdreg $0xC0  }
0xab: {  	_ =	task [dreg:s6], $0x5FFFF  }
0xac: {  	[dreg:$0x1] =	wrdreg $0xFFFFFFFF  }
0xad: {  	[dreg:$0x0] =	wrdreg $0x60  }
0xae: {  	[dreg:$0x2] =	wrdreg s24  }
0xaf: {  	[dreg:$0x3] =	wrdreg $0x90000  }
0xb0: {  	[dreg:$0x4] =	wrdreg $0x9  }
0xb1: {  	_ =	task.clear_ibuf [dreg:s6], $0x5FFFF;
	_ =	strace $0x9000004C  }
0xb2: {  	s29 =	simm.s32 $0x9;
	_ =	strace $0x8000004E  }
0xb3: {  	_ =	swait.ge [sflag:s29], $0x1  }
0xb4: {  	[sflag:s29] =	ssyncadd.s32 $0xFFFFFFFF  }
0xb5: {  	_ =	strace $0x9000004E  }
0xb6: {  	_ =	sfence  }
0xb7: {  	s30 =	sld [smem:$0x0];
	_ =	sdelay $0x2  }
0xb8: {  	s31 =	sshll.u32 s1, $0xD;
	s1 =	sshrl.u32 s1, $0x2  }
0xb9: {  	s3 =	sand.u32 $0x4000, s31;
	s1 =	sadd.s32 s1, s30  }
0xba: {  	s0 =	sor.u32 s3, s0;
	s1 =	sshll.u32 s1, $0x11  }
0xbb: {  	s0 =	sor.u32 s1, s0  }
0xbc: {  	s0 =	sadd.s32 $0x8F2B, s0  }
0xbd: {  	[sflag:s0] =	ssyncadd.remote.s32 $0x1  }
0xbe: {  	_ =	sfence.sel $0xFFFF  }
0xbf: {  	[dreg:$0x0] =	wrdreg $0xFFFFFFFF;
	(pc) =	sbr.abs _section_cstart, $3  }
0xc0: {  	[dreg:$0x1] =	wrdreg $0xFFFFFFFF  }
0xc1: {  	_ =	task.clear_ibuf [dreg:s6], $0x2FFFF;
	_ =	strace $0x9FFFFFFF  }
0xc2: {  	(tm) =	ssettm $0x7FFFFFFF  }
0xc3: {  	_ =	shalt  }
tec
execute0_lowered:
.L_overlay_start_1:
0x0: {  	(tag) =	ssettag $0x1  }
0x1: {  	s0 =	srdreg.scid;
	s1 =	rddreg [dreg:$0x0]  }
0x2: {  	s10 =	stileid.u32;
	s2 =	rddreg [dreg:$0x1]  }
0x3: {  	s3 =	simm.s32 $0x0;
	s13 =	simm.s32 $0x100;
	s15 =	simm.s32 $0x880  }
0x4: {  	s17 =	simm.s32 $0x180;
	s18 =	simm.s32 $0x900;
	s19 =	simm.s32 $0x200  }
0x5: {  	s20 =	simm.s32 $0x980;
	s21 =	simm.s32 $0x280;
	[smem:$0x7FF] =	sst s3  }
0x6: {  	s22 =	simm.s32 $0xA00;
	_ =	strace $0x8000004D;
	[dreg:$0x5] =	wrdreg s13  }
0x7: {  	s23 =	simm.s32 $0x300;
	s24 =	simm.s32 $0xA80;
	[dreg:$0x6] =	wrdreg s15  }
0x8: {  	s28 =	simm.s32 $0x680;
	s29 =	simm.s32 $0xE00;
	[dreg:$0x7] =	wrdreg s17  }
0x9: {  	s30 =	simm.s32 $0x700;
	s5 =	smul.u32 $0x2800, s10;
	[dreg:$0x8] =	wrdreg s18  }
0xa: {  	s31 =	simm.s32 $0xE80;
	s25 =	smul.u32 $0x13C00, s10;
	[dreg:$0x9] =	wrdreg s19  }
0xb: {  	s0 =	sand.u32 $0x1, s0;
	s9 =	smul.u32 $0x4F000, s10;
	[dreg:$0xa] =	wrdreg s20  }
0xc: {  	s16 =	sshll.u32 s10, $0x6;
	s4 =	smul.u32 $0x28000, s0;
	[dreg:$0xb] =	wrdreg s21  }
0xd: {  	s10 =	simm.s32 $0x3;
	s7 =	smul.u32 $0x13C000, s0;
	[dreg:$0xc] =	wrdreg s22  }
0xe: {  	s0 =	ssub.s32 $0x2, s0;
	[dreg:$0xd] =	wrdreg s23;
	s13 =	simm.s32 $0x1000  }
0xf: {  	[dreg:$0xe] =	wrdreg s24;
	s15 =	simm.s32 $0x5000;
	s17 =	simm.s32 $0x400  }
0x10: {  	s18 =	simm.s32 $0xB80;
	s19 =	simm.s32 $0x480;
	s20 =	simm.s32 $0xC00  }
0x11: {  	s21 =	simm.s32 $0x500;
	s22 =	simm.s32 $0xC80;
	s23 =	simm.s32 $0x580  }
0x12: {  	s24 =	simm.s32 $0xD00;
	s8 =	sshrl.u32 s25, $0x3;
	s26 =	sshrl.u32 s0, $0x1  }
0x13: {  	s9 =	sshrl.u32 s9, $0x2;
	s4 =	sadd.s32 s5, s4;
	s8 =	sadd.s32 s8, s1  }
0x14: {  	s5 =	sadd.s32 s25, s7;
	s0 =	ssub.s32 s0, s26;
	s12 =	sadd.s32 s9, s2  }
0x15: {  	s25 =	simm.s32 $0x380;
	s26 =	simm.s32 $0xB00;
	s9 =	simm.s32 $0x0  }
0x16: {  	s6 =	sshrl.u32 s4, $0x3;
	s4 =	sadd.s32 $0x7EC00, s1;
	s5 =	sshrl.u32 s5, $0x3  }
0x17: {  	s14 =	sadd.s32 $0xA5E00, s8;
	s0 =	smax.u32 s0, $0x1;
	[dreg:$0xf] =	wrdreg s25  }
0x18: {  	s8 =	sshrl.u32 s12, $0x3;
	s12 =	simm.s32 $0x80;
	[dreg:$0x10] =	wrdreg s26  }
0x19: {  	s25 =	simm.s32 $0x600;
	s26 =	simm.s32 $0xD80;
	[dreg:$0x11] =	wrdreg s14  }
0x1a: {  	s6 =	sadd.s32 s6, s1;
	s1 =	sadd.s32 s5, s1;
	[dreg:$0x14] =	wrdreg s0  }
0x1b: {  	s14 =	simm.s32 $0x1;
	[dreg:$0x15] =	wrdreg s8;
	s7 =	sadd.s32 $0xCE00, s6  }
0x1c: {  	s0 =	simm.s32 $0xF00;
	s11 =	sadd.s32 $0x25C00, s6;
	[dreg:$0x3] =	wrdreg s7  }
0x1d: {  	s5 =	simm.s32 $0xF80;
	s1 =	sadd.s32 $0xCD600, s1;
	[dreg:$0x4] =	wrdreg s11  }
0x1e: {  	s7 =	sor.u32 $0x1C03, s16;
	[dreg:$0x13] =	wrdreg s1;
	s11 =	simm.s32 $0x800  }
0x1f: {  	s16 =	simm.s32 $0x2;
	s1 =	simm.s32 $0x780;
	[dreg:$0x12] =	wrdreg s7  }
.LBB2_1:
0x20: {  	[dreg:$0x16] =	wrdreg s9  }
0x21: {  	s6 =	rddreg [dreg:$0x11]  }
0x22: {  	[spmem:s8], [sflag:s7] =	dma.local [hbm:s6], $0x2780  }
0x23: {  	_ =	swait.ge [sflag:s10], $0x2780  }
0x24: {  	[sflag:s10] =	ssyncset.done $0x0  }
0x25: {  	[sflag:s10] =	ssyncadd.s32 $0xFFFFD880  }
0x26: {  	[bflag:$0x0] =	sbarrier.arrive $0xFFFF  }
0x27: {  	s7 =	rddreg [dreg:$0x4]  }
0x28: {  	s6 =	sadd.s32 $0x0, s7  }
0x29: {  	[tilespmem:s3], [sflag:$0x3] =	stream.linear.gather [hbm4b:s6+s3], $0x800, $0x38;
	[tilespmem:$0x1CC00] =	vst v63  }
0x2a: {  	_ =	swait.ge [sflag:s10], $0x800  }
0x2b: {  	s8 =	rddreg [dreg:$0x3];
	[sflag:s10] =	ssyncset.done $0x0  }
0x2c: {  	[sflag:s10] =	ssyncadd.s32 $0xFFFFF800;
	s6 =	sadd.s32 $0x0, s8  }
0x2d: {  	[tilespmem:s11], [sflag:$0x3] =	stream.linear.gather [hbm4b:s6+s3], $0x800, $0x38;
	[tilespmem:$0x1CC00] =	vst v63  }
0x2e: {  	_ =	swait.ge [sflag:s10], $0x800  }
0x2f: {  	[sflag:s10] =	ssyncset.done $0x0  }
0x30: {  	[sflag:s10] =	ssyncadd.s32 $0xFFFFF800  }
0x31: {  	[tilespmem:s13], [sflag:$0x1] =	stream.indirect.gather [hbm4b:s4+s12], $0x80, s3, s12, $0xb8;
	[tilespmem:$0x1CC00] =	vst v63  }
0x32: {  	_ =	swait.ge [sflag:s14], $0x4000  }
0x33: {  	[sflag:s14] =	ssyncset.done $0x0  }
0x34: {  	[sflag:s14] =	ssyncadd.s32 $0xFFFFC000  }
0x35: {  	[tilespmem:s15], [sflag:$0x2] =	stream.indirect.gather [hbm4b:s4+s12], $0x80, s12, s12, $0xb8;
	[tilespmem:$0x1CC00] =	vst v63  }
0x36: {  	_ = 	snop  }
0x37: {  	[spmem:s2] =	stream.indirect.scatter.add.f32 [tilespmem:s13], [sflag:$0x3], $0x80, s11, s12, $0xb8;
	[tilespmem:$0x1CC00] =	vst v63  }
0x38: {  	_ =	swait.ge [sflag:s10], $0x4000  }
0x39: {  	[sflag:s10] =	ssyncset.done $0x0  }
0x3a: {  	[sflag:s10] =	ssyncadd.s32 $0xFFFFC000  }
0x3b: {  	_ =	swait.ge [sflag:s16], $0x4000  }
0x3c: {  	[sflag:s16] =	ssyncset.done $0x0  }
0x3d: {  	s9 =	rddreg [dreg:$0x5];
	[sflag:s16] =	ssyncadd.s32 $0xFFFFC000  }
0x3e: {  	[tilespmem:s13], [sflag:$0x1] =	stream.indirect.gather [hbm4b:s4+s12], $0x80, s9, s12, $0xb8;
	[tilespmem:$0x1CC00] =	vst v63  }
0x3f: {  	s7 =	rddreg [dreg:$0x6]  }
0x40: {  	[spmem:s2] =	stream.indirect.scatter.add.f32 [tilespmem:s15], [sflag:$0x3], $0x80, s7, s12, $0xb8;
	[tilespmem:$0x1CC00] =	vst v63  }
0x41: {  	_ =	swait.ge [sflag:s10], $0x4000  }
0x42: {  	[sflag:s10] =	ssyncset.done $0x0  }
0x43: {  	[sflag:s10] =	ssyncadd.s32 $0xFFFFC000  }
0x44: {  	_ =	swait.ge [sflag:s14], $0x4000  }
0x45: {  	[sflag:s14] =	ssyncset.done $0x0  }
0x46: {  	s9 =	rddreg [dreg:$0x7];
	[sflag:s14] =	ssyncadd.s32 $0xFFFFC000  }
0x47: {  	[tilespmem:s15], [sflag:$0x2] =	stream.indirect.gather [hbm4b:s4+s12], $0x80, s9, s12, $0xb8;
	[tilespmem:$0x1CC00] =	vst v63  }
0x48: {  	s7 =	rddreg [dreg:$0x8]  }
0x49: {  	[spmem:s2] =	stream.indirect.scatter.add.f32 [tilespmem:s13], [sflag:$0x3], $0x80, s7, s12, $0xb8;
	[tilespmem:$0x1CC00] =	vst v63  }
0x4a: {  	_ =	swait.ge [sflag:s10], $0x4000  }
0x4b: {  	[sflag:s10] =	ssyncset.done $0x0  }
0x4c: {  	[sflag:s10] =	ssyncadd.s32 $0xFFFFC000  }
0x4d: {  	_ =	swait.ge [sflag:s16], $0x4000  }
0x4e: {  	[sflag:s16] =	ssyncset.done $0x0  }
0x4f: {  	s9 =	rddreg [dreg:$0x9];
	[sflag:s16] =	ssyncadd.s32 $0xFFFFC000  }
0x50: {  	[tilespmem:s13], [sflag:$0x1] =	stream.indirect.gather [hbm4b:s4+s12], $0x80, s9, s12, $0xb8;
	[tilespmem:$0x1CC00] =	vst v63  }
0x51: {  	s7 =	rddreg [dreg:$0xa]  }
0x52: {  	[spmem:s2] =	stream.indirect.scatter.add.f32 [tilespmem:s15], [sflag:$0x3], $0x80, s7, s12, $0xb8;
	[tilespmem:$0x1CC00] =	vst v63  }
0x53: {  	_ =	swait.ge [sflag:s10], $0x4000  }
0x54: {  	[sflag:s10] =	ssyncset.done $0x0  }
0x55: {  	[sflag:s10] =	ssyncadd.s32 $0xFFFFC000  }
0x56: {  	_ =	swait.ge [sflag:s14], $0x4000  }
0x57: {  	[sflag:s14] =	ssyncset.done $0x0  }
0x58: {  	s9 =	rddreg [dreg:$0xb];
	[sflag:s14] =	ssyncadd.s32 $0xFFFFC000  }
0x59: {  	[tilespmem:s15], [sflag:$0x2] =	stream.indirect.gather [hbm4b:s4+s12], $0x80, s9, s12, $0xb8;
	[tilespmem:$0x1CC00] =	vst v63  }
0x5a: {  	s7 =	rddreg [dreg:$0xc]  }
0x5b: {  	[spmem:s2] =	stream.indirect.scatter.add.f32 [tilespmem:s13], [sflag:$0x3], $0x80, s7, s12, $0xb8;
	[tilespmem:$0x1CC00] =	vst v63  }
0x5c: {  	_ =	swait.ge [sflag:s10], $0x4000  }
0x5d: {  	[sflag:s10] =	ssyncset.done $0x0  }
0x5e: {  	[sflag:s10] =	ssyncadd.s32 $0xFFFFC000  }
0x5f: {  	_ =	swait.ge [sflag:s16], $0x4000  }
0x60: {  	[sflag:s16] =	ssyncset.done $0x0  }
0x61: {  	s9 =	rddreg [dreg:$0xd];
	[sflag:s16] =	ssyncadd.s32 $0xFFFFC000  }
0x62: {  	[tilespmem:s13], [sflag:$0x1] =	stream.indirect.gather [hbm4b:s4+s12], $0x80, s9, s12, $0xb8;
	[tilespmem:$0x1CC00] =	vst v63  }
0x63: {  	s7 =	rddreg [dreg:$0xe]  }
0x64: {  	[spmem:s2] =	stream.indirect.scatter.add.f32 [tilespmem:s15], [sflag:$0x3], $0x80, s7, s12, $0xb8;
	[tilespmem:$0x1CC00] =	vst v63  }
0x65: {  	_ =	swait.ge [sflag:s10], $0x4000  }
0x66: {  	[sflag:s10] =	ssyncset.done $0x0  }
0x67: {  	[sflag:s10] =	ssyncadd.s32 $0xFFFFC000  }
0x68: {  	_ =	swait.ge [sflag:s14], $0x4000  }
0x69: {  	[sflag:s14] =	ssyncset.done $0x0  }
0x6a: {  	s8 =	rddreg [dreg:$0xf];
	[sflag:s14] =	ssyncadd.s32 $0xFFFFC000  }
0x6b: {  	[tilespmem:s15], [sflag:$0x2] =	stream.indirect.gather [hbm4b:s4+s12], $0x80, s8, s12, $0xb8;
	[tilespmem:$0x1CC00] =	vst v63  }
0x6c: {  	s9 =	rddreg [dreg:$0x10]  }
0x6d: {  	[spmem:s2] =	stream.indirect.scatter.add.f32 [tilespmem:s13], [sflag:$0x3], $0x80, s9, s12, $0xb8;
	[tilespmem:$0x1CC00] =	vst v63  }
0x6e: {  	_ =	swait.ge [sflag:s10], $0x4000  }
0x6f: {  	[sflag:s10] =	ssyncset.done $0x0  }
0x70: {  	[sflag:s10] =	ssyncadd.s32 $0xFFFFC000  }
0x71: {  	_ =	swait.ge [sflag:s16], $0x4000  }
0x72: {  	[sflag:s16] =	ssyncset.done $0x0  }
0x73: {  	[sflag:s16] =	ssyncadd.s32 $0xFFFFC000  }
0x74: {  	[tilespmem:s13], [sflag:$0x1] =	stream.indirect.gather [hbm4b:s4+s12], $0x80, s17, s12, $0xb8;
	[tilespmem:$0x1CC00] =	vst v63  }
0x75: {  	_ = 	snop  }
0x76: {  	[spmem:s2] =	stream.indirect.scatter.add.f32 [tilespmem:s15], [sflag:$0x3], $0x80, s18, s12, $0xb8;
	[tilespmem:$0x1CC00] =	vst v63  }
0x77: {  	_ =	swait.ge [sflag:s10], $0x4000  }
0x78: {  	[sflag:s10] =	ssyncset.done $0x0  }
0x79: {  	[sflag:s10] =	ssyncadd.s32 $0xFFFFC000  }
0x7a: {  	_ =	swait.ge [sflag:s14], $0x4000  }
0x7b: {  	[sflag:s14] =	ssyncset.done $0x0  }
0x7c: {  	[sflag:s14] =	ssyncadd.s32 $0xFFFFC000  }
0x7d: {  	[tilespmem:s15], [sflag:$0x2] =	stream.indirect.gather [hbm4b:s4+s12], $0x80, s19, s12, $0xb8;
	[tilespmem:$0x1CC00] =	vst v63  }
0x7e: {  	_ = 	snop  }
0x7f: {  	[spmem:s2] =	stream.indirect.scatter.add.f32 [tilespmem:s13], [sflag:$0x3], $0x80, s20, s12, $0xb8;
	[tilespmem:$0x1CC00] =	vst v63  }
0x80: {  	_ =	swait.ge [sflag:s10], $0x4000  }
0x81: {  	[sflag:s10] =	ssyncset.done $0x0  }
0x82: {  	[sflag:s10] =	ssyncadd.s32 $0xFFFFC000  }
0x83: {  	_ =	swait.ge [sflag:s16], $0x4000  }
0x84: {  	[sflag:s16] =	ssyncset.done $0x0  }
0x85: {  	[sflag:s16] =	ssyncadd.s32 $0xFFFFC000  }
0x86: {  	[tilespmem:s13], [sflag:$0x1] =	stream.indirect.gather [hbm4b:s4+s12], $0x80, s21, s12, $0xb8;
	[tilespmem:$0x1CC00] =	vst v63  }
0x87: {  	_ = 	snop  }
0x88: {  	[spmem:s2] =	stream.indirect.scatter.add.f32 [tilespmem:s15], [sflag:$0x3], $0x80, s22, s12, $0xb8;
	[tilespmem:$0x1CC00] =	vst v63  }
0x89: {  	_ =	swait.ge [sflag:s10], $0x4000  }
0x8a: {  	[sflag:s10] =	ssyncset.done $0x0  }
0x8b: {  	[sflag:s10] =	ssyncadd.s32 $0xFFFFC000  }
0x8c: {  	_ =	swait.ge [sflag:s14], $0x4000  }
0x8d: {  	[sflag:s14] =	ssyncset.done $0x0  }
0x8e: {  	[sflag:s14] =	ssyncadd.s32 $0xFFFFC000  }
0x8f: {  	[tilespmem:s15], [sflag:$0x2] =	stream.indirect.gather [hbm4b:s4+s12], $0x80, s23, s12, $0xb8;
	[tilespmem:$0x1CC00] =	vst v63  }
0x90: {  	_ = 	snop  }
0x91: {  	[spmem:s2] =	stream.indirect.scatter.add.f32 [tilespmem:s13], [sflag:$0x3], $0x80, s24, s12, $0xb8;
	[tilespmem:$0x1CC00] =	vst v63  }
0x92: {  	_ =	swait.ge [sflag:s10], $0x4000  }
0x93: {  	[sflag:s10] =	ssyncset.done $0x0  }
0x94: {  	[sflag:s10] =	ssyncadd.s32 $0xFFFFC000  }
0x95: {  	_ =	swait.ge [sflag:s16], $0x4000  }
0x96: {  	[sflag:s16] =	ssyncset.done $0x0  }
0x97: {  	[sflag:s16] =	ssyncadd.s32 $0xFFFFC000  }
0x98: {  	[tilespmem:s13], [sflag:$0x1] =	stream.indirect.gather [hbm4b:s4+s12], $0x80, s25, s12, $0xb8;
	[tilespmem:$0x1CC00] =	vst v63  }
0x99: {  	_ = 	snop  }
0x9a: {  	[spmem:s2] =	stream.indirect.scatter.add.f32 [tilespmem:s15], [sflag:$0x3], $0x80, s26, s12, $0xb8;
	[tilespmem:$0x1CC00] =	vst v63  }
0x9b: {  	_ =	swait.ge [sflag:s10], $0x4000  }
0x9c: {  	[sflag:s10] =	ssyncset.done $0x0  }
0x9d: {  	[sflag:s10] =	ssyncadd.s32 $0xFFFFC000  }
0x9e: {  	_ =	swait.ge [sflag:s14], $0x4000  }
0x9f: {  	[sflag:s14] =	ssyncset.done $0x0  }
0xa0: {  	[sflag:s14] =	ssyncadd.s32 $0xFFFFC000  }
0xa1: {  	[tilespmem:s15], [sflag:$0x2] =	stream.indirect.gather [hbm4b:s4+s12], $0x80, s28, s12, $0xb8;
	[tilespmem:$0x1CC00] =	vst v63  }
0xa2: {  	_ = 	snop  }
0xa3: {  	[spmem:s2] =	stream.indirect.scatter.add.f32 [tilespmem:s13], [sflag:$0x3], $0x80, s29, s12, $0xb8;
	[tilespmem:$0x1CC00] =	vst v63  }
0xa4: {  	_ =	swait.ge [sflag:s10], $0x4000  }
0xa5: {  	[sflag:s10] =	ssyncset.done $0x0  }
0xa6: {  	[sflag:s10] =	ssyncadd.s32 $0xFFFFC000  }
0xa7: {  	_ =	swait.ge [sflag:s16], $0x4000  }
0xa8: {  	[sflag:s16] =	ssyncset.done $0x0  }
0xa9: {  	[sflag:s16] =	ssyncadd.s32 $0xFFFFC000  }
0xaa: {  	[tilespmem:s13], [sflag:$0x1] =	stream.indirect.gather [hbm4b:s4+s12], $0x80, s30, s12, $0xb8;
	[tilespmem:$0x1CC00] =	vst v63  }
0xab: {  	_ = 	snop  }
0xac: {  	[spmem:s2] =	stream.indirect.scatter.add.f32 [tilespmem:s15], [sflag:$0x3], $0x80, s31, s12, $0xb8;
	[tilespmem:$0x1CC00] =	vst v63  }
0xad: {  	_ =	swait.ge [sflag:s10], $0x4000  }
0xae: {  	[sflag:s10] =	ssyncset.done $0x0  }
0xaf: {  	[sflag:s10] =	ssyncadd.s32 $0xFFFFC000  }
0xb0: {  	_ =	swait.ge [sflag:s14], $0x4000  }
0xb1: {  	[sflag:s14] =	ssyncset.done $0x0  }
0xb2: {  	[sflag:s14] =	ssyncadd.s32 $0xFFFFC000  }
0xb3: {  	[tilespmem:s15], [sflag:$0x2] =	stream.indirect.gather [hbm4b:s4+s12], $0x80, s1, s12, $0xb8;
	[tilespmem:$0x1CC00] =	vst v63  }
0xb4: {  	_ = 	snop  }
0xb5: {  	[spmem:s2] =	stream.indirect.scatter.add.f32 [tilespmem:s13], [sflag:$0x3], $0x80, s0, s12, $0xb8;
	[tilespmem:$0x1CC00] =	vst v63  }
0xb6: {  	_ =	swait.ge [sflag:s10], $0x4000  }
0xb7: {  	[sflag:s10] =	ssyncset.done $0x0  }
0xb8: {  	[sflag:s10] =	ssyncadd.s32 $0xFFFFC000  }
0xb9: {  	_ =	swait.ge [sflag:s16], $0x4000  }
0xba: {  	[sflag:s16] =	ssyncset.done $0x0  }
0xbb: {  	[sflag:s16] =	ssyncadd.s32 $0xFFFFC000  }
0xbc: {  	[spmem:s2] =	stream.indirect.scatter.add.f32 [tilespmem:s15], [sflag:$0x3], $0x80, s5, s12, $0xb8;
	[tilespmem:$0x1CC00] =	vst v63  }
0xbd: {  	s6 =	simm.s32 $0x200;
	_ =	swait.ge [sflag:s10], $0x4000  }
0xbe: {  	s8 =	simm.s32 $0x100;
	s9 =	rddreg [dreg:$0x4];
	[sflag:s10] =	ssyncset.done $0x0  }
.LBB2_2:
0xbf: {  	[sflag:s10] =	ssyncadd.s32 $0xFFFFC000;
	s9 =	sadd.s32 s8, s9  }
0xc0: {  	[tilespmem:s3], [sflag:$0x3] =	stream.linear.gather [hbm4b:s9+s3], $0x800, $0x38;
	[tilespmem:$0x1CC00] =	vst v63  }
0xc1: {  	_ =	swait.ge [sflag:s10], $0x800  }
0xc2: {  	s9 =	rddreg [dreg:$0x3];
	[sflag:s10] =	ssyncset.done $0x0  }
0xc3: {  	[sflag:s10] =	ssyncadd.s32 $0xFFFFF800;
	s9 =	sadd.s32 s8, s9  }
0xc4: {  	[tilespmem:s11], [sflag:$0x3] =	stream.linear.gather [hbm4b:s9+s3], $0x800, $0x38;
	[tilespmem:$0x1CC00] =	vst v63  }
0xc5: {  	_ =	swait.ge [sflag:s10], $0x800  }
0xc6: {  	[sflag:s10] =	ssyncset.done $0x0  }
0xc7: {  	[sflag:s10] =	ssyncadd.s32 $0xFFFFF800  }
0xc8: {  	[tilespmem:s13], [sflag:$0x1] =	stream.indirect.gather [hbm4b:s4+s12], $0x80, s3, s12, $0xb8;
	[tilespmem:$0x1CC00] =	vst v63  }
0xc9: {  	_ =	swait.ge [sflag:s14], $0x4000  }
0xca: {  	[sflag:s14] =	ssyncset.done $0x0  }
0xcb: {  	[sflag:s14] =	ssyncadd.s32 $0xFFFFC000  }
0xcc: {  	[tilespmem:s15], [sflag:$0x2] =	stream.indirect.gather [hbm4b:s4+s12], $0x80, s12, s12, $0xb8;
	[tilespmem:$0x1CC00] =	vst v63  }
0xcd: {  	_ = 	snop  }
0xce: {  	[spmem:s2] =	stream.indirect.scatter.add.f32 [tilespmem:s13], [sflag:$0x3], $0x80, s11, s12, $0xb8;
	[tilespmem:$0x1CC00] =	vst v63  }
0xcf: {  	_ =	swait.ge [sflag:s10], $0x4000  }
0xd0: {  	[sflag:s10] =	ssyncset.done $0x0  }
0xd1: {  	[sflag:s10] =	ssyncadd.s32 $0xFFFFC000  }
0xd2: {  	_ =	swait.ge [sflag:s16], $0x4000  }
0xd3: {  	s7 =	smov.u32 s6;
	[sflag:s16] =	ssyncset.done $0x0  }
0xd4: {  	s8 =	smov.u32 s7;
	s7 =	rddreg [dreg:$0x5];
	[sflag:s16] =	ssyncadd.s32 $0xFFFFC000  }
0xd5: {  	[tilespmem:s13], [sflag:$0x1] =	stream.indirect.gather [hbm4b:s4+s12], $0x80, s7, s12, $0xb8;
	[tilespmem:$0x1CC00] =	vst v63  }
0xd6: {  	s9 =	rddreg [dreg:$0x6]  }
0xd7: {  	[spmem:s2] =	stream.indirect.scatter.add.f32 [tilespmem:s15], [sflag:$0x3], $0x80, s9, s12, $0xb8;
	[tilespmem:$0x1CC00] =	vst v63  }
0xd8: {  	_ =	swait.ge [sflag:s10], $0x4000  }
0xd9: {  	[sflag:s10] =	ssyncset.done $0x0  }
0xda: {  	[sflag:s10] =	ssyncadd.s32 $0xFFFFC000  }
0xdb: {  	_ =	swait.ge [sflag:s14], $0x4000  }
0xdc: {  	[sflag:s14] =	ssyncset.done $0x0  }
0xdd: {  	s7 =	rddreg [dreg:$0x7];
	[sflag:s14] =	ssyncadd.s32 $0xFFFFC000  }
0xde: {  	[tilespmem:s15], [sflag:$0x2] =	stream.indirect.gather [hbm4b:s4+s12], $0x80, s7, s12, $0xb8;
	[tilespmem:$0x1CC00] =	vst v63  }
0xdf: {  	s9 =	rddreg [dreg:$0x8]  }
0xe0: {  	[spmem:s2] =	stream.indirect.scatter.add.f32 [tilespmem:s13], [sflag:$0x3], $0x80, s9, s12, $0xb8;
	[tilespmem:$0x1CC00] =	vst v63  }
0xe1: {  	_ =	swait.ge [sflag:s10], $0x4000  }
0xe2: {  	[sflag:s10] =	ssyncset.done $0x0  }
0xe3: {  	[sflag:s10] =	ssyncadd.s32 $0xFFFFC000  }
0xe4: {  	_ =	swait.ge [sflag:s16], $0x4000  }
0xe5: {  	[sflag:s16] =	ssyncset.done $0x0  }
0xe6: {  	s7 =	rddreg [dreg:$0x9];
	[sflag:s16] =	ssyncadd.s32 $0xFFFFC000  }
0xe7: {  	[tilespmem:s13], [sflag:$0x1] =	stream.indirect.gather [hbm4b:s4+s12], $0x80, s7, s12, $0xb8;
	[tilespmem:$0x1CC00] =	vst v63  }
0xe8: {  	s9 =	rddreg [dreg:$0xa]  }
0xe9: {  	[spmem:s2] =	stream.indirect.scatter.add.f32 [tilespmem:s15], [sflag:$0x3], $0x80, s9, s12, $0xb8;
	[tilespmem:$0x1CC00] =	vst v63  }
0xea: {  	_ =	swait.ge [sflag:s10], $0x4000  }
0xeb: {  	[sflag:s10] =	ssyncset.done $0x0  }
0xec: {  	[sflag:s10] =	ssyncadd.s32 $0xFFFFC000  }
0xed: {  	_ =	swait.ge [sflag:s14], $0x4000  }
0xee: {  	[sflag:s14] =	ssyncset.done $0x0  }
0xef: {  	s7 =	rddreg [dreg:$0xb];
	[sflag:s14] =	ssyncadd.s32 $0xFFFFC000  }
0xf0: {  	[tilespmem:s15], [sflag:$0x2] =	stream.indirect.gather [hbm4b:s4+s12], $0x80, s7, s12, $0xb8;
	[tilespmem:$0x1CC00] =	vst v63  }
0xf1: {  	s9 =	rddreg [dreg:$0xc]  }
0xf2: {  	[spmem:s2] =	stream.indirect.scatter.add.f32 [tilespmem:s13], [sflag:$0x3], $0x80, s9, s12, $0xb8;
	[tilespmem:$0x1CC00] =	vst v63  }
0xf3: {  	_ =	swait.ge [sflag:s10], $0x4000  }
0xf4: {  	[sflag:s10] =	ssyncset.done $0x0  }
0xf5: {  	[sflag:s10] =	ssyncadd.s32 $0xFFFFC000  }
0xf6: {  	_ =	swait.ge [sflag:s16], $0x4000  }
0xf7: {  	[sflag:s16] =	ssyncset.done $0x0  }
0xf8: {  	s7 =	rddreg [dreg:$0xd];
	[sflag:s16] =	ssyncadd.s32 $0xFFFFC000  }
0xf9: {  	[tilespmem:s13], [sflag:$0x1] =	stream.indirect.gather [hbm4b:s4+s12], $0x80, s7, s12, $0xb8;
	[tilespmem:$0x1CC00] =	vst v63  }
0xfa: {  	s9 =	rddreg [dreg:$0xe]  }
0xfb: {  	[spmem:s2] =	stream.indirect.scatter.add.f32 [tilespmem:s15], [sflag:$0x3], $0x80, s9, s12, $0xb8;
	[tilespmem:$0x1CC00] =	vst v63  }
0xfc: {  	_ =	swait.ge [sflag:s10], $0x4000  }
0xfd: {  	[sflag:s10] =	ssyncset.done $0x0  }
0xfe: {  	[sflag:s10] =	ssyncadd.s32 $0xFFFFC000  }
0xff: {  	_ =	swait.ge [sflag:s14], $0x4000  }
0x100: {  	[sflag:s14] =	ssyncset.done $0x0  }
0x101: {  	s7 =	rddreg [dreg:$0xf];
	[sflag:s14] =	ssyncadd.s32 $0xFFFFC000  }
0x102: {  	[tilespmem:s15], [sflag:$0x2] =	stream.indirect.gather [hbm4b:s4+s12], $0x80, s7, s12, $0xb8;
	[tilespmem:$0x1CC00] =	vst v63  }
0x103: {  	s9 =	rddreg [dreg:$0x10]  }
0x104: {  	[spmem:s2] =	stream.indirect.scatter.add.f32 [tilespmem:s13], [sflag:$0x3], $0x80, s9, s12, $0xb8;
	[tilespmem:$0x1CC00] =	vst v63  }
0x105: {  	_ =	swait.ge [sflag:s10], $0x4000  }
0x106: {  	[sflag:s10] =	ssyncset.done $0x0  }
0x107: {  	[sflag:s10] =	ssyncadd.s32 $0xFFFFC000  }
0x108: {  	_ =	swait.ge [sflag:s16], $0x4000  }
0x109: {  	[sflag:s16] =	ssyncset.done $0x0  }
0x10a: {  	[sflag:s16] =	ssyncadd.s32 $0xFFFFC000  }
0x10b: {  	[tilespmem:s13], [sflag:$0x1] =	stream.indirect.gather [hbm4b:s4+s12], $0x80, s17, s12, $0xb8;
	[tilespmem:$0x1CC00] =	vst v63  }
0x10c: {  	_ = 	snop  }
0x10d: {  	[spmem:s2] =	stream.indirect.scatter.add.f32 [tilespmem:s15], [sflag:$0x3], $0x80, s18, s12, $0xb8;
	[tilespmem:$0x1CC00] =	vst v63  }
0x10e: {  	_ =	swait.ge [sflag:s10], $0x4000  }
0x10f: {  	[sflag:s10] =	ssyncset.done $0x0  }
0x110: {  	[sflag:s10] =	ssyncadd.s32 $0xFFFFC000  }
0x111: {  	_ =	swait.ge [sflag:s14], $0x4000  }
0x112: {  	[sflag:s14] =	ssyncset.done $0x0  }
0x113: {  	[sflag:s14] =	ssyncadd.s32 $0xFFFFC000  }
0x114: {  	[tilespmem:s15], [sflag:$0x2] =	stream.indirect.gather [hbm4b:s4+s12], $0x80, s19, s12, $0xb8;
	[tilespmem:$0x1CC00] =	vst v63  }
0x115: {  	_ = 	snop  }
0x116: {  	[spmem:s2] =	stream.indirect.scatter.add.f32 [tilespmem:s13], [sflag:$0x3], $0x80, s20, s12, $0xb8;
	[tilespmem:$0x1CC00] =	vst v63  }
0x117: {  	_ =	swait.ge [sflag:s10], $0x4000  }
0x118: {  	[sflag:s10] =	ssyncset.done $0x0  }
0x119: {  	[sflag:s10] =	ssyncadd.s32 $0xFFFFC000  }
0x11a: {  	_ =	swait.ge [sflag:s16], $0x4000  }
0x11b: {  	[sflag:s16] =	ssyncset.done $0x0  }
0x11c: {  	[sflag:s16] =	ssyncadd.s32 $0xFFFFC000  }
0x11d: {  	[tilespmem:s13], [sflag:$0x1] =	stream.indirect.gather [hbm4b:s4+s12], $0x80, s21, s12, $0xb8;
	[tilespmem:$0x1CC00] =	vst v63  }
0x11e: {  	_ = 	snop  }
0x11f: {  	[spmem:s2] =	stream.indirect.scatter.add.f32 [tilespmem:s15], [sflag:$0x3], $0x80, s22, s12, $0xb8;
	[tilespmem:$0x1CC00] =	vst v63  }
0x120: {  	_ =	swait.ge [sflag:s10], $0x4000  }
0x121: {  	[sflag:s10] =	ssyncset.done $0x0  }
0x122: {  	[sflag:s10] =	ssyncadd.s32 $0xFFFFC000  }
0x123: {  	_ =	swait.ge [sflag:s14], $0x4000  }
0x124: {  	[sflag:s14] =	ssyncset.done $0x0  }
0x125: {  	[sflag:s14] =	ssyncadd.s32 $0xFFFFC000  }
0x126: {  	[tilespmem:s15], [sflag:$0x2] =	stream.indirect.gather [hbm4b:s4+s12], $0x80, s23, s12, $0xb8;
	[tilespmem:$0x1CC00] =	vst v63  }
0x127: {  	_ = 	snop  }
0x128: {  	[spmem:s2] =	stream.indirect.scatter.add.f32 [tilespmem:s13], [sflag:$0x3], $0x80, s24, s12, $0xb8;
	[tilespmem:$0x1CC00] =	vst v63  }
0x129: {  	_ =	swait.ge [sflag:s10], $0x4000  }
0x12a: {  	[sflag:s10] =	ssyncset.done $0x0  }
0x12b: {  	[sflag:s10] =	ssyncadd.s32 $0xFFFFC000  }
0x12c: {  	_ =	swait.ge [sflag:s16], $0x4000  }
0x12d: {  	[sflag:s16] =	ssyncset.done $0x0  }
0x12e: {  	[sflag:s16] =	ssyncadd.s32 $0xFFFFC000  }
0x12f: {  	[tilespmem:s13], [sflag:$0x1] =	stream.indirect.gather [hbm4b:s4+s12], $0x80, s25, s12, $0xb8;
	[tilespmem:$0x1CC00] =	vst v63  }
0x130: {  	_ = 	snop  }
0x131: {  	[spmem:s2] =	stream.indirect.scatter.add.f32 [tilespmem:s15], [sflag:$0x3], $0x80, s26, s12, $0xb8;
	[tilespmem:$0x1CC00] =	vst v63  }
0x132: {  	_ =	swait.ge [sflag:s10], $0x4000  }
0x133: {  	[sflag:s10] =	ssyncset.done $0x0  }
0x134: {  	[sflag:s10] =	ssyncadd.s32 $0xFFFFC000  }
0x135: {  	_ =	swait.ge [sflag:s14], $0x4000  }
0x136: {  	[sflag:s14] =	ssyncset.done $0x0  }
0x137: {  	[sflag:s14] =	ssyncadd.s32 $0xFFFFC000  }
0x138: {  	[tilespmem:s15], [sflag:$0x2] =	stream.indirect.gather [hbm4b:s4+s12], $0x80, s28, s12, $0xb8;
	[tilespmem:$0x1CC00] =	vst v63  }
0x139: {  	_ = 	snop  }
0x13a: {  	[spmem:s2] =	stream.indirect.scatter.add.f32 [tilespmem:s13], [sflag:$0x3], $0x80, s29, s12, $0xb8;
	[tilespmem:$0x1CC00] =	vst v63  }
0x13b: {  	_ =	swait.ge [sflag:s10], $0x4000  }
0x13c: {  	[sflag:s10] =	ssyncset.done $0x0  }
0x13d: {  	[sflag:s10] =	ssyncadd.s32 $0xFFFFC000  }
0x13e: {  	_ =	swait.ge [sflag:s16], $0x4000  }
0x13f: {  	[sflag:s16] =	ssyncset.done $0x0  }
0x140: {  	[sflag:s16] =	ssyncadd.s32 $0xFFFFC000  }
0x141: {  	[tilespmem:s13], [sflag:$0x1] =	stream.indirect.gather [hbm4b:s4+s12], $0x80, s30, s12, $0xb8;
	[tilespmem:$0x1CC00] =	vst v63  }
0x142: {  	_ = 	snop  }
0x143: {  	[spmem:s2] =	stream.indirect.scatter.add.f32 [tilespmem:s15], [sflag:$0x3], $0x80, s31, s12, $0xb8;
	[tilespmem:$0x1CC00] =	vst v63  }
0x144: {  	_ =	swait.ge [sflag:s10], $0x4000  }
0x145: {  	[sflag:s10] =	ssyncset.done $0x0  }
0x146: {  	[sflag:s10] =	ssyncadd.s32 $0xFFFFC000  }
0x147: {  	_ =	swait.ge [sflag:s14], $0x4000  }
0x148: {  	[sflag:s14] =	ssyncset.done $0x0  }
0x149: {  	[sflag:s14] =	ssyncadd.s32 $0xFFFFC000  }
0x14a: {  	[tilespmem:s15], [sflag:$0x2] =	stream.indirect.gather [hbm4b:s4+s12], $0x80, s1, s12, $0xb8;
	[tilespmem:$0x1CC00] =	vst v63  }
0x14b: {  	_ = 	snop  }
0x14c: {  	[spmem:s2] =	stream.indirect.scatter.add.f32 [tilespmem:s13], [sflag:$0x3], $0x80, s0, s12, $0xb8;
	[tilespmem:$0x1CC00] =	vst v63  }
0x14d: {  	_ =	swait.ge [sflag:s10], $0x4000  }
0x14e: {  	[sflag:s10] =	ssyncset.done $0x0  }
0x14f: {  	[sflag:s10] =	ssyncadd.s32 $0xFFFFC000  }
0x150: {  	p0 =	sne.s32 s6, $0x400;
	_ =	swait.ge [sflag:s16], $0x4000  }
.Ltmp0:
0x151: {  	[sflag:s16] =	ssyncset.done $0x0;
	(pc) =	sbr.rel @p0 .LBB2_2-.Ltmp0, $4  }
0x152: {  	[sflag:s16] =	ssyncadd.s32 $0xFFFFC000  }
0x153: {  	[spmem:s2] =	stream.indirect.scatter.add.f32 [tilespmem:s15], [sflag:$0x3], $0x80, s5, s12, $0xb8;
	[tilespmem:$0x1CC00] =	vst v63  }
0x154: {  	_ =	swait.ge [sflag:s10], $0x4000  }
0x155: {  	s6 =	sadd.s32 $0x100, s6;
	s9 =	rddreg [dreg:$0x4];
	[sflag:s10] =	ssyncset.done $0x0  }
0x156: {  	[sflag:s10] =	ssyncadd.s32 $0xFFFFC000;
	s6 =	sadd.s32 s8, s9  }
0x157: {  	[tilespmem:s3], [sflag:$0x3] =	stream.linear.gather [hbm4b:s6+s3], $0x800, $0x38;
	[tilespmem:$0x1CC00] =	vst v63  }
0x158: {  	_ =	swait.ge [sflag:s10], $0x800  }
0x159: {  	s7 =	rddreg [dreg:$0x3];
	[sflag:s10] =	ssyncset.done $0x0  }
0x15a: {  	[sflag:s10] =	ssyncadd.s32 $0xFFFFF800;
	s6 =	sadd.s32 s8, s7  }
0x15b: {  	[tilespmem:s11], [sflag:$0x3] =	stream.linear.gather [hbm4b:s6+s3], $0x800, $0x38;
	[tilespmem:$0x1CC00] =	vst v63  }
0x15c: {  	_ =	swait.ge [sflag:s10], $0x800  }
0x15d: {  	[sflag:s10] =	ssyncset.done $0x0  }
0x15e: {  	[sflag:s10] =	ssyncadd.s32 $0xFFFFF800  }
0x15f: {  	[tilespmem:s13], [sflag:$0x1] =	stream.indirect.gather [hbm4b:s4+s12], $0x80, s3, s12, $0xb8;
	[tilespmem:$0x1CC00] =	vst v63  }
0x160: {  	_ =	swait.ge [sflag:s14], $0x4000  }
0x161: {  	[sflag:s14] =	ssyncset.done $0x0  }
0x162: {  	[sflag:s14] =	ssyncadd.s32 $0xFFFFC000  }
0x163: {  	[tilespmem:s15], [sflag:$0x2] =	stream.indirect.gather [hbm4b:s4+s12], $0x80, s12, s12, $0xb8;
	[tilespmem:$0x1CC00] =	vst v63  }
0x164: {  	_ = 	snop  }
0x165: {  	[spmem:s2] =	stream.indirect.scatter.add.f32 [tilespmem:s13], [sflag:$0x3], $0x80, s11, s12, $0xb8;
	[tilespmem:$0x1CC00] =	vst v63  }
0x166: {  	_ =	swait.ge [sflag:s10], $0x4000  }
0x167: {  	[sflag:s10] =	ssyncset.done $0x0  }
0x168: {  	[sflag:s10] =	ssyncadd.s32 $0xFFFFC000  }
0x169: {  	_ =	swait.ge [sflag:s16], $0x4000  }
0x16a: {  	[sflag:s16] =	ssyncset.done $0x0  }
0x16b: {  	s9 =	rddreg [dreg:$0x5];
	[sflag:s16] =	ssyncadd.s32 $0xFFFFC000  }
0x16c: {  	[tilespmem:s13], [sflag:$0x1] =	stream.indirect.gather [hbm4b:s4+s12], $0x80, s9, s12, $0xb8;
	[tilespmem:$0x1CC00] =	vst v63  }
0x16d: {  	s7 =	rddreg [dreg:$0x6]  }
0x16e: {  	[spmem:s2] =	stream.indirect.scatter.add.f32 [tilespmem:s15], [sflag:$0x3], $0x80, s7, s12, $0xb8;
	[tilespmem:$0x1CC00] =	vst v63  }
0x16f: {  	_ =	swait.ge [sflag:s10], $0x4000  }
0x170: {  	[sflag:s10] =	ssyncset.done $0x0  }
0x171: {  	[sflag:s10] =	ssyncadd.s32 $0xFFFFC000  }
0x172: {  	_ =	swait.ge [sflag:s14], $0x4000  }
0x173: {  	[sflag:s14] =	ssyncset.done $0x0  }
0x174: {  	s8 =	rddreg [dreg:$0x7];
	[sflag:s14] =	ssyncadd.s32 $0xFFFFC000  }
0x175: {  	[tilespmem:s15], [sflag:$0x2] =	stream.indirect.gather [hbm4b:s4+s12], $0x80, s8, s12, $0xb8;
	[tilespmem:$0x1CC00] =	vst v63  }
0x176: {  	s9 =	rddreg [dreg:$0x8]  }
0x177: {  	[spmem:s2] =	stream.indirect.scatter.add.f32 [tilespmem:s13], [sflag:$0x3], $0x80, s9, s12, $0xb8;
	[tilespmem:$0x1CC00] =	vst v63  }
0x178: {  	_ =	swait.ge [sflag:s10], $0x4000  }
0x179: {  	[sflag:s10] =	ssyncset.done $0x0  }
0x17a: {  	[sflag:s10] =	ssyncadd.s32 $0xFFFFC000  }
0x17b: {  	_ =	swait.ge [sflag:s16], $0x4000  }
0x17c: {  	[sflag:s16] =	ssyncset.done $0x0  }
0x17d: {  	s8 =	rddreg [dreg:$0x9];
	[sflag:s16] =	ssyncadd.s32 $0xFFFFC000  }
0x17e: {  	[tilespmem:s13], [sflag:$0x1] =	stream.indirect.gather [hbm4b:s4+s12], $0x80, s8, s12, $0xb8;
	[tilespmem:$0x1CC00] =	vst v63  }
0x17f: {  	s9 =	rddreg [dreg:$0xa]  }
0x180: {  	[spmem:s2] =	stream.indirect.scatter.add.f32 [tilespmem:s15], [sflag:$0x3], $0x80, s9, s12, $0xb8;
	[tilespmem:$0x1CC00] =	vst v63  }
0x181: {  	_ =	swait.ge [sflag:s10], $0x4000  }
0x182: {  	[sflag:s10] =	ssyncset.done $0x0  }
0x183: {  	[sflag:s10] =	ssyncadd.s32 $0xFFFFC000  }
0x184: {  	_ =	swait.ge [sflag:s14], $0x4000  }
0x185: {  	[sflag:s14] =	ssyncset.done $0x0  }
0x186: {  	s8 =	rddreg [dreg:$0xb];
	[sflag:s14] =	ssyncadd.s32 $0xFFFFC000  }
0x187: {  	[tilespmem:s15], [sflag:$0x2] =	stream.indirect.gather [hbm4b:s4+s12], $0x80, s8, s12, $0xb8;
	[tilespmem:$0x1CC00] =	vst v63  }
0x188: {  	s9 =	rddreg [dreg:$0xc]  }
0x189: {  	[spmem:s2] =	stream.indirect.scatter.add.f32 [tilespmem:s13], [sflag:$0x3], $0x80, s9, s12, $0xb8;
	[tilespmem:$0x1CC00] =	vst v63  }
0x18a: {  	_ =	swait.ge [sflag:s10], $0x4000  }
0x18b: {  	[sflag:s10] =	ssyncset.done $0x0  }
0x18c: {  	[sflag:s10] =	ssyncadd.s32 $0xFFFFC000  }
0x18d: {  	_ =	swait.ge [sflag:s16], $0x4000  }
0x18e: {  	[sflag:s16] =	ssyncset.done $0x0  }
0x18f: {  	s8 =	rddreg [dreg:$0xd];
	[sflag:s16] =	ssyncadd.s32 $0xFFFFC000  }
0x190: {  	[tilespmem:s13], [sflag:$0x1] =	stream.indirect.gather [hbm4b:s4+s12], $0x80, s8, s12, $0xb8;
	[tilespmem:$0x1CC00] =	vst v63  }
0x191: {  	s9 =	rddreg [dreg:$0xe]  }
0x192: {  	[spmem:s2] =	stream.indirect.scatter.add.f32 [tilespmem:s15], [sflag:$0x3], $0x80, s9, s12, $0xb8;
	[tilespmem:$0x1CC00] =	vst v63  }
0x193: {  	_ =	swait.ge [sflag:s10], $0x4000  }
0x194: {  	[sflag:s10] =	ssyncset.done $0x0  }
0x195: {  	[sflag:s10] =	ssyncadd.s32 $0xFFFFC000  }
0x196: {  	_ =	swait.ge [sflag:s14], $0x4000  }
0x197: {  	[sflag:s14] =	ssyncset.done $0x0  }
0x198: {  	s7 =	rddreg [dreg:$0xf];
	[sflag:s14] =	ssyncadd.s32 $0xFFFFC000  }
0x199: {  	[tilespmem:s15], [sflag:$0x2] =	stream.indirect.gather [hbm4b:s4+s12], $0x80, s7, s12, $0xb8;
	[tilespmem:$0x1CC00] =	vst v63  }
0x19a: {  	s8 =	rddreg [dreg:$0x10]  }
0x19b: {  	[spmem:s2] =	stream.indirect.scatter.add.f32 [tilespmem:s13], [sflag:$0x3], $0x80, s8, s12, $0xb8;
	[tilespmem:$0x1CC00] =	vst v63  }
0x19c: {  	_ =	swait.ge [sflag:s10], $0x4000  }
0x19d: {  	[sflag:s10] =	ssyncset.done $0x0  }
0x19e: {  	[sflag:s10] =	ssyncadd.s32 $0xFFFFC000  }
0x19f: {  	_ =	swait.ge [sflag:s16], $0x4000  }
0x1a0: {  	[sflag:s16] =	ssyncset.done $0x0  }
0x1a1: {  	[sflag:s16] =	ssyncadd.s32 $0xFFFFC000  }
0x1a2: {  	[tilespmem:s13], [sflag:$0x1] =	stream.indirect.gather [hbm4b:s4+s12], $0x80, s17, s12, $0xb8;
	[tilespmem:$0x1CC00] =	vst v63  }
0x1a3: {  	_ = 	snop  }
0x1a4: {  	[spmem:s2] =	stream.indirect.scatter.add.f32 [tilespmem:s15], [sflag:$0x3], $0x80, s18, s12, $0xb8;
	[tilespmem:$0x1CC00] =	vst v63  }
0x1a5: {  	_ =	swait.ge [sflag:s10], $0x4000  }
0x1a6: {  	[sflag:s10] =	ssyncset.done $0x0  }
0x1a7: {  	[sflag:s10] =	ssyncadd.s32 $0xFFFFC000  }
0x1a8: {  	_ =	swait.ge [sflag:s14], $0x4000  }
0x1a9: {  	[sflag:s14] =	ssyncset.done $0x0  }
0x1aa: {  	[sflag:s14] =	ssyncadd.s32 $0xFFFFC000  }
0x1ab: {  	[tilespmem:s15], [sflag:$0x2] =	stream.indirect.gather [hbm4b:s4+s12], $0x80, s19, s12, $0xb8;
	[tilespmem:$0x1CC00] =	vst v63  }
0x1ac: {  	_ = 	snop  }
0x1ad: {  	[spmem:s2] =	stream.indirect.scatter.add.f32 [tilespmem:s13], [sflag:$0x3], $0x80, s20, s12, $0xb8;
	[tilespmem:$0x1CC00] =	vst v63  }
0x1ae: {  	_ =	swait.ge [sflag:s10], $0x4000  }
0x1af: {  	[sflag:s10] =	ssyncset.done $0x0  }
0x1b0: {  	[sflag:s10] =	ssyncadd.s32 $0xFFFFC000  }
0x1b1: {  	_ =	swait.ge [sflag:s16], $0x4000  }
0x1b2: {  	[sflag:s16] =	ssyncset.done $0x0  }
0x1b3: {  	[sflag:s16] =	ssyncadd.s32 $0xFFFFC000  }
0x1b4: {  	[tilespmem:s13], [sflag:$0x1] =	stream.indirect.gather [hbm4b:s4+s12], $0x80, s21, s12, $0xb8;
	[tilespmem:$0x1CC00] =	vst v63  }
0x1b5: {  	_ = 	snop  }
0x1b6: {  	[spmem:s2] =	stream.indirect.scatter.add.f32 [tilespmem:s15], [sflag:$0x3], $0x80, s22, s12, $0xb8;
	[tilespmem:$0x1CC00] =	vst v63  }
0x1b7: {  	_ =	swait.ge [sflag:s10], $0x4000  }
0x1b8: {  	[sflag:s10] =	ssyncset.done $0x0  }
0x1b9: {  	[sflag:s10] =	ssyncadd.s32 $0xFFFFC000  }
0x1ba: {  	_ =	swait.ge [sflag:s14], $0x4000  }
0x1bb: {  	[sflag:s14] =	ssyncset.done $0x0  }
0x1bc: {  	[sflag:s14] =	ssyncadd.s32 $0xFFFFC000  }
0x1bd: {  	[tilespmem:s15], [sflag:$0x2] =	stream.indirect.gather [hbm4b:s4+s12], $0x80, s23, s12, $0xb8;
	[tilespmem:$0x1CC00] =	vst v63  }
0x1be: {  	_ = 	snop  }
0x1bf: {  	[spmem:s2] =	stream.indirect.scatter.add.f32 [tilespmem:s13], [sflag:$0x3], $0x80, s24, s12, $0xb8;
	[tilespmem:$0x1CC00] =	vst v63  }
0x1c0: {  	_ =	swait.ge [sflag:s10], $0x4000  }
0x1c1: {  	[sflag:s10] =	ssyncset.done $0x0  }
0x1c2: {  	[sflag:s10] =	ssyncadd.s32 $0xFFFFC000  }
0x1c3: {  	_ =	swait.ge [sflag:s16], $0x4000  }
0x1c4: {  	[sflag:s16] =	ssyncset.done $0x0  }
0x1c5: {  	[sflag:s16] =	ssyncadd.s32 $0xFFFFC000  }
0x1c6: {  	[tilespmem:s13], [sflag:$0x1] =	stream.indirect.gather [hbm4b:s4+s12], $0x80, s25, s12, $0xb8;
	[tilespmem:$0x1CC00] =	vst v63  }
0x1c7: {  	_ = 	snop  }
0x1c8: {  	[spmem:s2] =	stream.indirect.scatter.add.f32 [tilespmem:s15], [sflag:$0x3], $0x80, s26, s12, $0xb8;
	[tilespmem:$0x1CC00] =	vst v63  }
0x1c9: {  	_ =	swait.ge [sflag:s10], $0x4000  }
0x1ca: {  	[sflag:s10] =	ssyncset.done $0x0  }
0x1cb: {  	[sflag:s10] =	ssyncadd.s32 $0xFFFFC000  }
0x1cc: {  	_ =	swait.ge [sflag:s14], $0x4000  }
0x1cd: {  	[sflag:s14] =	ssyncset.done $0x0  }
0x1ce: {  	[sflag:s14] =	ssyncadd.s32 $0xFFFFC000  }
0x1cf: {  	[tilespmem:s15], [sflag:$0x2] =	stream.indirect.gather [hbm4b:s4+s12], $0x80, s28, s12, $0xb8;
	[tilespmem:$0x1CC00] =	vst v63  }
0x1d0: {  	_ = 	snop  }
0x1d1: {  	[spmem:s2] =	stream.indirect.scatter.add.f32 [tilespmem:s13], [sflag:$0x3], $0x80, s29, s12, $0xb8;
	[tilespmem:$0x1CC00] =	vst v63  }
0x1d2: {  	_ =	swait.ge [sflag:s10], $0x4000  }
0x1d3: {  	[sflag:s10] =	ssyncset.done $0x0  }
0x1d4: {  	[sflag:s10] =	ssyncadd.s32 $0xFFFFC000  }
0x1d5: {  	_ =	swait.ge [sflag:s16], $0x4000  }
0x1d6: {  	[sflag:s16] =	ssyncset.done $0x0  }
0x1d7: {  	[sflag:s16] =	ssyncadd.s32 $0xFFFFC000  }
0x1d8: {  	[tilespmem:s13], [sflag:$0x1] =	stream.indirect.gather [hbm4b:s4+s12], $0x80, s30, s12, $0xb8;
	[tilespmem:$0x1CC00] =	vst v63  }
0x1d9: {  	_ = 	snop  }
0x1da: {  	[spmem:s2] =	stream.indirect.scatter.add.f32 [tilespmem:s15], [sflag:$0x3], $0x80, s31, s12, $0xb8;
	[tilespmem:$0x1CC00] =	vst v63  }
0x1db: {  	_ =	swait.ge [sflag:s10], $0x4000  }
0x1dc: {  	[sflag:s10] =	ssyncset.done $0x0  }
0x1dd: {  	[sflag:s10] =	ssyncadd.s32 $0xFFFFC000  }
0x1de: {  	_ =	swait.ge [sflag:s14], $0x4000  }
0x1df: {  	[sflag:s14] =	ssyncset.done $0x0  }
0x1e0: {  	[sflag:s14] =	ssyncadd.s32 $0xFFFFC000  }
0x1e1: {  	[tilespmem:s15], [sflag:$0x2] =	stream.indirect.gather [hbm4b:s4+s12], $0x80, s1, s12, $0xb8;
	[tilespmem:$0x1CC00] =	vst v63  }
0x1e2: {  	_ = 	snop  }
0x1e3: {  	[spmem:s2] =	stream.indirect.scatter.add.f32 [tilespmem:s13], [sflag:$0x3], $0x80, s0, s12, $0xb8;
	[tilespmem:$0x1CC00] =	vst v63  }
0x1e4: {  	_ =	swait.ge [sflag:s10], $0x4000  }
0x1e5: {  	[sflag:s10] =	ssyncset.done $0x0  }
0x1e6: {  	[sflag:s10] =	ssyncadd.s32 $0xFFFFC000  }
0x1e7: {  	_ =	swait.ge [sflag:s16], $0x4000  }
0x1e8: {  	[sflag:s16] =	ssyncset.done $0x0  }
0x1e9: {  	[sflag:s16] =	ssyncadd.s32 $0xFFFFC000  }
0x1ea: {  	[spmem:s2] =	stream.indirect.scatter.add.f32 [tilespmem:s15], [sflag:$0x3], $0x80, s5, s12, $0xb8;
	[tilespmem:$0x1CC00] =	vst v63  }
0x1eb: {  	_ =	swait.ge [sflag:s10], $0x4000  }
0x1ec: {  	[sflag:s10] =	ssyncset.done $0x0  }
0x1ed: {  	[sflag:s10] =	ssyncadd.s32 $0xFFFFC000  }
0x1ee: {  	[bflag:$0x0] =	sbarrier.arrive $0xFFFF  }
0x1ef: {  	s7 =	rddreg [dreg:$0x12]  }
0x1f0: {  	s9 =	rddreg [dreg:$0x13]  }
0x1f1: {  	s8 =	rddreg [dreg:$0x15]  }
0x1f2: {  	[hbm:s9], [sflag:s7] =	dma.local [spmem:s8], $0x2780  }
0x1f3: {  	_ =	swait.ge [sflag:s10], $0x2780  }
0x1f4: {  	s6 =	rddreg [dreg:$0x16]  }
0x1f5: {  	s9 =	sadd.s32 $0x1, s6;
	s6 =	rddreg [dreg:$0x14]  }
0x1f6: {  	p0 =	sne.s32 s9, s6  }
.Ltmp1:
0x1f7: {  	_ = 	snop;
	(pc) =	sbr.rel @p0 .LBB2_1-.Ltmp1, $3  }
0x1f8: {  	_ =	sdelay $0x1  }
0x1f9: {  	[sflag:s10] =	ssyncset.done $0x0  }
0x1fa: {  	[sflag:s10] =	ssyncadd.s32 $0xFFFFD880  }
0x1fb: {  	_ =	sfence.sel $0x180000  }
0x1fc: {  	[bflag:$0x0] =	sbarrier.arrive $0xFFFF  }
0x1fd: {  	_ =	strace $0x9000004D  }
0x1fe: {  	s0 =	stileid.u32;
	[bflag:$0x2] =	sbarrier.arrive $0xFFFF  }
0x1ff: {  	p0 =	sne.s32 s0, $0x0;
	s0 =	rddreg [dreg:$0x2]  }
0x200: {  	s0 =	sadd.s32 @!p0 $0x100000, s0  }
0x201: {  	[sflag:s0] =	ssyncadd.tile.s32 @!p0 $0x1;
	_ =	shalt  }
.Lfunc_end2:
_tile_overlayer_lowered:
.L_overlay_start_2:
0x202: {  	(tag) =	ssettag $0x2  }
0x203: {  	s0 =	rddreg [dreg:$0x0];
	s2 =	stileid.u32  }
0x204: {  	s1 =	rddreg [dreg:$0x1];
	p0 =	sne.s32 s2, $0x0  }
0x205: {  	s3 =	rddreg [dreg:$0x2];
	[bflag:$0x3] =	sbarrier.arrive $0xFFFF;
	s2 =	simm.s32 @!p0 $0x1C03  }
0x206: {  	[timem:s3], [sflag:s2] =	dma.local @!p0 [hbm:s0], s1  }
0x207: {  	s0 =	simm.s32 @!p0 $0x3  }
0x208: {  	_ =	swait.ge @!p0 [sflag:s0], s1  }
0x209: {  	s1 =	ssub.s32 @!p0 $0x0, s1;
	[sflag:s0] =	ssyncset.done @!p0 $0x0  }
0x20a: {  	[sflag:s0] =	ssyncadd.s32 @!p0 s1  }
0x20b: {  	[bflag:$0x3] =	sbarrier.arrive $0xFFFF  }
0x20c: {  	_ =	shalt  }

// kernel: kernel.9.cloned.1.call-start
scs
__scs_entry_jumppad:
0x0: {  	(pc) =	sbr.rel $0x88, $3  }
0x1: {  	(tag) =	ssettag $0x0;
	lr =	simm.s32 $0x1  }
0x2: {  	[smem:$0x3F97] =	sst lr;
	_ =	strace $0xD0000000  }
0x3: {  	_ = 	snop  }
0x4: {  	_ = 	snop  }
0x5: {  	_ = 	snop  }
0x6: {  	_ = 	snop  }
0x7: {  	_ = 	snop  }
__scs_overlays_trampoline_lowered:
0x8: {  	[smem:$0x3FA6] =	sst s0  }
0x9: {  	[smem:$0x3FA7] =	sst s1  }
0xa: {  	[smem:$0x3FA8] =	sst s2  }
0xb: {  	[smem:$0x3FA9] =	sst s3  }
0xc: {  	[smem:$0x3FAA] =	sst s4  }
0xd: {  	[smem:$0x3FAB] =	sst s5  }
0xe: {  	[smem:$0x3FAC] =	sst s6  }
0xf: {  	[smem:$0x3FAD] =	sst s7  }
0x10: {  	[smem:$0x3FAE] =	sst s8  }
0x11: {  	[smem:$0x3FAF] =	sst s9;
	s0 =	simm.s32 @!p0 $0x0  }
0x12: {  	s1 =	sld [smem:$0x3F95];
	s0 =	simm.s32 @p0 $0x1  }
0x13: {  	[smem:$0x3FB0] =	sst s0;
	s0 =	simm.s32 @!p1 $0x0  }
0x14: {  	s2 =	sld [smem:$0x3F94];
	s0 =	simm.s32 @p1 $0x1  }
0x15: {  	[smem:$0x3FB1] =	sst s0;
	s0 =	simm.s32 @!p2 $0x0  }
0x16: {  	s3 =	sld [smem:$0x3FDB];
	s0 =	simm.s32 @p2 $0x1  }
0x17: {  	s4 =	simm.s32 $0x1BF5;
	[smem:$0x3FB3] =	sst s0  }
0x18: {  	s0 =	sld [smem:$0x3F96];
	_ =	swait.ge [sflag:s4], $0x0  }
0x19: {  	s7 =	sld [smem:$0x3F97]  }
0x1a: {  	s8 =	sadd.s32 $0xFFFFE003, lr  }
0x1b: {  	s9 =	sadd.s32 $0xFFFFFEF7, lr;
	s5 =	simm.s32 $0xFFFFFFFF;
	p2 =	slt.u32 s8, $0xFFFFF086  }
0x1c: {  	p1 =	slt.u32 s9, $0xF7A;
	s5 =	simm.s32 @!p2 $0x0  }
0x1d: {  	s5 =	simm.s32 @p1 $0x1;
	p0 =	seq.s32 s7, s2  }
0x1e: {  	s7 =	smul.u32 @!p0 $0xF7A, s2;
	p2 =	seq.s32 @!p0 s5, $0x0  }
0x1f: {  	s9 =	smul.u32 $0xF7A, s1;
	s8 =	simm.s32 @!p0 $0x1BF5;
	p2 =	por !p2, p0  }
0x20: {  	[sflag:s8] =	ssyncset.s32 @!p0 $0xFFFFF086;
	s6 =	sadd.s32 @!p0 s3, s7;
	s7 =	simm.s32 @!p0 $0x108  }
0x21: {  	s3 =	sadd.s32 s3, s9;
	s6 =	sadd.s32 @!p0 $0x88, s6;
	s7 =	simm.s32 @p2 $0x1082  }
0x22: {  	[simem:s7], [sflag:s8] =	dma.local @!p0 [hbm:s6], $0xF7A  }
0x23: {  	s9 =	sor.u32 $0xD0000000, s2;
	s6 =	simm.s32 $0x108;
	_ =	swait.ge @!p0 [sflag:s8], $0x0  }
0x24: {  	s3 =	sadd.s32 $0x88, s3;
	s6 =	simm.s32 @!p1 $0x1082;
	[sflag:s4] =	ssyncset.s32 $0xFFFFF086  }
0x25: {  	[simem:s6], [sflag:s4] =	dma.local [hbm:s3], $0xF7A  }
0x26: {  	[smem:$0x3F97] =	sst s1;
	(tag) =	ssettag s2;
	_ =	strace s9  }
0x27: {  	s1 =	sld [smem:$0x3FA7]  }
0x28: {  	s2 =	sld [smem:$0x3FA8]  }
0x29: {  	s4 =	sld [smem:$0x3FAA]  }
0x2a: {  	p0 =	seq.s32 s5, $0x0;
	s5 =	sld [smem:$0x3FAB]  }
0x2b: {  	s6 =	sld [smem:$0x3FAC]  }
0x2c: {  	s7 =	sld [smem:$0x3FAD]  }
0x2d: {  	s3 =	simm.s32 $0x108;
	s8 =	sld [smem:$0x3FAE]  }
0x2e: {  	s3 =	simm.s32 @!p0 $0x1082;
	s9 =	sld [smem:$0x3FAF]  }
0x2f: {  	lr =	sadd.s32 s0, s3;
	s0 =	sld [smem:$0x3FA6]  }
0x30: {  	s3 =	sld [smem:$0x3FA9]  }
0x31: {  	[smem:$0x3FB2] =	sst s10  }
0x32: {  	s10 =	sld [smem:$0x3FB0];
	_ =	sdelay $0x3  }
0x33: {  	p0 =	seq.s32 s10, $0x1;
	s10 =	sld [smem:$0x3FB2];
	_ =	sdelay $0x3  }
0x34: {  	[smem:$0x3FB2] =	sst s10  }
0x35: {  	s10 =	sld [smem:$0x3FB1];
	_ =	sdelay $0x3  }
0x36: {  	p1 =	seq.s32 s10, $0x1;
	s10 =	sld [smem:$0x3FB2];
	_ =	sdelay $0x3  }
0x37: {  	[smem:$0x3FB2] =	sst s10  }
0x38: {  	s10 =	sld [smem:$0x3FB3]  }
0x39: {  	_ = 	snop;
	(pc) =	sbr.ind lr, $3  }
0x3a: {  	_ = 	snop  }
0x3b: {  	_ = 	snop  }
0x3c: {  	p2 =	seq.s32 s10, $0x1;
	s10 =	sld [smem:$0x3FB2]  }
0x3d: {  	_ =	shalt  }
0x3e: {  	_ =	shalt  }
0x3f: {  	_ =	shalt  }
0x40: {  	_ =	shalt  }
0x41: {  	_ =	shalt  }
0x42: {  	_ =	shalt  }
0x43: {  	_ =	shalt  }
0x44: {  	_ =	shalt  }
0x45: {  	_ =	shalt  }
0x46: {  	_ =	shalt  }
0x47: {  	_ =	shalt  }
0x48: {  	_ =	shalt  }
0x49: {  	_ =	shalt  }
0x4a: {  	_ =	shalt  }
0x4b: {  	_ =	shalt  }
0x4c: {  	_ =	shalt  }
0x4d: {  	_ =	shalt  }
0x4e: {  	_ =	shalt  }
0x4f: {  	_ =	shalt  }
0x50: {  	_ =	shalt  }
0x51: {  	_ =	shalt  }
0x52: {  	_ =	shalt  }
0x53: {  	_ =	shalt  }
0x54: {  	_ =	shalt  }
0x55: {  	_ =	shalt  }
0x56: {  	_ =	shalt  }
0x57: {  	_ =	shalt  }
0x58: {  	_ =	shalt  }
0x59: {  	_ =	shalt  }
0x5a: {  	_ =	shalt  }
0x5b: {  	_ =	shalt  }
0x5c: {  	_ =	shalt  }
0x5d: {  	_ =	shalt  }
0x5e: {  	_ =	shalt  }
0x5f: {  	_ =	shalt  }
0x60: {  	_ =	shalt  }
0x61: {  	_ =	shalt  }
0x62: {  	_ =	shalt  }
0x63: {  	_ =	shalt  }
0x64: {  	_ =	shalt  }
0x65: {  	_ =	shalt  }
0x66: {  	_ =	shalt  }
0x67: {  	_ =	shalt  }
0x68: {  	_ =	shalt  }
0x69: {  	_ =	shalt  }
0x6a: {  	_ =	shalt  }
0x6b: {  	_ =	shalt  }
0x6c: {  	_ =	shalt  }
0x6d: {  	_ =	shalt  }
0x6e: {  	_ =	shalt  }
0x6f: {  	_ =	shalt  }
0x70: {  	_ =	shalt  }
0x71: {  	_ =	shalt  }
0x72: {  	_ =	shalt  }
0x73: {  	_ =	shalt  }
0x74: {  	_ =	shalt  }
0x75: {  	_ =	shalt  }
0x76: {  	_ =	shalt  }
0x77: {  	_ =	shalt  }
0x78: {  	_ =	shalt  }
0x79: {  	_ =	shalt  }
0x7a: {  	_ =	shalt  }
0x7b: {  	_ =	shalt  }
0x7c: {  	_ =	shalt  }
0x7d: {  	_ =	shalt  }
0x7e: {  	_ =	shalt  }
0x7f: {  	_ =	shalt  }
0x80: {  	_ =	shalt  }
0x81: {  	_ =	shalt  }
0x82: {  	_ =	shalt  }
0x83: {  	_ =	shalt  }
0x84: {  	_ =	shalt  }
0x85: {  	_ =	shalt  }
0x86: {  	_ =	shalt  }
0x87: {  	_ =	shalt  }
.Lfunc_end0:
.L_simem_size_0:
called_computation_lowered:
.L_overlay_start_0:
0x88: {  	s2 =	sld [smem:$0x3FD9]  }
0x89: {  	s3 =	sld [smem:$0x3FFE];
	_ =	sdelay $0x1  }
0x8a: {  	s1 =	srdreg.scid  }
0x8b: {  	s0 =	sand.u32 $0x1, s1  }
0x8c: {  	s14 =	sshll.u32 s0, $0xA;
	s2 =	sadd.s32 s3, s2  }
0x8d: {  	s2 =	sadd.s32 s2, s14  }
0x8e: {  	[smem:$0x3FBE] =	sst s2  }
0x8f: {  	_ = 	snop  }
0x90: {  	s2 =	sld [smem:$0x3FD0];
	_ =	sdelay $0x2  }
0x91: {  	s15 =	simm.s32 $0xA;
	s4 =	simm.s32 $0x10  }
0x92: {  	[smem:s4], [sflag:s15] =	dma.local [hbm:s2], $0x1  }
0x93: {  	_ =	swait.eq [sflag:s15], $0x1  }
0x94: {  	[sflag:s15] =	ssyncset.done $0x0  }
0x95: {  	[sflag:s15] =	ssyncadd.s32 $0xFFFFFFFF  }
0x96: {  	s16 =	sld [smem:$0x11];
	(tm) =	ssettm $0x1  }
0x97: {  	s17 =	sld [smem:$0x3FFB];
	_ =	sdelay $0x3  }
0x98: {  	_ =	strace s17  }
0x99: {  	s3 =	sld [smem:$0x3FFC];
	_ =	sdelay $0x3  }
0x9a: {  	_ =	strace s3  }
0x9b: {  	s3 =	sld [smem:$0x3FFD];
	_ =	sdelay $0x3  }
0x9c: {  	_ =	strace s3  }
0x9d: {  	_ =	strace $0x8FFFFFFF  }
0x9e: {  	s18 =	sld [smem:$0x3FDB];
	_ =	sdelay $0x1  }
0x9f: {  	s19 =	simm.s32 $_scs_section_size  }
0xa0: {  	s5 =	simm.s32 $_size__tile_overlayer_lowered;
	s6 =	simm.s32 $_tile_overlayer_lowered  }
0xa1: {  	s22 =	simm.s32 $0x1BFF;
	s21 =	sshll.u32 s6, $0x1;
	s3 =	sadd.s32 s19, s18  }
0xa2: {  	s7 =	simm.s32 $0x0;
	s20 =	sshll.u32 s5, $0x1;
	s5 =	sadd.s32 s21, s3  }
0xa3: {  	[timem:s7], [sflag:s22] =	dma.local [hbm:s5], s20  }
0xa4: {  	_ =	swait.ge [sflag:s22], s20  }
0xa5: {  	s4 =	ssub.s32 $0x0, s20;
	[sflag:s22] =	ssyncset.done $0x0  }
0xa6: {  	[sflag:s22] =	ssyncadd.s32 s4;
	_ =	sdelay $0x1  }
0xa7: {  	s23 =	simm.s32 $0x1B8B  }
0xa8: {  	_ =	swait.ge [sflag:s23], $0x1  }
0xa9: {  	[sflag:s23] =	ssyncset.done $0x0  }
0xaa: {  	s25 =	simm.s32 $0x1B8E;
	s24 =	sld [smem:$0x3FFE];
	[sflag:s23] =	ssyncadd.s32 $0xFFFFFFFF  }
0xab: {  	s26 =	simm.s32 $execute0_lowered;
	[smem:$0x3FD2] =	sst s25  }
0xac: {  	s5 =	sshll.u32 s26, $0x1;
	_ =	strace $0x80000046;
	[dreg:$0x1] =	wrdreg $0xFFFFFFFF  }
0xad: {  	s28 =	simm.s32 $_size_execute0_lowered;
	s3 =	sadd.s32 s3, s5;
	[dreg:$0x0] =	wrdreg $0x0  }
0xae: {  	s5 =	sshll.u32 s28, $0x1;
	[dreg:$0x2] =	wrdreg s3  }
0xaf: {  	[dreg:$0x3] =	wrdreg s5  }
0xb0: {  	[dreg:$0x4] =	wrdreg $0xC0  }
0xb1: {  	_ =	task [dreg:s7], $0x5FFFF  }
0xb2: {  	[dreg:$0x1] =	wrdreg $0xFFFFFFFF  }
0xb3: {  	[dreg:$0x0] =	wrdreg $0x60  }
0xb4: {  	[dreg:$0x2] =	wrdreg s24  }
0xb5: {  	[dreg:$0x3] =	wrdreg s16  }
0xb6: {  	[dreg:$0x4] =	wrdreg $0x30000  }
0xb7: {  	[dreg:$0x5] =	wrdreg $0x9  }
0xb8: {  	_ =	task.clear_ibuf [dreg:s7], $0x6FFFF;
	_ =	strace $0x90000046  }
0xb9: {  	s29 =	simm.s32 $0x9;
	_ =	strace $0x80000048  }
0xba: {  	_ =	swait.ge [sflag:s29], $0x1  }
0xbb: {  	[sflag:s29] =	ssyncadd.s32 $0xFFFFFFFF  }
0xbc: {  	_ =	strace $0x90000048  }
0xbd: {  	_ =	sfence  }
0xbe: {  	s30 =	sld [smem:$0x0];
	_ =	sdelay $0x2  }
0xbf: {  	s31 =	sshll.u32 s1, $0xD;
	s1 =	sshrl.u32 s1, $0x2  }
0xc0: {  	s3 =	sand.u32 $0x4000, s31;
	s1 =	sadd.s32 s1, s30  }
0xc1: {  	s0 =	sor.u32 s3, s0;
	s1 =	sshll.u32 s1, $0x11  }
0xc2: {  	s0 =	sor.u32 s1, s0  }
0xc3: {  	s0 =	sadd.s32 $0x8F2B, s0  }
0xc4: {  	[sflag:s0] =	ssyncadd.remote.s32 $0x1  }
0xc5: {  	_ =	sfence.sel $0xFFFF  }
0xc6: {  	[dreg:$0x0] =	wrdreg $0xFFFFFFFF;
	(pc) =	sbr.abs _section_cstart, $3  }
0xc7: {  	[dreg:$0x1] =	wrdreg $0xFFFFFFFF  }
0xc8: {  	_ =	task.clear_ibuf [dreg:s7], $0x2FFFF;
	_ =	strace $0x9FFFFFFF  }
0xc9: {  	(tm) =	ssettm $0x7FFFFFFF  }
tec
execute0_lowered:
.L_overlay_start_1:
0x0: {  	(tag) =	ssettag $0x1  }
0x1: {  	s6 =	rddreg [dreg:$0x0]  }
0x2: {  	s2 =	rddreg [dreg:$0x1]  }
0x3: {  	s0 =	srdreg.scid;
	s3 =	rddreg [dreg:$0x2];
	s4 =	simm.s32 $0x0  }
0x4: {  	s13 =	simm.s32 $0x80;
	s5 =	sand.u32 $0x1, s0;
	s0 =	stileid.u32  }
0x5: {  	s14 =	simm.s32 $0x0;
	[smem:$0x7FF] =	sst s4;
	s8 =	smul.u32 $0x2780, s0  }
0x6: {  	s1 =	sshll.u32 s5, $0x4;
	s9 =	smul.u32 $0x27800, s5;
	s5 =	ssub.s32 $0x2, s5  }
0x7: {  	s29 =	smul.u32 $0x9E00, s0;
	s31 =	sshll.u32 s0, $0x6;
	s1 =	sor.u32 s0, s1  }
0x8: {  	s11 =	sshrl.u32 s5, $0x1;
	s7 =	smul.u32 $0x500, s1;
	s1 =	rddreg [dreg:$0x3]  }
0x9: {  	_ =	strace $0x80000047;
	s10 =	sshrl.u32 s8, $0x3;
	s8 =	sadd.s32 s8, s9  }
0xa: {  	s11 =	ssub.s32 s5, s11;
	s30 =	sshrl.u32 s29, $0x2;
	s9 =	simm.s32 $0x1  }
0xb: {  	s10 =	sadd.s32 s10, s6;
	s8 =	sshrl.u32 s8, $0x3;
	s12 =	sadd.s32 s30, s3  }
0xc: {  	s7 =	sadd.s32 s7, s6;
	s8 =	sadd.s32 s8, s6;
	s6 =	sadd.s32 $0x16E00, s10  }
0xd: {  	s10 =	simm.s32 $0x2800;
	s12 =	sshrl.u32 s12, $0x3;
	s5 =	sadd.s32 $0x2E00, s7  }
0xe: {  	s7 =	sadd.s32 $0x1BE00, s8;
	s8 =	smax.u32 s11, $0x1;
	s11 =	sor.u32 $0x1C01, s31  }
.LBB2_1:
0xf: {  	[tilespmem:s4], [sflag:$0x1] =	stream.linear.gather [hbm4b:s5+s4], $0x2800, $0x38;
	[tilespmem:$0x5780] =	vst v63  }
0x10: {  	_ =	swait.ge [sflag:s9], $0x2800  }
0x11: {  	[sflag:s9] =	ssyncset.done $0x0  }
0x12: {  	[sflag:s9] =	ssyncadd.s32 $0xFFFFD800  }
0x13: {  	[tilespmem:s10], [sflag:$0x1] =	stream.linear.gather [hbm4b:s2+s4], $0x800, $0x38;
	[tilespmem:$0x5780] =	vst v63  }
0x14: {  	_ =	swait.ge [sflag:s9], $0x800  }
0x15: {  	[sflag:s9] =	ssyncset.done $0x0  }
0x16: {  	[sflag:s9] =	ssyncadd.s32 $0xFFFFF800  }
0x17: {  	[spmem:s12], [sflag:s11] =	dma.local [hbm:s6], $0x4F0  }
0x18: {  	_ =	swait.ge [sflag:s9], $0x4F0  }
0x19: {  	[sflag:s9] =	ssyncset.done $0x0  }
0x1a: {  	[sflag:s9] =	ssyncadd.s32 $0xFFFFFB10  }
0x1b: {  	s15 =	simm.s32 $0x0;
	[bflag:$0x0] =	sbarrier.arrive $0xFFFF  }
0x1c: {  	[spmem:s3] =	stream.indirect.scatter.add.f32 [tilespmem:s10], [sflag:$0x1], $0x10, s15, s13, $0xb8;
	[tilespmem:$0x5780] =	vst v63  }
0x1d: {  	_ =	swait.ge [sflag:s9], $0x800  }
0x1e: {  	s15 =	simm.s32 $0x200;
	[sflag:s9] =	ssyncset.done $0x0  }
.LBB2_2:
0x1f: {  	s16 =	sshra.s32 s15, $0x2;
	[sflag:s9] =	ssyncadd.s32 $0xFFFFF800;
	p0 =	sne.s32 s15, $0x9E00  }
0x20: {  	[spmem:s3] =	stream.indirect.scatter.add.f32 [tilespmem:s10], [sflag:$0x1], $0x10, s16, s13, $0xb8;
	[tilespmem:$0x5780] =	vst v63  }
.Ltmp0:
0x21: {  	_ = 	snop;
	(pc) =	sbr.rel @p0 .LBB2_2-.Ltmp0, $4  }
0x22: {  	_ = 	snop  }
0x23: {  	s15 =	sadd.s32 $0x200, s15  }
0x24: {  	_ =	swait.ge [sflag:s9], $0x800  }
0x25: {  	[sflag:s9] =	ssyncset.done $0x0  }
0x26: {  	s14 =	sadd.s32 $0x1, s14  }
0x27: {  	[sflag:s9] =	ssyncadd.s32 $0xFFFFF800;
	p0 =	sne.s32 s14, s8  }
.Ltmp1:
0x28: {  	[bflag:$0x0] =	sbarrier.arrive $0xFFFF;
	(pc) =	sbr.rel @p0 .LBB2_1-.Ltmp1, $4  }
0x29: {  	[hbm:s7], [sflag:s11] =	dma.local [spmem:s12], $0x4F0  }
0x2a: {  	_ =	swait.ge [sflag:s9], $0x4F0  }
0x2b: {  	[sflag:s9] =	ssyncset.done $0x0  }
0x2c: {  	[sflag:s9] =	ssyncadd.s32 $0xFFFFFB10  }
0x2d: {  	_ =	sfence.sel $0x180000  }
0x2e: {  	[bflag:$0x0] =	sbarrier.arrive $0xFFFF  }
0x2f: {  	p0 =	sne.s32 s0, $0x0;
	_ =	strace $0x90000047  }
0x30: {  	s0 =	sadd.s32 @!p0 $0x100000, s1;
	[bflag:$0x2] =	sbarrier.arrive $0xFFFF  }
0x31: {  	[sflag:s0] =	ssyncadd.tile.s32 @!p0 $0x1;
	_ =	shalt  }
.Lfunc_end2:
_tile_overlayer_lowered:
.L_overlay_start_2:
0x32: {  	(tag) =	ssettag $0x2  }
0x33: {  	s0 =	rddreg [dreg:$0x0];
	s2 =	stileid.u32  }
0x34: {  	s1 =	rddreg [dreg:$0x1];
	p0 =	sne.s32 s2, $0x0  }
0x35: {  	s3 =	rddreg [dreg:$0x2];
	[bflag:$0x3] =	sbarrier.arrive $0xFFFF;
	s2 =	simm.s32 @!p0 $0x1C01  }
0x36: {  	[timem:s3], [sflag:s2] =	dma.local @!p0 [hbm:s0], s1  }
0x37: {  	s0 =	simm.s32 @!p0 $0x1  }
0x38: {  	_ =	swait.ge @!p0 [sflag:s0], s1  }
0x39: {  	s1 =	ssub.s32 @!p0 $0x0, s1;
	[sflag:s0] =	ssyncset.done @!p0 $0x0  }
0x3a: {  	[sflag:s0] =	ssyncadd.s32 @!p0 s1  }
0x3b: {  	[bflag:$0x3] =	sbarrier.arrive $0xFFFF  }
0x3c: {  	_ =	shalt  }

</sc_bundles>
